<compile_context>
chip_gen: v7x
topology: tpu7x:2x2x1
jax: 0.10.2.dev20260603
libtpu: 0.0.44.dev20260713+nightly
codegen_flags: <defaults>
</compile_context>

<pallas_src>
import jax
import jax.numpy as jnp
from jax import lax
from jax.experimental import pallas as pl
from jax.experimental.pallas import tpu as pltpu
from jax.experimental.pallas import tpu_sc as plsc

E = 64
H = 1024
I = 512
T = 2048
B = 32
G = T // B + E
R = G * B

CHUNK_BLOCKS = (16, 48, 40, 16, 8)
assert sum(CHUNK_BLOCKS) == G
assert all((c * B // 32) % 8 == 0 for c in CHUNK_BLOCKS)

_SC_INFO = plsc.get_sparse_core_info()
NW = _SC_INFO.num_cores * _SC_INFO.num_subcores


def _sc_mesh():
    return plsc.VectorSubcoreMesh(core_axis_name="c", subcore_axis_name="s")


def _wid():
    return lax.axis_index("s") * _SC_INFO.num_cores + lax.axis_index("c")


def _make_gather(rows):
    rpw = rows // NW

    def body(hs_hbm, idx_hbm, out_hbm, idx_v, buf, sem):
        base = _wid() * rpw
        pltpu.sync_copy(idx_hbm.at[pl.ds(base, rpw)], idx_v)
        pltpu.async_copy(hs_hbm.at[idx_v], buf, sem).wait()
        pltpu.sync_copy(buf, out_hbm.at[pl.ds(base, rpw)])

    return pl.kernel(
        body,
        mesh=_sc_mesh(),
        out_type=jax.ShapeDtypeStruct((rows, H), jnp.float32),
        scratch_types=[
            pltpu.VMEM((rpw,), jnp.int32),
            pltpu.VMEM((rpw, H), jnp.float32),
            pltpu.SemaphoreType.DMA,
        ],
    )


def _make_scatter(rows):
    rpw = rows // NW

    def body(y_hbm, idx_hbm, out_hbm, idx_v, buf, sem):
        base = _wid() * rpw
        pltpu.sync_copy(idx_hbm.at[pl.ds(base, rpw)], idx_v)
        pltpu.sync_copy(y_hbm.at[pl.ds(base, rpw)], buf)
        pltpu.async_copy(buf, out_hbm.at[idx_v], sem).wait()

    return pl.kernel(
        body,
        mesh=_sc_mesh(),
        out_type=(),
        scratch_types=[
            pltpu.VMEM((rpw,), jnp.int32),
            pltpu.VMEM((rpw, H), jnp.float32),
            pltpu.SemaphoreType.DMA,
        ],
    )


def _mm_body(bte_ref, x_ref, w_ref, gate_ref, up_ref, dp0_ref, dp1_ref, o_ref):
    x = x_ref[...]
    gate = lax.dot_general(
        x, gate_ref[0],
        (((1,), (1,)), ((), ())),
        preferred_element_type=jnp.float32,
    )
    up = lax.dot_general(
        x, up_ref[0],
        (((1,), (1,)), ((), ())),
        preferred_element_type=jnp.float32,
    )
    act = gate * jax.nn.sigmoid(gate) * up
    y0 = lax.dot_general(
        act, dp0_ref[0],
        (((1,), (1,)), ((), ())),
        preferred_element_type=jnp.float32,
    )
    y1 = lax.dot_general(
        act, dp1_ref[0],
        (((1,), (1,)), ((), ())),
        preferred_element_type=jnp.float32,
    )
    y = jnp.concatenate([y0, y1], axis=1)
    o_ref[...] = y * w_ref[0, 0][:, None]


def _tc_grouped_matmul(nblk, x_chunk, w_pad, gate_up_proj, down_proj, bte):
    grid_spec = pltpu.PrefetchScalarGridSpec(
        num_scalar_prefetch=1,
        grid=(nblk,),
        in_specs=[
            pl.BlockSpec((B, H), lambda g, bte: (g, 0)),
            pl.BlockSpec((1, 1, B), lambda g, bte: (g, 0, 0)),
            pl.BlockSpec((1, I, H), lambda g, bte: (bte[g], 0, 0)),
            pl.BlockSpec((1, I, H), lambda g, bte: (bte[g], 1, 0)),
            pl.BlockSpec((1, H // 2, I), lambda g, bte: (bte[g], 0, 0)),
            pl.BlockSpec((1, H // 2, I), lambda g, bte: (bte[g], 1, 0)),
        ],
        out_specs=pl.BlockSpec((B, H), lambda g, bte: (g, 0)),
    )
    return pl.pallas_call(
        _mm_body,
        grid_spec=grid_spec,
        out_shape=jax.ShapeDtypeStruct((nblk * B, H), jnp.float32),
    )(bte, x_chunk, w_pad, gate_up_proj, gate_up_proj, down_proj, down_proj)


@jax.jit
def kernel(hidden_states, top_k_index, top_k_weights, gate_up_proj, down_proj):
    e = top_k_index[:, 0].astype(jnp.int32)
    w = top_k_weights[:, 0]

    onehot = (e[:, None] == jnp.arange(E, dtype=jnp.int32)[None, :]).astype(
        jnp.int32)
    csum = jnp.cumsum(onehot, axis=0)
    counts = csum[-1]
    rank = jnp.sum(csum * onehot, axis=1) - 1

    blocks_per_e = (counts + B - 1) // B
    blocks_end = jnp.cumsum(blocks_per_e)
    blocks_start = blocks_end - blocks_per_e

    start_of_tok = jnp.sum(onehot * blocks_start[None, :], axis=1)
    slot = start_of_tok * B + rank

    tok = jnp.arange(T, dtype=jnp.int32)
    gather_ids = jnp.zeros((R,), jnp.int32).at[slot].set(tok)
    w_pad = jnp.zeros((R,), jnp.float32).at[slot].set(w).reshape(G, 1, B)

    bte = jnp.minimum(
        jnp.sum((jnp.arange(G, dtype=jnp.int32)[:, None]
                 >= blocks_end[None, :]).astype(jnp.int32), axis=1),
        E - 1)

    rank2d = (jnp.arange(R, dtype=jnp.int32).reshape(G, B)
              - (blocks_start[bte] * B)[:, None])
    real2d = rank2d < counts[bte][:, None]
    scatter_ids = jnp.where(real2d, gather_ids.reshape(G, B), T).reshape(R)

    out_ref = jax.new_ref(jnp.zeros((T + 8, H), jnp.float32))

    b0 = 0
    for nblk in CHUNK_BLOCKS:
        rows = nblk * B
        r0 = b0 * B
        x_c = _make_gather(rows)(
            hidden_states, lax.dynamic_slice_in_dim(gather_ids, r0, rows))
        y_c = _tc_grouped_matmul(
            nblk, x_c,
            lax.dynamic_slice_in_dim(w_pad, b0, nblk),
            gate_up_proj, down_proj,
            lax.dynamic_slice_in_dim(bte, b0, nblk))
        _make_scatter(rows)(
            y_c, lax.dynamic_slice_in_dim(scatter_ids, r0, rows), out_ref)
        b0 += nblk

    return out_ref[...][:T]

# --- scband reference (transcript-rebuilt; emitter-appended) ---
"""Pipeline reference for scband-experts-33758442947147 (READ-ONLY COPY).

The authoritative reference and input builder live on the scoring server;
editing this copy changes nothing except your own understanding.
"""

import jax, jax.numpy as jnp
import numpy as np

NUM_EXPERTS = 64
HIDDEN = 1024
INTERMEDIATE = 512
TOKENS = 2048
TOP_K = 1


def setup_inputs(seed=0) -> dict:
    key = jax.random.key(seed)
    k1, k2, k3, k4, k5 = jax.random.split(key, 5)
    hidden_states = jax.random.normal(k1, (TOKENS, HIDDEN), dtype=jnp.float32)
    top_k_index = jax.random.randint(k2, (TOKENS, TOP_K), 0, NUM_EXPERTS, dtype=jnp.int32)
    top_k_weights = jax.random.uniform(k3, (TOKENS, TOP_K), dtype=jnp.float32)
    gate_up_proj = jax.random.normal(k4, (NUM_EXPERTS, 2 * INTERMEDIATE, HIDDEN), dtype=jnp.float32) * 0.02
    down_proj = jax.random.normal(k5, (NUM_EXPERTS, HIDDEN, INTERMEDIATE), dtype=jnp.float32) * 0.02
    return {
        "hidden_states": hidden_states,
        "top_k_index": top_k_index,
        "top_k_weights": top_k_weights,
        "gate_up_proj": gate_up_proj,
        "down_proj": down_proj,
    }


def reference(hidden_states, top_k_index, top_k_weights, gate_up_proj, down_proj):
    # Faithful port of the per-expert F.linear loop with index_add_ accumulation.
    # expert_mask = one_hot(top_k_index)[T,K,E] -> permute(2,1,0) -> [E,K,T];
    # routing expressed as fixed-shape masked weighting: each token contributes
    # to expert e with weight sum_k where(top_k_index[:,k]==e, top_k_weights[:,k], 0).
    final_hidden_states = jnp.zeros_like(hidden_states)
    for expert_idx in range(NUM_EXPERTS):
        expert_mask = top_k_index == expert_idx  # [T, K]
        token_weight = jnp.sum(
            jnp.where(expert_mask, top_k_weights, jnp.zeros_like(top_k_weights)),
            axis=-1,
        )  # [T]
        current_state = hidden_states
        gu = current_state @ gate_up_proj[expert_idx].T
        gate, up = jnp.split(gu, 2, axis=-1)
        current_hidden_states = jax.nn.silu(gate) * up
        current_hidden_states = current_hidden_states @ down_proj[expert_idx].T
        current_hidden_states = current_hidden_states * token_weight[:, None]
        final_hidden_states = final_hidden_states + current_hidden_states
    return final_hidden_states

if __name__ == "__main__":
    import jax
    _d = setup_inputs()
    print(jax.jit(kernel)(*tuple(_d.values())))

</pallas_src>

<mosaic_0001>
#map = affine_map<(d0, d1) -> (0, 0)>
#map1 = affine_map<(d0, d1) -> (0)>
module attributes {stable_mosaic.version = 14 : i64} {
  func.func @body(%arg0: i32, %arg1: i32, %arg2: memref<2048x1024xf32, #tpu.memory_space<hbm>>, %arg3: memref<1536xi32, #tpu.memory_space<hbm>>, %arg4: memref<1536x1024xf32, #tpu.memory_space<hbm>>, %arg5: memref<48xi32, #tpu.memory_space<vmem>>, %arg6: memref<48x1024xf32, #tpu.memory_space<vmem>>, %arg7: memref<!tpu.dma_semaphore, #tpu.memory_space<semaphore_mem>>) attributes {dimension_semantics = [#tpu.dimension_semantics<core_parallel>, #tpu.dimension_semantics<subcore_parallel>], iteration_bounds = array<i64: 2, 16>, scalar_prefetch = 0 : i64, scratch_operands = 3 : i64, tpu.core_type = #tpu.core_type<sc_vector_subcore>, window_params = [{transform_indices = #map}, {transform_indices = #map1}, {transform_indices = #map}]} {
    %mul3A = arith.constant 2 : i32
    %mul3A_0 = arith.muli %arg1, %mul3A : i32
    %add3A = arith.addi %mul3A_0, %arg0 : i32
    %mul3A_1 = arith.constant 48 : i32
    %mul3A_2 = arith.muli %add3A, %mul3A_1 : i32
    "tpu.region"() ({
      %run_scoped3A = tpu.sem_alloc : memref<!tpu.dma_semaphore, #tpu.memory_space<semaphore_mem>>
      %dma_start3A_7 = tpu.memref_slice %arg3[%mul3A_2] : memref<1536xi32, #tpu.memory_space<hbm>> -> memref<48xi32, #tpu.memory_space<hbm>>
      %dma_start3A_8 = tpu.memref_slice %arg3[%mul3A_2] : memref<1536xi32, #tpu.memory_space<hbm>> -> memref<48xi32, #tpu.memory_space<hbm>>
      tpu.enqueue_dma source(%dma_start3A_8 : memref<48xi32, #tpu.memory_space<hbm>>) target(%arg5 : memref<48xi32, #tpu.memory_space<vmem>>) target_semaphore(%run_scoped3A : memref<!tpu.dma_semaphore, #tpu.memory_space<semaphore_mem>>)
      %dma_wait3A_9 = tpu.memref_slice %arg3[%mul3A_2] : memref<1536xi32, #tpu.memory_space<hbm>> -> memref<48xi32, #tpu.memory_space<hbm>>
      %dma_wait3A_10 = tpu.memref_slice %arg3[%mul3A_2] : memref<1536xi32, #tpu.memory_space<hbm>> -> memref<48xi32, #tpu.memory_space<hbm>>
      tpu.wait_dma2 semaphore(%run_scoped3A : memref<!tpu.dma_semaphore, #tpu.memory_space<semaphore_mem>>) src(%dma_wait3A_10 : memref<48xi32, #tpu.memory_space<hbm>>) dst(%arg5 : memref<48xi32, #tpu.memory_space<vmem>>)
      tpu.yield
    }) : () -> ()
    %dma_start3A = arith.constant 0 : i32
    %dma_start3A_3 = arith.constant 0 : i32
    %dma_start3A_4 = tpu.memref_slice %arg2[%dma_start3A, %dma_start3A_3] : memref<2048x1024xf32, #tpu.memory_space<hbm>> -> memref<2048x1024xf32, #tpu.memory_space<hbm>>
    tpu.enqueue_indirect_dma source(%dma_start3A_4 : memref<2048x1024xf32, #tpu.memory_space<hbm>>) target(%arg6 : memref<48x1024xf32, #tpu.memory_space<vmem>>) offsets(%arg5 : memref<48xi32, #tpu.memory_space<vmem>>) semaphore(%arg7 : memref<!tpu.dma_semaphore, #tpu.memory_space<semaphore_mem>>)
    %dma_wait3A = arith.constant 0 : i32
    %dma_wait3A_5 = arith.constant 0 : i32
    %dma_wait3A_6 = tpu.memref_slice %arg2[%dma_wait3A, %dma_wait3A_5] : memref<2048x1024xf32, #tpu.memory_space<hbm>> -> memref<2048x1024xf32, #tpu.memory_space<hbm>>
    tpu.wait_indirect_dma semaphore(%arg7 : memref<!tpu.dma_semaphore, #tpu.memory_space<semaphore_mem>>) src(%dma_wait3A_6 : memref<2048x1024xf32, #tpu.memory_space<hbm>>) dst(%arg6 : memref<48x1024xf32, #tpu.memory_space<vmem>>)
    "tpu.region"() ({
      %run_scoped3A = tpu.sem_alloc : memref<!tpu.dma_semaphore, #tpu.memory_space<semaphore_mem>>
      %dma_start3A_7 = arith.constant 0 : i32
      %dma_start3A_8 = tpu.memref_slice %arg4[%mul3A_2, %dma_start3A_7] : memref<1536x1024xf32, #tpu.memory_space<hbm>> -> memref<48x1024xf32, #tpu.memory_space<hbm>>
      %dma_start3A_9 = arith.constant 0 : i32
      %dma_start3A_10 = tpu.memref_slice %arg4[%mul3A_2, %dma_start3A_9] : memref<1536x1024xf32, #tpu.memory_space<hbm>> -> memref<48x1024xf32, #tpu.memory_space<hbm>>
      tpu.enqueue_dma source(%arg6 : memref<48x1024xf32, #tpu.memory_space<vmem>>) target(%dma_start3A_10 : memref<48x1024xf32, #tpu.memory_space<hbm>>) target_semaphore(%run_scoped3A : memref<!tpu.dma_semaphore, #tpu.memory_space<semaphore_mem>>)
      %dma_wait3A_11 = arith.constant 0 : i32
      %dma_wait3A_12 = tpu.memref_slice %arg4[%mul3A_2, %dma_wait3A_11] : memref<1536x1024xf32, #tpu.memory_space<hbm>> -> memref<48x1024xf32, #tpu.memory_space<hbm>>
      %dma_wait3A_13 = arith.constant 0 : i32
      %dma_wait3A_14 = tpu.memref_slice %arg4[%mul3A_2, %dma_wait3A_13] : memref<1536x1024xf32, #tpu.memory_space<hbm>> -> memref<48x1024xf32, #tpu.memory_space<hbm>>
      tpu.wait_dma2 semaphore(%run_scoped3A : memref<!tpu.dma_semaphore, #tpu.memory_space<semaphore_mem>>) src(%arg6 : memref<48x1024xf32, #tpu.memory_space<vmem>>) dst(%dma_wait3A_14 : memref<48x1024xf32, #tpu.memory_space<hbm>>)
      tpu.yield
    }) : () -> ()
    return
  }
}

#map = affine_map<(d0, d1) -> (0, 0)>
#map1 = affine_map<(d0, d1) -> (0)>
module attributes {stable_mosaic.version = 14 : i64} {
  func.func @body(%arg0: i32, %arg1: i32, %arg2: memref<2048x1024xf32, #tpu.memory_space<hbm>>, %arg3: memref<512xi32, #tpu.memory_space<hbm>>, %arg4: memref<512x1024xf32, #tpu.memory_space<hbm>>, %arg5: memref<16xi32, #tpu.memory_space<vmem>>, %arg6: memref<16x1024xf32, #tpu.memory_space<vmem>>, %arg7: memref<!tpu.dma_semaphore, #tpu.memory_space<semaphore_mem>>) attributes {dimension_semantics = [#tpu.dimension_semantics<core_parallel>, #tpu.dimension_semantics<subcore_parallel>], iteration_bounds = array<i64: 2, 16>, scalar_prefetch = 0 : i64, scratch_operands = 3 : i64, tpu.core_type = #tpu.core_type<sc_vector_subcore>, window_params = [{transform_indices = #map}, {transform_indices = #map1}, {transform_indices = #map}]} {
    %mul3A = arith.constant 2 : i32
    %mul3A_0 = arith.muli %arg1, %mul3A : i32
    %add3A = arith.addi %mul3A_0, %arg0 : i32
    %mul3A_1 = arith.constant 16 : i32
    %mul3A_2 = arith.muli %add3A, %mul3A_1 : i32
    "tpu.region"() ({
      %run_scoped3A = tpu.sem_alloc : memref<!tpu.dma_semaphore, #tpu.memory_space<semaphore_mem>>
      %dma_start3A_7 = tpu.memref_slice %arg3[%mul3A_2] : memref<512xi32, #tpu.memory_space<hbm>> -> memref<16xi32, #tpu.memory_space<hbm>>
      %dma_start3A_8 = tpu.memref_slice %arg3[%mul3A_2] : memref<512xi32, #tpu.memory_space<hbm>> -> memref<16xi32, #tpu.memory_space<hbm>>
      tpu.enqueue_dma source(%dma_start3A_8 : memref<16xi32, #tpu.memory_space<hbm>>) target(%arg5 : memref<16xi32, #tpu.memory_space<vmem>>) target_semaphore(%run_scoped3A : memref<!tpu.dma_semaphore, #tpu.memory_space<semaphore_mem>>)
      %dma_wait3A_9 = tpu.memref_slice %arg3[%mul3A_2] : memref<512xi32, #tpu.memory_space<hbm>> -> memref<16xi32, #tpu.memory_space<hbm>>
      %dma_wait3A_10 = tpu.memref_slice %arg3[%mul3A_2] : memref<512xi32, #tpu.memory_space<hbm>> -> memref<16xi32, #tpu.memory_space<hbm>>
      tpu.wait_dma2 semaphore(%run_scoped3A : memref<!tpu.dma_semaphore, #tpu.memory_space<semaphore_mem>>) src(%dma_wait3A_10 : memref<16xi32, #tpu.memory_space<hbm>>) dst(%arg5 : memref<16xi32, #tpu.memory_space<vmem>>)
      tpu.yield
    }) : () -> ()
    %dma_start3A = arith.constant 0 : i32
    %dma_start3A_3 = arith.constant 0 : i32
    %dma_start3A_4 = tpu.memref_slice %arg2[%dma_start3A, %dma_start3A_3] : memref<2048x1024xf32, #tpu.memory_space<hbm>> -> memref<2048x1024xf32, #tpu.memory_space<hbm>>
    tpu.enqueue_indirect_dma source(%dma_start3A_4 : memref<2048x1024xf32, #tpu.memory_space<hbm>>) target(%arg6 : memref<16x1024xf32, #tpu.memory_space<vmem>>) offsets(%arg5 : memref<16xi32, #tpu.memory_space<vmem>>) semaphore(%arg7 : memref<!tpu.dma_semaphore, #tpu.memory_space<semaphore_mem>>)
    %dma_wait3A = arith.constant 0 : i32
    %dma_wait3A_5 = arith.constant 0 : i32
    %dma_wait3A_6 = tpu.memref_slice %arg2[%dma_wait3A, %dma_wait3A_5] : memref<2048x1024xf32, #tpu.memory_space<hbm>> -> memref<2048x1024xf32, #tpu.memory_space<hbm>>
    tpu.wait_indirect_dma semaphore(%arg7 : memref<!tpu.dma_semaphore, #tpu.memory_space<semaphore_mem>>) src(%dma_wait3A_6 : memref<2048x1024xf32, #tpu.memory_space<hbm>>) dst(%arg6 : memref<16x1024xf32, #tpu.memory_space<vmem>>)
    "tpu.region"() ({
      %run_scoped3A = tpu.sem_alloc : memref<!tpu.dma_semaphore, #tpu.memory_space<semaphore_mem>>
      %dma_start3A_7 = arith.constant 0 : i32
      %dma_start3A_8 = tpu.memref_slice %arg4[%mul3A_2, %dma_start3A_7] : memref<512x1024xf32, #tpu.memory_space<hbm>> -> memref<16x1024xf32, #tpu.memory_space<hbm>>
      %dma_start3A_9 = arith.constant 0 : i32
      %dma_start3A_10 = tpu.memref_slice %arg4[%mul3A_2, %dma_start3A_9] : memref<512x1024xf32, #tpu.memory_space<hbm>> -> memref<16x1024xf32, #tpu.memory_space<hbm>>
      tpu.enqueue_dma source(%arg6 : memref<16x1024xf32, #tpu.memory_space<vmem>>) target(%dma_start3A_10 : memref<16x1024xf32, #tpu.memory_space<hbm>>) target_semaphore(%run_scoped3A : memref<!tpu.dma_semaphore, #tpu.memory_space<semaphore_mem>>)
      %dma_wait3A_11 = arith.constant 0 : i32
      %dma_wait3A_12 = tpu.memref_slice %arg4[%mul3A_2, %dma_wait3A_11] : memref<512x1024xf32, #tpu.memory_space<hbm>> -> memref<16x1024xf32, #tpu.memory_space<hbm>>
      %dma_wait3A_13 = arith.constant 0 : i32
      %dma_wait3A_14 = tpu.memref_slice %arg4[%mul3A_2, %dma_wait3A_13] : memref<512x1024xf32, #tpu.memory_space<hbm>> -> memref<16x1024xf32, #tpu.memory_space<hbm>>
      tpu.wait_dma2 semaphore(%run_scoped3A : memref<!tpu.dma_semaphore, #tpu.memory_space<semaphore_mem>>) src(%arg6 : memref<16x1024xf32, #tpu.memory_space<vmem>>) dst(%dma_wait3A_14 : memref<16x1024xf32, #tpu.memory_space<hbm>>)
      tpu.yield
    }) : () -> ()
    return
  }
}

#map = affine_map<(d0, d1) -> (0, 0)>
#map1 = affine_map<(d0, d1) -> (0)>
module attributes {stable_mosaic.version = 14 : i64} {
  func.func @new_body(%arg0: i32, %arg1: i32, %arg2: memref<512x1024xf32, #tpu.memory_space<hbm>>, %arg3: memref<512xi32, #tpu.memory_space<hbm>>, %arg4: memref<2056x1024xf32, #tpu.memory_space<hbm>>, %arg5: memref<2056x1024xf32, #tpu.memory_space<hbm>>, %arg6: memref<16xi32, #tpu.memory_space<vmem>>, %arg7: memref<16x1024xf32, #tpu.memory_space<vmem>>, %arg8: memref<!tpu.dma_semaphore, #tpu.memory_space<semaphore_mem>>) attributes {dimension_semantics = [#tpu.dimension_semantics<core_parallel>, #tpu.dimension_semantics<subcore_parallel>], iteration_bounds = array<i64: 2, 16>, scalar_prefetch = 0 : i64, scratch_operands = 3 : i64, tpu.core_type = #tpu.core_type<sc_vector_subcore>, window_params = [{transform_indices = #map}, {transform_indices = #map1}, {transform_indices = #map}, {transform_indices = #map}]} {
    %mul3A = arith.constant 2 : i32
    %mul3A_0 = arith.muli %arg1, %mul3A : i32
    %add3A = arith.addi %mul3A_0, %arg0 : i32
    %mul3A_1 = arith.constant 16 : i32
    %mul3A_2 = arith.muli %add3A, %mul3A_1 : i32
    "tpu.region"() ({
      %run_scoped3A = tpu.sem_alloc : memref<!tpu.dma_semaphore, #tpu.memory_space<semaphore_mem>>
      %dma_start3A_7 = tpu.memref_slice %arg3[%mul3A_2] : memref<512xi32, #tpu.memory_space<hbm>> -> memref<16xi32, #tpu.memory_space<hbm>>
      %dma_start3A_8 = tpu.memref_slice %arg3[%mul3A_2] : memref<512xi32, #tpu.memory_space<hbm>> -> memref<16xi32, #tpu.memory_space<hbm>>
      tpu.enqueue_dma source(%dma_start3A_8 : memref<16xi32, #tpu.memory_space<hbm>>) target(%arg6 : memref<16xi32, #tpu.memory_space<vmem>>) target_semaphore(%run_scoped3A : memref<!tpu.dma_semaphore, #tpu.memory_space<semaphore_mem>>)
      %dma_wait3A_9 = tpu.memref_slice %arg3[%mul3A_2] : memref<512xi32, #tpu.memory_space<hbm>> -> memref<16xi32, #tpu.memory_space<hbm>>
      %dma_wait3A_10 = tpu.memref_slice %arg3[%mul3A_2] : memref<512xi32, #tpu.memory_space<hbm>> -> memref<16xi32, #tpu.memory_space<hbm>>
      tpu.wait_dma2 semaphore(%run_scoped3A : memref<!tpu.dma_semaphore, #tpu.memory_space<semaphore_mem>>) src(%dma_wait3A_10 : memref<16xi32, #tpu.memory_space<hbm>>) dst(%arg6 : memref<16xi32, #tpu.memory_space<vmem>>)
      tpu.yield
    }) : () -> ()
    "tpu.region"() ({
      %run_scoped3A = tpu.sem_alloc : memref<!tpu.dma_semaphore, #tpu.memory_space<semaphore_mem>>
      %dma_start3A_7 = arith.constant 0 : i32
      %dma_start3A_8 = tpu.memref_slice %arg2[%mul3A_2, %dma_start3A_7] : memref<512x1024xf32, #tpu.memory_space<hbm>> -> memref<16x1024xf32, #tpu.memory_space<hbm>>
      %dma_start3A_9 = arith.constant 0 : i32
      %dma_start3A_10 = tpu.memref_slice %arg2[%mul3A_2, %dma_start3A_9] : memref<512x1024xf32, #tpu.memory_space<hbm>> -> memref<16x1024xf32, #tpu.memory_space<hbm>>
      tpu.enqueue_dma source(%dma_start3A_10 : memref<16x1024xf32, #tpu.memory_space<hbm>>) target(%arg7 : memref<16x1024xf32, #tpu.memory_space<vmem>>) target_semaphore(%run_scoped3A : memref<!tpu.dma_semaphore, #tpu.memory_space<semaphore_mem>>)
      %dma_wait3A_11 = arith.constant 0 : i32
      %dma_wait3A_12 = tpu.memref_slice %arg2[%mul3A_2, %dma_wait3A_11] : memref<512x1024xf32, #tpu.memory_space<hbm>> -> memref<16x1024xf32, #tpu.memory_space<hbm>>
      %dma_wait3A_13 = arith.constant 0 : i32
      %dma_wait3A_14 = tpu.memref_slice %arg2[%mul3A_2, %dma_wait3A_13] : memref<512x1024xf32, #tpu.memory_space<hbm>> -> memref<16x1024xf32, #tpu.memory_space<hbm>>
      tpu.wait_dma2 semaphore(%run_scoped3A : memref<!tpu.dma_semaphore, #tpu.memory_space<semaphore_mem>>) src(%dma_wait3A_14 : memref<16x1024xf32, #tpu.memory_space<hbm>>) dst(%arg7 : memref<16x1024xf32, #tpu.memory_space<vmem>>)
      tpu.yield
    }) : () -> ()
    %dma_start3A = arith.constant 0 : i32
    %dma_start3A_3 = arith.constant 0 : i32
    %dma_start3A_4 = tpu.memref_slice %arg4[%dma_start3A, %dma_start3A_3] : memref<2056x1024xf32, #tpu.memory_space<hbm>> -> memref<2056x1024xf32, #tpu.memory_space<hbm>>
    tpu.enqueue_indirect_dma source(%arg7 : memref<16x1024xf32, #tpu.memory_space<vmem>>) target(%dma_start3A_4 : memref<2056x1024xf32, #tpu.memory_space<hbm>>) offsets(%arg6 : memref<16xi32, #tpu.memory_space<vmem>>) semaphore(%arg8 : memref<!tpu.dma_semaphore, #tpu.memory_space<semaphore_mem>>)
    %dma_wait3A = arith.constant 0 : i32
    %dma_wait3A_5 = arith.constant 0 : i32
    %dma_wait3A_6 = tpu.memref_slice %arg4[%dma_wait3A, %dma_wait3A_5] : memref<2056x1024xf32, #tpu.memory_space<hbm>> -> memref<2056x1024xf32, #tpu.memory_space<hbm>>
    tpu.wait_indirect_dma semaphore(%arg8 : memref<!tpu.dma_semaphore, #tpu.memory_space<semaphore_mem>>) src(%arg7 : memref<16x1024xf32, #tpu.memory_space<vmem>>) dst(%dma_wait3A_6 : memref<2056x1024xf32, #tpu.memory_space<hbm>>)
    return
  }
}

#map = affine_map<(d0, d1) -> (0, 0)>
#map1 = affine_map<(d0, d1) -> (0)>
module attributes {stable_mosaic.version = 14 : i64} {
  func.func @body(%arg0: i32, %arg1: i32, %arg2: memref<2048x1024xf32, #tpu.memory_space<hbm>>, %arg3: memref<1280xi32, #tpu.memory_space<hbm>>, %arg4: memref<1280x1024xf32, #tpu.memory_space<hbm>>, %arg5: memref<40xi32, #tpu.memory_space<vmem>>, %arg6: memref<40x1024xf32, #tpu.memory_space<vmem>>, %arg7: memref<!tpu.dma_semaphore, #tpu.memory_space<semaphore_mem>>) attributes {dimension_semantics = [#tpu.dimension_semantics<core_parallel>, #tpu.dimension_semantics<subcore_parallel>], iteration_bounds = array<i64: 2, 16>, scalar_prefetch = 0 : i64, scratch_operands = 3 : i64, tpu.core_type = #tpu.core_type<sc_vector_subcore>, window_params = [{transform_indices = #map}, {transform_indices = #map1}, {transform_indices = #map}]} {
    %mul3A = arith.constant 2 : i32
    %mul3A_0 = arith.muli %arg1, %mul3A : i32
    %add3A = arith.addi %mul3A_0, %arg0 : i32
    %mul3A_1 = arith.constant 40 : i32
    %mul3A_2 = arith.muli %add3A, %mul3A_1 : i32
    "tpu.region"() ({
      %run_scoped3A = tpu.sem_alloc : memref<!tpu.dma_semaphore, #tpu.memory_space<semaphore_mem>>
      %dma_start3A_7 = tpu.memref_slice %arg3[%mul3A_2] : memref<1280xi32, #tpu.memory_space<hbm>> -> memref<40xi32, #tpu.memory_space<hbm>>
      %dma_start3A_8 = tpu.memref_slice %arg3[%mul3A_2] : memref<1280xi32, #tpu.memory_space<hbm>> -> memref<40xi32, #tpu.memory_space<hbm>>
      tpu.enqueue_dma source(%dma_start3A_8 : memref<40xi32, #tpu.memory_space<hbm>>) target(%arg5 : memref<40xi32, #tpu.memory_space<vmem>>) target_semaphore(%run_scoped3A : memref<!tpu.dma_semaphore, #tpu.memory_space<semaphore_mem>>)
      %dma_wait3A_9 = tpu.memref_slice %arg3[%mul3A_2] : memref<1280xi32, #tpu.memory_space<hbm>> -> memref<40xi32, #tpu.memory_space<hbm>>
      %dma_wait3A_10 = tpu.memref_slice %arg3[%mul3A_2] : memref<1280xi32, #tpu.memory_space<hbm>> -> memref<40xi32, #tpu.memory_space<hbm>>
      tpu.wait_dma2 semaphore(%run_scoped3A : memref<!tpu.dma_semaphore, #tpu.memory_space<semaphore_mem>>) src(%dma_wait3A_10 : memref<40xi32, #tpu.memory_space<hbm>>) dst(%arg5 : memref<40xi32, #tpu.memory_space<vmem>>)
      tpu.yield
    }) : () -> ()
    %dma_start3A = arith.constant 0 : i32
    %dma_start3A_3 = arith.constant 0 : i32
    %dma_start3A_4 = tpu.memref_slice %arg2[%dma_start3A, %dma_start3A_3] : memref<2048x1024xf32, #tpu.memory_space<hbm>> -> memref<2048x1024xf32, #tpu.memory_space<hbm>>
    tpu.enqueue_indirect_dma source(%dma_start3A_4 : memref<2048x1024xf32, #tpu.memory_space<hbm>>) target(%arg6 : memref<40x1024xf32, #tpu.memory_space<vmem>>) offsets(%arg5 : memref<40xi32, #tpu.memory_space<vmem>>) semaphore(%arg7 : memref<!tpu.dma_semaphore, #tpu.memory_space<semaphore_mem>>)
    %dma_wait3A = arith.constant 0 : i32
    %dma_wait3A_5 = arith.constant 0 : i32
    %dma_wait3A_6 = tpu.memref_slice %arg2[%dma_wait3A, %dma_wait3A_5] : memref<2048x1024xf32, #tpu.memory_space<hbm>> -> memref<2048x1024xf32, #tpu.memory_space<hbm>>
    tpu.wait_indirect_dma semaphore(%arg7 : memref<!tpu.dma_semaphore, #tpu.memory_space<semaphore_mem>>) src(%dma_wait3A_6 : memref<2048x1024xf32, #tpu.memory_space<hbm>>) dst(%arg6 : memref<40x1024xf32, #tpu.memory_space<vmem>>)
    "tpu.region"() ({
      %run_scoped3A = tpu.sem_alloc : memref<!tpu.dma_semaphore, #tpu.memory_space<semaphore_mem>>
      %dma_start3A_7 = arith.constant 0 : i32
      %dma_start3A_8 = tpu.memref_slice %arg4[%mul3A_2, %dma_start3A_7] : memref<1280x1024xf32, #tpu.memory_space<hbm>> -> memref<40x1024xf32, #tpu.memory_space<hbm>>
      %dma_start3A_9 = arith.constant 0 : i32
      %dma_start3A_10 = tpu.memref_slice %arg4[%mul3A_2, %dma_start3A_9] : memref<1280x1024xf32, #tpu.memory_space<hbm>> -> memref<40x1024xf32, #tpu.memory_space<hbm>>
      tpu.enqueue_dma source(%arg6 : memref<40x1024xf32, #tpu.memory_space<vmem>>) target(%dma_start3A_10 : memref<40x1024xf32, #tpu.memory_space<hbm>>) target_semaphore(%run_scoped3A : memref<!tpu.dma_semaphore, #tpu.memory_space<semaphore_mem>>)
      %dma_wait3A_11 = arith.constant 0 : i32
      %dma_wait3A_12 = tpu.memref_slice %arg4[%mul3A_2, %dma_wait3A_11] : memref<1280x1024xf32, #tpu.memory_space<hbm>> -> memref<40x1024xf32, #tpu.memory_space<hbm>>
      %dma_wait3A_13 = arith.constant 0 : i32
      %dma_wait3A_14 = tpu.memref_slice %arg4[%mul3A_2, %dma_wait3A_13] : memref<1280x1024xf32, #tpu.memory_space<hbm>> -> memref<40x1024xf32, #tpu.memory_space<hbm>>
      tpu.wait_dma2 semaphore(%run_scoped3A : memref<!tpu.dma_semaphore, #tpu.memory_space<semaphore_mem>>) src(%arg6 : memref<40x1024xf32, #tpu.memory_space<vmem>>) dst(%dma_wait3A_14 : memref<40x1024xf32, #tpu.memory_space<hbm>>)
      tpu.yield
    }) : () -> ()
    return
  }
}

#map = affine_map<(d0, d1) -> (0, 0)>
#map1 = affine_map<(d0, d1) -> (0)>
module attributes {stable_mosaic.version = 14 : i64} {
  func.func @new_body(%arg0: i32, %arg1: i32, %arg2: memref<1536x1024xf32, #tpu.memory_space<hbm>>, %arg3: memref<1536xi32, #tpu.memory_space<hbm>>, %arg4: memref<2056x1024xf32, #tpu.memory_space<hbm>>, %arg5: memref<2056x1024xf32, #tpu.memory_space<hbm>>, %arg6: memref<48xi32, #tpu.memory_space<vmem>>, %arg7: memref<48x1024xf32, #tpu.memory_space<vmem>>, %arg8: memref<!tpu.dma_semaphore, #tpu.memory_space<semaphore_mem>>) attributes {dimension_semantics = [#tpu.dimension_semantics<core_parallel>, #tpu.dimension_semantics<subcore_parallel>], iteration_bounds = array<i64: 2, 16>, scalar_prefetch = 0 : i64, scratch_operands = 3 : i64, tpu.core_type = #tpu.core_type<sc_vector_subcore>, window_params = [{transform_indices = #map}, {transform_indices = #map1}, {transform_indices = #map}, {transform_indices = #map}]} {
    %mul3A = arith.constant 2 : i32
    %mul3A_0 = arith.muli %arg1, %mul3A : i32
    %add3A = arith.addi %mul3A_0, %arg0 : i32
    %mul3A_1 = arith.constant 48 : i32
    %mul3A_2 = arith.muli %add3A, %mul3A_1 : i32
    "tpu.region"() ({
      %run_scoped3A = tpu.sem_alloc : memref<!tpu.dma_semaphore, #tpu.memory_space<semaphore_mem>>
      %dma_start3A_7 = tpu.memref_slice %arg3[%mul3A_2] : memref<1536xi32, #tpu.memory_space<hbm>> -> memref<48xi32, #tpu.memory_space<hbm>>
      %dma_start3A_8 = tpu.memref_slice %arg3[%mul3A_2] : memref<1536xi32, #tpu.memory_space<hbm>> -> memref<48xi32, #tpu.memory_space<hbm>>
      tpu.enqueue_dma source(%dma_start3A_8 : memref<48xi32, #tpu.memory_space<hbm>>) target(%arg6 : memref<48xi32, #tpu.memory_space<vmem>>) target_semaphore(%run_scoped3A : memref<!tpu.dma_semaphore, #tpu.memory_space<semaphore_mem>>)
      %dma_wait3A_9 = tpu.memref_slice %arg3[%mul3A_2] : memref<1536xi32, #tpu.memory_space<hbm>> -> memref<48xi32, #tpu.memory_space<hbm>>
      %dma_wait3A_10 = tpu.memref_slice %arg3[%mul3A_2] : memref<1536xi32, #tpu.memory_space<hbm>> -> memref<48xi32, #tpu.memory_space<hbm>>
      tpu.wait_dma2 semaphore(%run_scoped3A : memref<!tpu.dma_semaphore, #tpu.memory_space<semaphore_mem>>) src(%dma_wait3A_10 : memref<48xi32, #tpu.memory_space<hbm>>) dst(%arg6 : memref<48xi32, #tpu.memory_space<vmem>>)
      tpu.yield
    }) : () -> ()
    "tpu.region"() ({
      %run_scoped3A = tpu.sem_alloc : memref<!tpu.dma_semaphore, #tpu.memory_space<semaphore_mem>>
      %dma_start3A_7 = arith.constant 0 : i32
      %dma_start3A_8 = tpu.memref_slice %arg2[%mul3A_2, %dma_start3A_7] : memref<1536x1024xf32, #tpu.memory_space<hbm>> -> memref<48x1024xf32, #tpu.memory_space<hbm>>
      %dma_start3A_9 = arith.constant 0 : i32
      %dma_start3A_10 = tpu.memref_slice %arg2[%mul3A_2, %dma_start3A_9] : memref<1536x1024xf32, #tpu.memory_space<hbm>> -> memref<48x1024xf32, #tpu.memory_space<hbm>>
      tpu.enqueue_dma source(%dma_start3A_10 : memref<48x1024xf32, #tpu.memory_space<hbm>>) target(%arg7 : memref<48x1024xf32, #tpu.memory_space<vmem>>) target_semaphore(%run_scoped3A : memref<!tpu.dma_semaphore, #tpu.memory_space<semaphore_mem>>)
      %dma_wait3A_11 = arith.constant 0 : i32
      %dma_wait3A_12 = tpu.memref_slice %arg2[%mul3A_2, %dma_wait3A_11] : memref<1536x1024xf32, #tpu.memory_space<hbm>> -> memref<48x1024xf32, #tpu.memory_space<hbm>>
      %dma_wait3A_13 = arith.constant 0 : i32
      %dma_wait3A_14 = tpu.memref_slice %arg2[%mul3A_2, %dma_wait3A_13] : memref<1536x1024xf32, #tpu.memory_space<hbm>> -> memref<48x1024xf32, #tpu.memory_space<hbm>>
      tpu.wait_dma2 semaphore(%run_scoped3A : memref<!tpu.dma_semaphore, #tpu.memory_space<semaphore_mem>>) src(%dma_wait3A_14 : memref<48x1024xf32, #tpu.memory_space<hbm>>) dst(%arg7 : memref<48x1024xf32, #tpu.memory_space<vmem>>)
      tpu.yield
    }) : () -> ()
    %dma_start3A = arith.constant 0 : i32
    %dma_start3A_3 = arith.constant 0 : i32
    %dma_start3A_4 = tpu.memref_slice %arg4[%dma_start3A, %dma_start3A_3] : memref<2056x1024xf32, #tpu.memory_space<hbm>> -> memref<2056x1024xf32, #tpu.memory_space<hbm>>
    tpu.enqueue_indirect_dma source(%arg7 : memref<48x1024xf32, #tpu.memory_space<vmem>>) target(%dma_start3A_4 : memref<2056x1024xf32, #tpu.memory_space<hbm>>) offsets(%arg6 : memref<48xi32, #tpu.memory_space<vmem>>) semaphore(%arg8 : memref<!tpu.dma_semaphore, #tpu.memory_space<semaphore_mem>>)
    %dma_wait3A = arith.constant 0 : i32
    %dma_wait3A_5 = arith.constant 0 : i32
    %dma_wait3A_6 = tpu.memref_slice %arg4[%dma_wait3A, %dma_wait3A_5] : memref<2056x1024xf32, #tpu.memory_space<hbm>> -> memref<2056x1024xf32, #tpu.memory_space<hbm>>
    tpu.wait_indirect_dma semaphore(%arg8 : memref<!tpu.dma_semaphore, #tpu.memory_space<semaphore_mem>>) src(%arg7 : memref<48x1024xf32, #tpu.memory_space<vmem>>) dst(%dma_wait3A_6 : memref<2056x1024xf32, #tpu.memory_space<hbm>>)
    return
  }
}

#map = affine_map<(d0, d1) -> (0, 0)>
#map1 = affine_map<(d0, d1) -> (0)>
module attributes {stable_mosaic.version = 14 : i64} {
  func.func @body(%arg0: i32, %arg1: i32, %arg2: memref<2048x1024xf32, #tpu.memory_space<hbm>>, %arg3: memref<512xi32, #tpu.memory_space<hbm>>, %arg4: memref<512x1024xf32, #tpu.memory_space<hbm>>, %arg5: memref<16xi32, #tpu.memory_space<vmem>>, %arg6: memref<16x1024xf32, #tpu.memory_space<vmem>>, %arg7: memref<!tpu.dma_semaphore, #tpu.memory_space<semaphore_mem>>) attributes {dimension_semantics = [#tpu.dimension_semantics<core_parallel>, #tpu.dimension_semantics<subcore_parallel>], iteration_bounds = array<i64: 2, 16>, scalar_prefetch = 0 : i64, scratch_operands = 3 : i64, tpu.core_type = #tpu.core_type<sc_vector_subcore>, window_params = [{transform_indices = #map}, {transform_indices = #map1}, {transform_indices = #map}]} {
    %mul3A = arith.constant 2 : i32
    %mul3A_0 = arith.muli %arg1, %mul3A : i32
    %add3A = arith.addi %mul3A_0, %arg0 : i32
    %mul3A_1 = arith.constant 16 : i32
    %mul3A_2 = arith.muli %add3A, %mul3A_1 : i32
    "tpu.region"() ({
      %run_scoped3A = tpu.sem_alloc : memref<!tpu.dma_semaphore, #tpu.memory_space<semaphore_mem>>
      %dma_start3A_7 = tpu.memref_slice %arg3[%mul3A_2] : memref<512xi32, #tpu.memory_space<hbm>> -> memref<16xi32, #tpu.memory_space<hbm>>
      %dma_start3A_8 = tpu.memref_slice %arg3[%mul3A_2] : memref<512xi32, #tpu.memory_space<hbm>> -> memref<16xi32, #tpu.memory_space<hbm>>
      tpu.enqueue_dma source(%dma_start3A_8 : memref<16xi32, #tpu.memory_space<hbm>>) target(%arg5 : memref<16xi32, #tpu.memory_space<vmem>>) target_semaphore(%run_scoped3A : memref<!tpu.dma_semaphore, #tpu.memory_space<semaphore_mem>>)
      %dma_wait3A_9 = tpu.memref_slice %arg3[%mul3A_2] : memref<512xi32, #tpu.memory_space<hbm>> -> memref<16xi32, #tpu.memory_space<hbm>>
      %dma_wait3A_10 = tpu.memref_slice %arg3[%mul3A_2] : memref<512xi32, #tpu.memory_space<hbm>> -> memref<16xi32, #tpu.memory_space<hbm>>
      tpu.wait_dma2 semaphore(%run_scoped3A : memref<!tpu.dma_semaphore, #tpu.memory_space<semaphore_mem>>) src(%dma_wait3A_10 : memref<16xi32, #tpu.memory_space<hbm>>) dst(%arg5 : memref<16xi32, #tpu.memory_space<vmem>>)
      tpu.yield
    }) : () -> ()
    %dma_start3A = arith.constant 0 : i32
    %dma_start3A_3 = arith.constant 0 : i32
    %dma_start3A_4 = tpu.memref_slice %arg2[%dma_start3A, %dma_start3A_3] : memref<2048x1024xf32, #tpu.memory_space<hbm>> -> memref<2048x1024xf32, #tpu.memory_space<hbm>>
    tpu.enqueue_indirect_dma source(%dma_start3A_4 : memref<2048x1024xf32, #tpu.memory_space<hbm>>) target(%arg6 : memref<16x1024xf32, #tpu.memory_space<vmem>>) offsets(%arg5 : memref<16xi32, #tpu.memory_space<vmem>>) semaphore(%arg7 : memref<!tpu.dma_semaphore, #tpu.memory_space<semaphore_mem>>)
    %dma_wait3A = arith.constant 0 : i32
    %dma_wait3A_5 = arith.constant 0 : i32
    %dma_wait3A_6 = tpu.memref_slice %arg2[%dma_wait3A, %dma_wait3A_5] : memref<2048x1024xf32, #tpu.memory_space<hbm>> -> memref<2048x1024xf32, #tpu.memory_space<hbm>>
    tpu.wait_indirect_dma semaphore(%arg7 : memref<!tpu.dma_semaphore, #tpu.memory_space<semaphore_mem>>) src(%dma_wait3A_6 : memref<2048x1024xf32, #tpu.memory_space<hbm>>) dst(%arg6 : memref<16x1024xf32, #tpu.memory_space<vmem>>)
    "tpu.region"() ({
      %run_scoped3A = tpu.sem_alloc : memref<!tpu.dma_semaphore, #tpu.memory_space<semaphore_mem>>
      %dma_start3A_7 = arith.constant 0 : i32
      %dma_start3A_8 = tpu.memref_slice %arg4[%mul3A_2, %dma_start3A_7] : memref<512x1024xf32, #tpu.memory_space<hbm>> -> memref<16x1024xf32, #tpu.memory_space<hbm>>
      %dma_start3A_9 = arith.constant 0 : i32
      %dma_start3A_10 = tpu.memref_slice %arg4[%mul3A_2, %dma_start3A_9] : memref<512x1024xf32, #tpu.memory_space<hbm>> -> memref<16x1024xf32, #tpu.memory_space<hbm>>
      tpu.enqueue_dma source(%arg6 : memref<16x1024xf32, #tpu.memory_space<vmem>>) target(%dma_start3A_10 : memref<16x1024xf32, #tpu.memory_space<hbm>>) target_semaphore(%run_scoped3A : memref<!tpu.dma_semaphore, #tpu.memory_space<semaphore_mem>>)
      %dma_wait3A_11 = arith.constant 0 : i32
      %dma_wait3A_12 = tpu.memref_slice %arg4[%mul3A_2, %dma_wait3A_11] : memref<512x1024xf32, #tpu.memory_space<hbm>> -> memref<16x1024xf32, #tpu.memory_space<hbm>>
      %dma_wait3A_13 = arith.constant 0 : i32
      %dma_wait3A_14 = tpu.memref_slice %arg4[%mul3A_2, %dma_wait3A_13] : memref<512x1024xf32, #tpu.memory_space<hbm>> -> memref<16x1024xf32, #tpu.memory_space<hbm>>
      tpu.wait_dma2 semaphore(%run_scoped3A : memref<!tpu.dma_semaphore, #tpu.memory_space<semaphore_mem>>) src(%arg6 : memref<16x1024xf32, #tpu.memory_space<vmem>>) dst(%dma_wait3A_14 : memref<16x1024xf32, #tpu.memory_space<hbm>>)
      tpu.yield
    }) : () -> ()
    return
  }
}

#map = affine_map<(d0, d1) -> (0, 0)>
#map1 = affine_map<(d0, d1) -> (0)>
module attributes {stable_mosaic.version = 14 : i64} {
  func.func @new_body(%arg0: i32, %arg1: i32, %arg2: memref<1280x1024xf32, #tpu.memory_space<hbm>>, %arg3: memref<1280xi32, #tpu.memory_space<hbm>>, %arg4: memref<2056x1024xf32, #tpu.memory_space<hbm>>, %arg5: memref<2056x1024xf32, #tpu.memory_space<hbm>>, %arg6: memref<40xi32, #tpu.memory_space<vmem>>, %arg7: memref<40x1024xf32, #tpu.memory_space<vmem>>, %arg8: memref<!tpu.dma_semaphore, #tpu.memory_space<semaphore_mem>>) attributes {dimension_semantics = [#tpu.dimension_semantics<core_parallel>, #tpu.dimension_semantics<subcore_parallel>], iteration_bounds = array<i64: 2, 16>, scalar_prefetch = 0 : i64, scratch_operands = 3 : i64, tpu.core_type = #tpu.core_type<sc_vector_subcore>, window_params = [{transform_indices = #map}, {transform_indices = #map1}, {transform_indices = #map}, {transform_indices = #map}]} {
    %mul3A = arith.constant 2 : i32
    %mul3A_0 = arith.muli %arg1, %mul3A : i32
    %add3A = arith.addi %mul3A_0, %arg0 : i32
    %mul3A_1 = arith.constant 40 : i32
    %mul3A_2 = arith.muli %add3A, %mul3A_1 : i32
    "tpu.region"() ({
      %run_scoped3A = tpu.sem_alloc : memref<!tpu.dma_semaphore, #tpu.memory_space<semaphore_mem>>
      %dma_start3A_7 = tpu.memref_slice %arg3[%mul3A_2] : memref<1280xi32, #tpu.memory_space<hbm>> -> memref<40xi32, #tpu.memory_space<hbm>>
      %dma_start3A_8 = tpu.memref_slice %arg3[%mul3A_2] : memref<1280xi32, #tpu.memory_space<hbm>> -> memref<40xi32, #tpu.memory_space<hbm>>
      tpu.enqueue_dma source(%dma_start3A_8 : memref<40xi32, #tpu.memory_space<hbm>>) target(%arg6 : memref<40xi32, #tpu.memory_space<vmem>>) target_semaphore(%run_scoped3A : memref<!tpu.dma_semaphore, #tpu.memory_space<semaphore_mem>>)
      %dma_wait3A_9 = tpu.memref_slice %arg3[%mul3A_2] : memref<1280xi32, #tpu.memory_space<hbm>> -> memref<40xi32, #tpu.memory_space<hbm>>
      %dma_wait3A_10 = tpu.memref_slice %arg3[%mul3A_2] : memref<1280xi32, #tpu.memory_space<hbm>> -> memref<40xi32, #tpu.memory_space<hbm>>
      tpu.wait_dma2 semaphore(%run_scoped3A : memref<!tpu.dma_semaphore, #tpu.memory_space<semaphore_mem>>) src(%dma_wait3A_10 : memref<40xi32, #tpu.memory_space<hbm>>) dst(%arg6 : memref<40xi32, #tpu.memory_space<vmem>>)
      tpu.yield
    }) : () -> ()
    "tpu.region"() ({
      %run_scoped3A = tpu.sem_alloc : memref<!tpu.dma_semaphore, #tpu.memory_space<semaphore_mem>>
      %dma_start3A_7 = arith.constant 0 : i32
      %dma_start3A_8 = tpu.memref_slice %arg2[%mul3A_2, %dma_start3A_7] : memref<1280x1024xf32, #tpu.memory_space<hbm>> -> memref<40x1024xf32, #tpu.memory_space<hbm>>
      %dma_start3A_9 = arith.constant 0 : i32
      %dma_start3A_10 = tpu.memref_slice %arg2[%mul3A_2, %dma_start3A_9] : memref<1280x1024xf32, #tpu.memory_space<hbm>> -> memref<40x1024xf32, #tpu.memory_space<hbm>>
      tpu.enqueue_dma source(%dma_start3A_10 : memref<40x1024xf32, #tpu.memory_space<hbm>>) target(%arg7 : memref<40x1024xf32, #tpu.memory_space<vmem>>) target_semaphore(%run_scoped3A : memref<!tpu.dma_semaphore, #tpu.memory_space<semaphore_mem>>)
      %dma_wait3A_11 = arith.constant 0 : i32
      %dma_wait3A_12 = tpu.memref_slice %arg2[%mul3A_2, %dma_wait3A_11] : memref<1280x1024xf32, #tpu.memory_space<hbm>> -> memref<40x1024xf32, #tpu.memory_space<hbm>>
      %dma_wait3A_13 = arith.constant 0 : i32
      %dma_wait3A_14 = tpu.memref_slice %arg2[%mul3A_2, %dma_wait3A_13] : memref<1280x1024xf32, #tpu.memory_space<hbm>> -> memref<40x1024xf32, #tpu.memory_space<hbm>>
      tpu.wait_dma2 semaphore(%run_scoped3A : memref<!tpu.dma_semaphore, #tpu.memory_space<semaphore_mem>>) src(%dma_wait3A_14 : memref<40x1024xf32, #tpu.memory_space<hbm>>) dst(%arg7 : memref<40x1024xf32, #tpu.memory_space<vmem>>)
      tpu.yield
    }) : () -> ()
    %dma_start3A = arith.constant 0 : i32
    %dma_start3A_3 = arith.constant 0 : i32
    %dma_start3A_4 = tpu.memref_slice %arg4[%dma_start3A, %dma_start3A_3] : memref<2056x1024xf32, #tpu.memory_space<hbm>> -> memref<2056x1024xf32, #tpu.memory_space<hbm>>
    tpu.enqueue_indirect_dma source(%arg7 : memref<40x1024xf32, #tpu.memory_space<vmem>>) target(%dma_start3A_4 : memref<2056x1024xf32, #tpu.memory_space<hbm>>) offsets(%arg6 : memref<40xi32, #tpu.memory_space<vmem>>) semaphore(%arg8 : memref<!tpu.dma_semaphore, #tpu.memory_space<semaphore_mem>>)
    %dma_wait3A = arith.constant 0 : i32
    %dma_wait3A_5 = arith.constant 0 : i32
    %dma_wait3A_6 = tpu.memref_slice %arg4[%dma_wait3A, %dma_wait3A_5] : memref<2056x1024xf32, #tpu.memory_space<hbm>> -> memref<2056x1024xf32, #tpu.memory_space<hbm>>
    tpu.wait_indirect_dma semaphore(%arg8 : memref<!tpu.dma_semaphore, #tpu.memory_space<semaphore_mem>>) src(%arg7 : memref<40x1024xf32, #tpu.memory_space<vmem>>) dst(%dma_wait3A_6 : memref<2056x1024xf32, #tpu.memory_space<hbm>>)
    return
  }
}

#map = affine_map<(d0, d1) -> (0, 0)>
#map1 = affine_map<(d0, d1) -> (0)>
module attributes {stable_mosaic.version = 14 : i64} {
  func.func @body(%arg0: i32, %arg1: i32, %arg2: memref<2048x1024xf32, #tpu.memory_space<hbm>>, %arg3: memref<256xi32, #tpu.memory_space<hbm>>, %arg4: memref<256x1024xf32, #tpu.memory_space<hbm>>, %arg5: memref<8xi32, #tpu.memory_space<vmem>>, %arg6: memref<8x1024xf32, #tpu.memory_space<vmem>>, %arg7: memref<!tpu.dma_semaphore, #tpu.memory_space<semaphore_mem>>) attributes {dimension_semantics = [#tpu.dimension_semantics<core_parallel>, #tpu.dimension_semantics<subcore_parallel>], iteration_bounds = array<i64: 2, 16>, scalar_prefetch = 0 : i64, scratch_operands = 3 : i64, tpu.core_type = #tpu.core_type<sc_vector_subcore>, window_params = [{transform_indices = #map}, {transform_indices = #map1}, {transform_indices = #map}]} {
    %mul3A = arith.constant 2 : i32
    %mul3A_0 = arith.muli %arg1, %mul3A : i32
    %add3A = arith.addi %mul3A_0, %arg0 : i32
    %mul3A_1 = arith.constant 8 : i32
    %mul3A_2 = arith.muli %add3A, %mul3A_1 : i32
    "tpu.region"() ({
      %run_scoped3A = tpu.sem_alloc : memref<!tpu.dma_semaphore, #tpu.memory_space<semaphore_mem>>
      %dma_start3A_7 = tpu.memref_slice %arg3[%mul3A_2] : memref<256xi32, #tpu.memory_space<hbm>> -> memref<8xi32, #tpu.memory_space<hbm>>
      %dma_start3A_8 = tpu.memref_slice %arg3[%mul3A_2] : memref<256xi32, #tpu.memory_space<hbm>> -> memref<8xi32, #tpu.memory_space<hbm>>
      tpu.enqueue_dma source(%dma_start3A_8 : memref<8xi32, #tpu.memory_space<hbm>>) target(%arg5 : memref<8xi32, #tpu.memory_space<vmem>>) target_semaphore(%run_scoped3A : memref<!tpu.dma_semaphore, #tpu.memory_space<semaphore_mem>>)
      %dma_wait3A_9 = tpu.memref_slice %arg3[%mul3A_2] : memref<256xi32, #tpu.memory_space<hbm>> -> memref<8xi32, #tpu.memory_space<hbm>>
      %dma_wait3A_10 = tpu.memref_slice %arg3[%mul3A_2] : memref<256xi32, #tpu.memory_space<hbm>> -> memref<8xi32, #tpu.memory_space<hbm>>
      tpu.wait_dma2 semaphore(%run_scoped3A : memref<!tpu.dma_semaphore, #tpu.memory_space<semaphore_mem>>) src(%dma_wait3A_10 : memref<8xi32, #tpu.memory_space<hbm>>) dst(%arg5 : memref<8xi32, #tpu.memory_space<vmem>>)
      tpu.yield
    }) : () -> ()
    %dma_start3A = arith.constant 0 : i32
    %dma_start3A_3 = arith.constant 0 : i32
    %dma_start3A_4 = tpu.memref_slice %arg2[%dma_start3A, %dma_start3A_3] : memref<2048x1024xf32, #tpu.memory_space<hbm>> -> memref<2048x1024xf32, #tpu.memory_space<hbm>>
    tpu.enqueue_indirect_dma source(%dma_start3A_4 : memref<2048x1024xf32, #tpu.memory_space<hbm>>) target(%arg6 : memref<8x1024xf32, #tpu.memory_space<vmem>>) offsets(%arg5 : memref<8xi32, #tpu.memory_space<vmem>>) semaphore(%arg7 : memref<!tpu.dma_semaphore, #tpu.memory_space<semaphore_mem>>)
    %dma_wait3A = arith.constant 0 : i32
    %dma_wait3A_5 = arith.constant 0 : i32
    %dma_wait3A_6 = tpu.memref_slice %arg2[%dma_wait3A, %dma_wait3A_5] : memref<2048x1024xf32, #tpu.memory_space<hbm>> -> memref<2048x1024xf32, #tpu.memory_space<hbm>>
    tpu.wait_indirect_dma semaphore(%arg7 : memref<!tpu.dma_semaphore, #tpu.memory_space<semaphore_mem>>) src(%dma_wait3A_6 : memref<2048x1024xf32, #tpu.memory_space<hbm>>) dst(%arg6 : memref<8x1024xf32, #tpu.memory_space<vmem>>)
    "tpu.region"() ({
      %run_scoped3A = tpu.sem_alloc : memref<!tpu.dma_semaphore, #tpu.memory_space<semaphore_mem>>
      %dma_start3A_7 = arith.constant 0 : i32
      %dma_start3A_8 = tpu.memref_slice %arg4[%mul3A_2, %dma_start3A_7] : memref<256x1024xf32, #tpu.memory_space<hbm>> -> memref<8x1024xf32, #tpu.memory_space<hbm>>
      %dma_start3A_9 = arith.constant 0 : i32
      %dma_start3A_10 = tpu.memref_slice %arg4[%mul3A_2, %dma_start3A_9] : memref<256x1024xf32, #tpu.memory_space<hbm>> -> memref<8x1024xf32, #tpu.memory_space<hbm>>
      tpu.enqueue_dma source(%arg6 : memref<8x1024xf32, #tpu.memory_space<vmem>>) target(%dma_start3A_10 : memref<8x1024xf32, #tpu.memory_space<hbm>>) target_semaphore(%run_scoped3A : memref<!tpu.dma_semaphore, #tpu.memory_space<semaphore_mem>>)
      %dma_wait3A_11 = arith.constant 0 : i32
      %dma_wait3A_12 = tpu.memref_slice %arg4[%mul3A_2, %dma_wait3A_11] : memref<256x1024xf32, #tpu.memory_space<hbm>> -> memref<8x1024xf32, #tpu.memory_space<hbm>>
      %dma_wait3A_13 = arith.constant 0 : i32
      %dma_wait3A_14 = tpu.memref_slice %arg4[%mul3A_2, %dma_wait3A_13] : memref<256x1024xf32, #tpu.memory_space<hbm>> -> memref<8x1024xf32, #tpu.memory_space<hbm>>
      tpu.wait_dma2 semaphore(%run_scoped3A : memref<!tpu.dma_semaphore, #tpu.memory_space<semaphore_mem>>) src(%arg6 : memref<8x1024xf32, #tpu.memory_space<vmem>>) dst(%dma_wait3A_14 : memref<8x1024xf32, #tpu.memory_space<hbm>>)
      tpu.yield
    }) : () -> ()
    return
  }
}

#map = affine_map<(d0, d1) -> (0, 0)>
#map1 = affine_map<(d0, d1) -> (0)>
module attributes {stable_mosaic.version = 14 : i64} {
  func.func @new_body(%arg0: i32, %arg1: i32, %arg2: memref<512x1024xf32, #tpu.memory_space<hbm>>, %arg3: memref<512xi32, #tpu.memory_space<hbm>>, %arg4: memref<2056x1024xf32, #tpu.memory_space<hbm>>, %arg5: memref<2056x1024xf32, #tpu.memory_space<hbm>>, %arg6: memref<16xi32, #tpu.memory_space<vmem>>, %arg7: memref<16x1024xf32, #tpu.memory_space<vmem>>, %arg8: memref<!tpu.dma_semaphore, #tpu.memory_space<semaphore_mem>>) attributes {dimension_semantics = [#tpu.dimension_semantics<core_parallel>, #tpu.dimension_semantics<subcore_parallel>], iteration_bounds = array<i64: 2, 16>, scalar_prefetch = 0 : i64, scratch_operands = 3 : i64, tpu.core_type = #tpu.core_type<sc_vector_subcore>, window_params = [{transform_indices = #map}, {transform_indices = #map1}, {transform_indices = #map}, {transform_indices = #map}]} {
    %mul3A = arith.constant 2 : i32
    %mul3A_0 = arith.muli %arg1, %mul3A : i32
    %add3A = arith.addi %mul3A_0, %arg0 : i32
    %mul3A_1 = arith.constant 16 : i32
    %mul3A_2 = arith.muli %add3A, %mul3A_1 : i32
    "tpu.region"() ({
      %run_scoped3A = tpu.sem_alloc : memref<!tpu.dma_semaphore, #tpu.memory_space<semaphore_mem>>
      %dma_start3A_7 = tpu.memref_slice %arg3[%mul3A_2] : memref<512xi32, #tpu.memory_space<hbm>> -> memref<16xi32, #tpu.memory_space<hbm>>
      %dma_start3A_8 = tpu.memref_slice %arg3[%mul3A_2] : memref<512xi32, #tpu.memory_space<hbm>> -> memref<16xi32, #tpu.memory_space<hbm>>
      tpu.enqueue_dma source(%dma_start3A_8 : memref<16xi32, #tpu.memory_space<hbm>>) target(%arg6 : memref<16xi32, #tpu.memory_space<vmem>>) target_semaphore(%run_scoped3A : memref<!tpu.dma_semaphore, #tpu.memory_space<semaphore_mem>>)
      %dma_wait3A_9 = tpu.memref_slice %arg3[%mul3A_2] : memref<512xi32, #tpu.memory_space<hbm>> -> memref<16xi32, #tpu.memory_space<hbm>>
      %dma_wait3A_10 = tpu.memref_slice %arg3[%mul3A_2] : memref<512xi32, #tpu.memory_space<hbm>> -> memref<16xi32, #tpu.memory_space<hbm>>
      tpu.wait_dma2 semaphore(%run_scoped3A : memref<!tpu.dma_semaphore, #tpu.memory_space<semaphore_mem>>) src(%dma_wait3A_10 : memref<16xi32, #tpu.memory_space<hbm>>) dst(%arg6 : memref<16xi32, #tpu.memory_space<vmem>>)
      tpu.yield
    }) : () -> ()
    "tpu.region"() ({
      %run_scoped3A = tpu.sem_alloc : memref<!tpu.dma_semaphore, #tpu.memory_space<semaphore_mem>>
      %dma_start3A_7 = arith.constant 0 : i32
      %dma_start3A_8 = tpu.memref_slice %arg2[%mul3A_2, %dma_start3A_7] : memref<512x1024xf32, #tpu.memory_space<hbm>> -> memref<16x1024xf32, #tpu.memory_space<hbm>>
      %dma_start3A_9 = arith.constant 0 : i32
      %dma_start3A_10 = tpu.memref_slice %arg2[%mul3A_2, %dma_start3A_9] : memref<512x1024xf32, #tpu.memory_space<hbm>> -> memref<16x1024xf32, #tpu.memory_space<hbm>>
      tpu.enqueue_dma source(%dma_start3A_10 : memref<16x1024xf32, #tpu.memory_space<hbm>>) target(%arg7 : memref<16x1024xf32, #tpu.memory_space<vmem>>) target_semaphore(%run_scoped3A : memref<!tpu.dma_semaphore, #tpu.memory_space<semaphore_mem>>)
      %dma_wait3A_11 = arith.constant 0 : i32
      %dma_wait3A_12 = tpu.memref_slice %arg2[%mul3A_2, %dma_wait3A_11] : memref<512x1024xf32, #tpu.memory_space<hbm>> -> memref<16x1024xf32, #tpu.memory_space<hbm>>
      %dma_wait3A_13 = arith.constant 0 : i32
      %dma_wait3A_14 = tpu.memref_slice %arg2[%mul3A_2, %dma_wait3A_13] : memref<512x1024xf32, #tpu.memory_space<hbm>> -> memref<16x1024xf32, #tpu.memory_space<hbm>>
      tpu.wait_dma2 semaphore(%run_scoped3A : memref<!tpu.dma_semaphore, #tpu.memory_space<semaphore_mem>>) src(%dma_wait3A_14 : memref<16x1024xf32, #tpu.memory_space<hbm>>) dst(%arg7 : memref<16x1024xf32, #tpu.memory_space<vmem>>)
      tpu.yield
    }) : () -> ()
    %dma_start3A = arith.constant 0 : i32
    %dma_start3A_3 = arith.constant 0 : i32
    %dma_start3A_4 = tpu.memref_slice %arg4[%dma_start3A, %dma_start3A_3] : memref<2056x1024xf32, #tpu.memory_space<hbm>> -> memref<2056x1024xf32, #tpu.memory_space<hbm>>
    tpu.enqueue_indirect_dma source(%arg7 : memref<16x1024xf32, #tpu.memory_space<vmem>>) target(%dma_start3A_4 : memref<2056x1024xf32, #tpu.memory_space<hbm>>) offsets(%arg6 : memref<16xi32, #tpu.memory_space<vmem>>) semaphore(%arg8 : memref<!tpu.dma_semaphore, #tpu.memory_space<semaphore_mem>>)
    %dma_wait3A = arith.constant 0 : i32
    %dma_wait3A_5 = arith.constant 0 : i32
    %dma_wait3A_6 = tpu.memref_slice %arg4[%dma_wait3A, %dma_wait3A_5] : memref<2056x1024xf32, #tpu.memory_space<hbm>> -> memref<2056x1024xf32, #tpu.memory_space<hbm>>
    tpu.wait_indirect_dma semaphore(%arg8 : memref<!tpu.dma_semaphore, #tpu.memory_space<semaphore_mem>>) src(%arg7 : memref<16x1024xf32, #tpu.memory_space<vmem>>) dst(%dma_wait3A_6 : memref<2056x1024xf32, #tpu.memory_space<hbm>>)
    return
  }
}

#map = affine_map<(d0, d1) -> (0, 0)>
#map1 = affine_map<(d0, d1) -> (0)>
module attributes {stable_mosaic.version = 14 : i64} {
  func.func @new_body(%arg0: i32, %arg1: i32, %arg2: memref<256x1024xf32, #tpu.memory_space<hbm>>, %arg3: memref<256xi32, #tpu.memory_space<hbm>>, %arg4: memref<2056x1024xf32, #tpu.memory_space<hbm>>, %arg5: memref<2056x1024xf32, #tpu.memory_space<hbm>>, %arg6: memref<8xi32, #tpu.memory_space<vmem>>, %arg7: memref<8x1024xf32, #tpu.memory_space<vmem>>, %arg8: memref<!tpu.dma_semaphore, #tpu.memory_space<semaphore_mem>>) attributes {dimension_semantics = [#tpu.dimension_semantics<core_parallel>, #tpu.dimension_semantics<subcore_parallel>], iteration_bounds = array<i64: 2, 16>, scalar_prefetch = 0 : i64, scratch_operands = 3 : i64, tpu.core_type = #tpu.core_type<sc_vector_subcore>, window_params = [{transform_indices = #map}, {transform_indices = #map1}, {transform_indices = #map}, {transform_indices = #map}]} {
    %mul3A = arith.constant 2 : i32
    %mul3A_0 = arith.muli %arg1, %mul3A : i32
    %add3A = arith.addi %mul3A_0, %arg0 : i32
    %mul3A_1 = arith.constant 8 : i32
    %mul3A_2 = arith.muli %add3A, %mul3A_1 : i32
    "tpu.region"() ({
      %run_scoped3A = tpu.sem_alloc : memref<!tpu.dma_semaphore, #tpu.memory_space<semaphore_mem>>
      %dma_start3A_7 = tpu.memref_slice %arg3[%mul3A_2] : memref<256xi32, #tpu.memory_space<hbm>> -> memref<8xi32, #tpu.memory_space<hbm>>
      %dma_start3A_8 = tpu.memref_slice %arg3[%mul3A_2] : memref<256xi32, #tpu.memory_space<hbm>> -> memref<8xi32, #tpu.memory_space<hbm>>
      tpu.enqueue_dma source(%dma_start3A_8 : memref<8xi32, #tpu.memory_space<hbm>>) target(%arg6 : memref<8xi32, #tpu.memory_space<vmem>>) target_semaphore(%run_scoped3A : memref<!tpu.dma_semaphore, #tpu.memory_space<semaphore_mem>>)
      %dma_wait3A_9 = tpu.memref_slice %arg3[%mul3A_2] : memref<256xi32, #tpu.memory_space<hbm>> -> memref<8xi32, #tpu.memory_space<hbm>>
      %dma_wait3A_10 = tpu.memref_slice %arg3[%mul3A_2] : memref<256xi32, #tpu.memory_space<hbm>> -> memref<8xi32, #tpu.memory_space<hbm>>
      tpu.wait_dma2 semaphore(%run_scoped3A : memref<!tpu.dma_semaphore, #tpu.memory_space<semaphore_mem>>) src(%dma_wait3A_10 : memref<8xi32, #tpu.memory_space<hbm>>) dst(%arg6 : memref<8xi32, #tpu.memory_space<vmem>>)
      tpu.yield
    }) : () -> ()
    "tpu.region"() ({
      %run_scoped3A = tpu.sem_alloc : memref<!tpu.dma_semaphore, #tpu.memory_space<semaphore_mem>>
      %dma_start3A_7 = arith.constant 0 : i32
      %dma_start3A_8 = tpu.memref_slice %arg2[%mul3A_2, %dma_start3A_7] : memref<256x1024xf32, #tpu.memory_space<hbm>> -> memref<8x1024xf32, #tpu.memory_space<hbm>>
      %dma_start3A_9 = arith.constant 0 : i32
      %dma_start3A_10 = tpu.memref_slice %arg2[%mul3A_2, %dma_start3A_9] : memref<256x1024xf32, #tpu.memory_space<hbm>> -> memref<8x1024xf32, #tpu.memory_space<hbm>>
      tpu.enqueue_dma source(%dma_start3A_10 : memref<8x1024xf32, #tpu.memory_space<hbm>>) target(%arg7 : memref<8x1024xf32, #tpu.memory_space<vmem>>) target_semaphore(%run_scoped3A : memref<!tpu.dma_semaphore, #tpu.memory_space<semaphore_mem>>)
      %dma_wait3A_11 = arith.constant 0 : i32
      %dma_wait3A_12 = tpu.memref_slice %arg2[%mul3A_2, %dma_wait3A_11] : memref<256x1024xf32, #tpu.memory_space<hbm>> -> memref<8x1024xf32, #tpu.memory_space<hbm>>
      %dma_wait3A_13 = arith.constant 0 : i32
      %dma_wait3A_14 = tpu.memref_slice %arg2[%mul3A_2, %dma_wait3A_13] : memref<256x1024xf32, #tpu.memory_space<hbm>> -> memref<8x1024xf32, #tpu.memory_space<hbm>>
      tpu.wait_dma2 semaphore(%run_scoped3A : memref<!tpu.dma_semaphore, #tpu.memory_space<semaphore_mem>>) src(%dma_wait3A_14 : memref<8x1024xf32, #tpu.memory_space<hbm>>) dst(%arg7 : memref<8x1024xf32, #tpu.memory_space<vmem>>)
      tpu.yield
    }) : () -> ()
    %dma_start3A = arith.constant 0 : i32
    %dma_start3A_3 = arith.constant 0 : i32
    %dma_start3A_4 = tpu.memref_slice %arg4[%dma_start3A, %dma_start3A_3] : memref<2056x1024xf32, #tpu.memory_space<hbm>> -> memref<2056x1024xf32, #tpu.memory_space<hbm>>
    tpu.enqueue_indirect_dma source(%arg7 : memref<8x1024xf32, #tpu.memory_space<vmem>>) target(%dma_start3A_4 : memref<2056x1024xf32, #tpu.memory_space<hbm>>) offsets(%arg6 : memref<8xi32, #tpu.memory_space<vmem>>) semaphore(%arg8 : memref<!tpu.dma_semaphore, #tpu.memory_space<semaphore_mem>>)
    %dma_wait3A = arith.constant 0 : i32
    %dma_wait3A_5 = arith.constant 0 : i32
    %dma_wait3A_6 = tpu.memref_slice %arg4[%dma_wait3A, %dma_wait3A_5] : memref<2056x1024xf32, #tpu.memory_space<hbm>> -> memref<2056x1024xf32, #tpu.memory_space<hbm>>
    tpu.wait_indirect_dma semaphore(%arg8 : memref<!tpu.dma_semaphore, #tpu.memory_space<semaphore_mem>>) src(%arg7 : memref<8x1024xf32, #tpu.memory_space<vmem>>) dst(%dma_wait3A_6 : memref<2056x1024xf32, #tpu.memory_space<hbm>>)
    return
  }
}

module attributes {stable_mosaic.version = 14 : i64} {
  func.func @_mm_body(%arg0: i32, %arg1: memref<16xi32, #tpu.memory_space<smem>>, %arg2: memref<32x1024xf32, #tpu.memory_space<vmem>>, %arg3: memref<1x1x32xf32, #tpu.memory_space<vmem>>, %arg4: memref<1x512x1024xf32, #tpu.memory_space<vmem>>, %arg5: memref<1x512x1024xf32, #tpu.memory_space<vmem>>, %arg6: memref<1x512x512xf32, #tpu.memory_space<vmem>>, %arg7: memref<1x512x512xf32, #tpu.memory_space<vmem>>, %arg8: memref<32x1024xf32, #tpu.memory_space<vmem>>) attributes {dimension_semantics = [#tpu.dimension_semantics<arbitrary>], iteration_bounds = array<i64: 16>, scalar_prefetch = 1 : i64, scratch_operands = 0 : i64, tpu.core_type = #tpu.core_type<tc>, window_params = [{transform_indices = @transform_0, window_bounds = array<i64: 32, 1024>}, {transform_indices = @transform_1, window_bounds = array<i64: 1, 1, 32>}, {transform_indices = @transform_2, window_bounds = array<i64: 1, 512, 1024>}, {transform_indices = @transform_3, window_bounds = array<i64: 1, 512, 1024>}, {transform_indices = @transform_4, window_bounds = array<i64: 1, 512, 512>}, {transform_indices = @transform_5, window_bounds = array<i64: 1, 512, 512>}, {transform_indices = @transform_6, window_bounds = array<i64: 32, 1024>}]} {
    %get3A = arith.constant 0 : index
    %get3A_0 = arith.constant 0 : index
    %get3A_1 = vector.load %arg2[%get3A, %get3A_0] : memref<32x1024xf32, #tpu.memory_space<vmem>>, vector<32x1024xf32>
    %get3A_2 = arith.constant 0 : index
    %get3A_3 = arith.constant 0 : index
    %get3A_4 = arith.constant 0 : index
    %get3A_5 = vector.load %arg4[%get3A_2, %get3A_3, %get3A_4] : memref<1x512x1024xf32, #tpu.memory_space<vmem>>, vector<1x512x1024xf32>
    %get3A_6 = vector.shape_cast %get3A_5 : vector<1x512x1024xf32> to vector<512x1024xf32>
    %dot_general3A = arith.constant dense<0.000000e+00> : vector<32x512xf32>
    %dot_general3A_7 = tpu.matmul %get3A_1, %get3A_6, %dot_general3A {dimension_numbers = #tpu.dot_dimension_numbers<[1], [1], [0], [0], [0, 0, 1, 0], [], []>, transpose_lhs_hint = false} : vector<32x1024xf32>, vector<512x1024xf32>, vector<32x512xf32> -> vector<32x512xf32>
    %get3A_8 = arith.constant 0 : index
    %get3A_9 = arith.constant 0 : index
    %get3A_10 = arith.constant 0 : index
    %get3A_11 = vector.load %arg5[%get3A_8, %get3A_9, %get3A_10] : memref<1x512x1024xf32, #tpu.memory_space<vmem>>, vector<1x512x1024xf32>
    %get3A_12 = vector.shape_cast %get3A_11 : vector<1x512x1024xf32> to vector<512x1024xf32>
    %dot_general3A_13 = arith.constant dense<0.000000e+00> : vector<32x512xf32>
    %dot_general3A_14 = tpu.matmul %get3A_1, %get3A_12, %dot_general3A_13 {dimension_numbers = #tpu.dot_dimension_numbers<[1], [1], [0], [0], [0, 0, 1, 0], [], []>, transpose_lhs_hint = false} : vector<32x1024xf32>, vector<512x1024xf32>, vector<32x512xf32> -> vector<32x512xf32>
    %logistic3A = arith.negf %dot_general3A_7 : vector<32x512xf32>
    %logistic3A_15 = math.exp %logistic3A : vector<32x512xf32>
    %logistic3A_16 = arith.constant 1.000000e+00 : f32
    %logistic3A_17 = vector.broadcast %logistic3A_16 : f32 to vector<32x512xf32>
    %logistic3A_18 = arith.addf %logistic3A_17, %logistic3A_15 : vector<32x512xf32>
    %logistic3A_19 = arith.divf %logistic3A_17, %logistic3A_18 : vector<32x512xf32>
    %mul3A = arith.mulf %dot_general3A_7, %logistic3A_19 : vector<32x512xf32>
    %mul3A_20 = arith.mulf %mul3A, %dot_general3A_14 : vector<32x512xf32>
    %get3A_21 = arith.constant 0 : index
    %get3A_22 = arith.constant 0 : index
    %get3A_23 = arith.constant 0 : index
    %get3A_24 = vector.load %arg6[%get3A_21, %get3A_22, %get3A_23] : memref<1x512x512xf32, #tpu.memory_space<vmem>>, vector<1x512x512xf32>
    %get3A_25 = vector.shape_cast %get3A_24 : vector<1x512x512xf32> to vector<512x512xf32>
    %dot_general3A_26 = arith.constant dense<0.000000e+00> : vector<32x512xf32>
    %dot_general3A_27 = tpu.matmul %mul3A_20, %get3A_25, %dot_general3A_26 {dimension_numbers = #tpu.dot_dimension_numbers<[1], [1], [0], [0], [0, 0, 1, 0], [], []>, transpose_lhs_hint = false} : vector<32x512xf32>, vector<512x512xf32>, vector<32x512xf32> -> vector<32x512xf32>
    %get3A_28 = arith.constant 0 : index
    %get3A_29 = arith.constant 0 : index
    %get3A_30 = arith.constant 0 : index
    %get3A_31 = vector.load %arg7[%get3A_28, %get3A_29, %get3A_30] : memref<1x512x512xf32, #tpu.memory_space<vmem>>, vector<1x512x512xf32>
    %get3A_32 = vector.shape_cast %get3A_31 : vector<1x512x512xf32> to vector<512x512xf32>
    %dot_general3A_33 = arith.constant dense<0.000000e+00> : vector<32x512xf32>
    %dot_general3A_34 = tpu.matmul %mul3A_20, %get3A_32, %dot_general3A_33 {dimension_numbers = #tpu.dot_dimension_numbers<[1], [1], [0], [0], [0, 0, 1, 0], [], []>, transpose_lhs_hint = false} : vector<32x512xf32>, vector<512x512xf32>, vector<32x512xf32> -> vector<32x512xf32>
    %concatenate3A = tpu.concatenate %dot_general3A_27, %dot_general3A_34 in 1 : vector<32x512xf32>, vector<32x512xf32> -> vector<32x1024xf32>
    %get3A_35 = arith.constant 0 : index
    %get3A_36 = arith.constant 0 : index
    %get3A_37 = arith.constant 0 : index
    %get3A_38 = vector.load %arg3[%get3A_35, %get3A_36, %get3A_37] : memref<1x1x32xf32, #tpu.memory_space<vmem>>, vector<1x1x32xf32>
    %get3A_39 = vector.shape_cast %get3A_38 : vector<1x1x32xf32> to vector<32xf32>
    %broadcast_in_dim3A = vector.shape_cast %get3A_39 : vector<32xf32> to vector<32x1xf32>
    %mul3A_40 = vector.broadcast %broadcast_in_dim3A : vector<32x1xf32> to vector<32x1024xf32>
    %mul3A_41 = arith.mulf %concatenate3A, %mul3A_40 : vector<32x1024xf32>
    %swap3A = arith.constant 0 : index
    %swap3A_42 = arith.constant 0 : index
    %swap3A_43 = vector.load %arg8[%swap3A, %swap3A_42] : memref<32x1024xf32, #tpu.memory_space<vmem>>, vector<32x1024xf32>
    tpu.vector_store %arg8[%swap3A, %swap3A_42], %mul3A_41 {strides = array<i32>} : memref<32x1024xf32, #tpu.memory_space<vmem>>, vector<32x1024xf32>,
    return
  }
  func.func @transform_0(%arg0: i32, %arg1: memref<16xi32, #tpu.memory_space<smem>>) -> (i32, i32) {
    %c0_i32 = arith.constant 0 : i32
    %c0_i32_0 = arith.constant 0 : i32
    return %arg0, %c0_i32 : i32, i32
  }
  func.func @transform_1(%arg0: i32, %arg1: memref<16xi32, #tpu.memory_space<smem>>) -> (i32, i32, i32) {
    %c0_i32 = arith.constant 0 : i32
    %c0_i32_0 = arith.constant 0 : i32
    %c0_i32_1 = arith.constant 0 : i32
    return %arg0, %c0_i32, %c0_i32_0 : i32, i32, i32
  }
  func.func @transform_2(%arg0: i32, %arg1: memref<16xi32, #tpu.memory_space<smem>>) -> (i32, i32, i32) {
    %get3A = arith.index_cast %arg0 : i32 to index
    %get3A_0 = memref.load %arg1[%get3A] : memref<16xi32, #tpu.memory_space<smem>>
    %c0_i32 = arith.constant 0 : i32
    %c0_i32_1 = arith.constant 0 : i32
    %c0_i32_2 = arith.constant 0 : i32
    return %get3A_0, %c0_i32, %c0_i32_1 : i32, i32, i32
  }
  func.func @transform_3(%arg0: i32, %arg1: memref<16xi32, #tpu.memory_space<smem>>) -> (i32, i32, i32) {
    %get3A = arith.index_cast %arg0 : i32 to index
    %get3A_0 = memref.load %arg1[%get3A] : memref<16xi32, #tpu.memory_space<smem>>
    %c1_i32 = arith.constant 1 : i32
    %c0_i32 = arith.constant 0 : i32
    %c0_i32_1 = arith.constant 0 : i32
    return %get3A_0, %c1_i32, %c0_i32 : i32, i32, i32
  }
  func.func @transform_4(%arg0: i32, %arg1: memref<16xi32, #tpu.memory_space<smem>>) -> (i32, i32, i32) {
    %get3A = arith.index_cast %arg0 : i32 to index
    %get3A_0 = memref.load %arg1[%get3A] : memref<16xi32, #tpu.memory_space<smem>>
    %c0_i32 = arith.constant 0 : i32
    %c0_i32_1 = arith.constant 0 : i32
    %c0_i32_2 = arith.constant 0 : i32
    return %get3A_0, %c0_i32, %c0_i32_1 : i32, i32, i32
  }
  func.func @transform_5(%arg0: i32, %arg1: memref<16xi32, #tpu.memory_space<smem>>) -> (i32, i32, i32) {
    %get3A = arith.index_cast %arg0 : i32 to index
    %get3A_0 = memref.load %arg1[%get3A] : memref<16xi32, #tpu.memory_space<smem>>
    %c1_i32 = arith.constant 1 : i32
    %c0_i32 = arith.constant 0 : i32
    %c0_i32_1 = arith.constant 0 : i32
    return %get3A_0, %c1_i32, %c0_i32 : i32, i32, i32
  }
  func.func @transform_6(%arg0: i32, %arg1: memref<16xi32, #tpu.memory_space<smem>>) -> (i32, i32) {
    %c0_i32 = arith.constant 0 : i32
    %c0_i32_0 = arith.constant 0 : i32
    return %arg0, %c0_i32 : i32, i32
  }
}

module attributes {stable_mosaic.version = 14 : i64} {
  func.func @_mm_body(%arg0: i32, %arg1: memref<48xi32, #tpu.memory_space<smem>>, %arg2: memref<32x1024xf32, #tpu.memory_space<vmem>>, %arg3: memref<1x1x32xf32, #tpu.memory_space<vmem>>, %arg4: memref<1x512x1024xf32, #tpu.memory_space<vmem>>, %arg5: memref<1x512x1024xf32, #tpu.memory_space<vmem>>, %arg6: memref<1x512x512xf32, #tpu.memory_space<vmem>>, %arg7: memref<1x512x512xf32, #tpu.memory_space<vmem>>, %arg8: memref<32x1024xf32, #tpu.memory_space<vmem>>) attributes {dimension_semantics = [#tpu.dimension_semantics<arbitrary>], iteration_bounds = array<i64: 48>, scalar_prefetch = 1 : i64, scratch_operands = 0 : i64, tpu.core_type = #tpu.core_type<tc>, window_params = [{transform_indices = @transform_0, window_bounds = array<i64: 32, 1024>}, {transform_indices = @transform_1, window_bounds = array<i64: 1, 1, 32>}, {transform_indices = @transform_2, window_bounds = array<i64: 1, 512, 1024>}, {transform_indices = @transform_3, window_bounds = array<i64: 1, 512, 1024>}, {transform_indices = @transform_4, window_bounds = array<i64: 1, 512, 512>}, {transform_indices = @transform_5, window_bounds = array<i64: 1, 512, 512>}, {transform_indices = @transform_6, window_bounds = array<i64: 32, 1024>}]} {
    %get3A = arith.constant 0 : index
    %get3A_0 = arith.constant 0 : index
    %get3A_1 = vector.load %arg2[%get3A, %get3A_0] : memref<32x1024xf32, #tpu.memory_space<vmem>>, vector<32x1024xf32>
    %get3A_2 = arith.constant 0 : index
    %get3A_3 = arith.constant 0 : index
    %get3A_4 = arith.constant 0 : index
    %get3A_5 = vector.load %arg4[%get3A_2, %get3A_3, %get3A_4] : memref<1x512x1024xf32, #tpu.memory_space<vmem>>, vector<1x512x1024xf32>
    %get3A_6 = vector.shape_cast %get3A_5 : vector<1x512x1024xf32> to vector<512x1024xf32>
    %dot_general3A = arith.constant dense<0.000000e+00> : vector<32x512xf32>
    %dot_general3A_7 = tpu.matmul %get3A_1, %get3A_6, %dot_general3A {dimension_numbers = #tpu.dot_dimension_numbers<[1], [1], [0], [0], [0, 0, 1, 0], [], []>, transpose_lhs_hint = false} : vector<32x1024xf32>, vector<512x1024xf32>, vector<32x512xf32> -> vector<32x512xf32>
    %get3A_8 = arith.constant 0 : index
    %get3A_9 = arith.constant 0 : index
    %get3A_10 = arith.constant 0 : index
    %get3A_11 = vector.load %arg5[%get3A_8, %get3A_9, %get3A_10] : memref<1x512x1024xf32, #tpu.memory_space<vmem>>, vector<1x512x1024xf32>
    %get3A_12 = vector.shape_cast %get3A_11 : vector<1x512x1024xf32> to vector<512x1024xf32>
    %dot_general3A_13 = arith.constant dense<0.000000e+00> : vector<32x512xf32>
    %dot_general3A_14 = tpu.matmul %get3A_1, %get3A_12, %dot_general3A_13 {dimension_numbers = #tpu.dot_dimension_numbers<[1], [1], [0], [0], [0, 0, 1, 0], [], []>, transpose_lhs_hint = false} : vector<32x1024xf32>, vector<512x1024xf32>, vector<32x512xf32> -> vector<32x512xf32>
    %logistic3A = arith.negf %dot_general3A_7 : vector<32x512xf32>
    %logistic3A_15 = math.exp %logistic3A : vector<32x512xf32>
    %logistic3A_16 = arith.constant 1.000000e+00 : f32
    %logistic3A_17 = vector.broadcast %logistic3A_16 : f32 to vector<32x512xf32>
    %logistic3A_18 = arith.addf %logistic3A_17, %logistic3A_15 : vector<32x512xf32>
    %logistic3A_19 = arith.divf %logistic3A_17, %logistic3A_18 : vector<32x512xf32>
    %mul3A = arith.mulf %dot_general3A_7, %logistic3A_19 : vector<32x512xf32>
    %mul3A_20 = arith.mulf %mul3A, %dot_general3A_14 : vector<32x512xf32>
    %get3A_21 = arith.constant 0 : index
    %get3A_22 = arith.constant 0 : index
    %get3A_23 = arith.constant 0 : index
    %get3A_24 = vector.load %arg6[%get3A_21, %get3A_22, %get3A_23] : memref<1x512x512xf32, #tpu.memory_space<vmem>>, vector<1x512x512xf32>
    %get3A_25 = vector.shape_cast %get3A_24 : vector<1x512x512xf32> to vector<512x512xf32>
    %dot_general3A_26 = arith.constant dense<0.000000e+00> : vector<32x512xf32>
    %dot_general3A_27 = tpu.matmul %mul3A_20, %get3A_25, %dot_general3A_26 {dimension_numbers = #tpu.dot_dimension_numbers<[1], [1], [0], [0], [0, 0, 1, 0], [], []>, transpose_lhs_hint = false} : vector<32x512xf32>, vector<512x512xf32>, vector<32x512xf32> -> vector<32x512xf32>
    %get3A_28 = arith.constant 0 : index
    %get3A_29 = arith.constant 0 : index
    %get3A_30 = arith.constant 0 : index
    %get3A_31 = vector.load %arg7[%get3A_28, %get3A_29, %get3A_30] : memref<1x512x512xf32, #tpu.memory_space<vmem>>, vector<1x512x512xf32>
    %get3A_32 = vector.shape_cast %get3A_31 : vector<1x512x512xf32> to vector<512x512xf32>
    %dot_general3A_33 = arith.constant dense<0.000000e+00> : vector<32x512xf32>
    %dot_general3A_34 = tpu.matmul %mul3A_20, %get3A_32, %dot_general3A_33 {dimension_numbers = #tpu.dot_dimension_numbers<[1], [1], [0], [0], [0, 0, 1, 0], [], []>, transpose_lhs_hint = false} : vector<32x512xf32>, vector<512x512xf32>, vector<32x512xf32> -> vector<32x512xf32>
    %concatenate3A = tpu.concatenate %dot_general3A_27, %dot_general3A_34 in 1 : vector<32x512xf32>, vector<32x512xf32> -> vector<32x1024xf32>
    %get3A_35 = arith.constant 0 : index
    %get3A_36 = arith.constant 0 : index
    %get3A_37 = arith.constant 0 : index
    %get3A_38 = vector.load %arg3[%get3A_35, %get3A_36, %get3A_37] : memref<1x1x32xf32, #tpu.memory_space<vmem>>, vector<1x1x32xf32>
    %get3A_39 = vector.shape_cast %get3A_38 : vector<1x1x32xf32> to vector<32xf32>
    %broadcast_in_dim3A = vector.shape_cast %get3A_39 : vector<32xf32> to vector<32x1xf32>
    %mul3A_40 = vector.broadcast %broadcast_in_dim3A : vector<32x1xf32> to vector<32x1024xf32>
    %mul3A_41 = arith.mulf %concatenate3A, %mul3A_40 : vector<32x1024xf32>
    %swap3A = arith.constant 0 : index
    %swap3A_42 = arith.constant 0 : index
    %swap3A_43 = vector.load %arg8[%swap3A, %swap3A_42] : memref<32x1024xf32, #tpu.memory_space<vmem>>, vector<32x1024xf32>
    tpu.vector_store %arg8[%swap3A, %swap3A_42], %mul3A_41 {strides = array<i32>} : memref<32x1024xf32, #tpu.memory_space<vmem>>, vector<32x1024xf32>,
    return
  }
  func.func @transform_0(%arg0: i32, %arg1: memref<48xi32, #tpu.memory_space<smem>>) -> (i32, i32) {
    %c0_i32 = arith.constant 0 : i32
    %c0_i32_0 = arith.constant 0 : i32
    return %arg0, %c0_i32 : i32, i32
  }
  func.func @transform_1(%arg0: i32, %arg1: memref<48xi32, #tpu.memory_space<smem>>) -> (i32, i32, i32) {
    %c0_i32 = arith.constant 0 : i32
    %c0_i32_0 = arith.constant 0 : i32
    %c0_i32_1 = arith.constant 0 : i32
    return %arg0, %c0_i32, %c0_i32_0 : i32, i32, i32
  }
  func.func @transform_2(%arg0: i32, %arg1: memref<48xi32, #tpu.memory_space<smem>>) -> (i32, i32, i32) {
    %get3A = arith.index_cast %arg0 : i32 to index
    %get3A_0 = memref.load %arg1[%get3A] : memref<48xi32, #tpu.memory_space<smem>>
    %c0_i32 = arith.constant 0 : i32
    %c0_i32_1 = arith.constant 0 : i32
    %c0_i32_2 = arith.constant 0 : i32
    return %get3A_0, %c0_i32, %c0_i32_1 : i32, i32, i32
  }
  func.func @transform_3(%arg0: i32, %arg1: memref<48xi32, #tpu.memory_space<smem>>) -> (i32, i32, i32) {
    %get3A = arith.index_cast %arg0 : i32 to index
    %get3A_0 = memref.load %arg1[%get3A] : memref<48xi32, #tpu.memory_space<smem>>
    %c1_i32 = arith.constant 1 : i32
    %c0_i32 = arith.constant 0 : i32
    %c0_i32_1 = arith.constant 0 : i32
    return %get3A_0, %c1_i32, %c0_i32 : i32, i32, i32
  }
  func.func @transform_4(%arg0: i32, %arg1: memref<48xi32, #tpu.memory_space<smem>>) -> (i32, i32, i32) {
    %get3A = arith.index_cast %arg0 : i32 to index
    %get3A_0 = memref.load %arg1[%get3A] : memref<48xi32, #tpu.memory_space<smem>>
    %c0_i32 = arith.constant 0 : i32
    %c0_i32_1 = arith.constant 0 : i32
    %c0_i32_2 = arith.constant 0 : i32
    return %get3A_0, %c0_i32, %c0_i32_1 : i32, i32, i32
  }
  func.func @transform_5(%arg0: i32, %arg1: memref<48xi32, #tpu.memory_space<smem>>) -> (i32, i32, i32) {
    %get3A = arith.index_cast %arg0 : i32 to index
    %get3A_0 = memref.load %arg1[%get3A] : memref<48xi32, #tpu.memory_space<smem>>
    %c1_i32 = arith.constant 1 : i32
    %c0_i32 = arith.constant 0 : i32
    %c0_i32_1 = arith.constant 0 : i32
    return %get3A_0, %c1_i32, %c0_i32 : i32, i32, i32
  }
  func.func @transform_6(%arg0: i32, %arg1: memref<48xi32, #tpu.memory_space<smem>>) -> (i32, i32) {
    %c0_i32 = arith.constant 0 : i32
    %c0_i32_0 = arith.constant 0 : i32
    return %arg0, %c0_i32 : i32, i32
  }
}

module attributes {stable_mosaic.version = 14 : i64} {
  func.func @_mm_body(%arg0: i32, %arg1: memref<40xi32, #tpu.memory_space<smem>>, %arg2: memref<32x1024xf32, #tpu.memory_space<vmem>>, %arg3: memref<1x1x32xf32, #tpu.memory_space<vmem>>, %arg4: memref<1x512x1024xf32, #tpu.memory_space<vmem>>, %arg5: memref<1x512x1024xf32, #tpu.memory_space<vmem>>, %arg6: memref<1x512x512xf32, #tpu.memory_space<vmem>>, %arg7: memref<1x512x512xf32, #tpu.memory_space<vmem>>, %arg8: memref<32x1024xf32, #tpu.memory_space<vmem>>) attributes {dimension_semantics = [#tpu.dimension_semantics<arbitrary>], iteration_bounds = array<i64: 40>, scalar_prefetch = 1 : i64, scratch_operands = 0 : i64, tpu.core_type = #tpu.core_type<tc>, window_params = [{transform_indices = @transform_0, window_bounds = array<i64: 32, 1024>}, {transform_indices = @transform_1, window_bounds = array<i64: 1, 1, 32>}, {transform_indices = @transform_2, window_bounds = array<i64: 1, 512, 1024>}, {transform_indices = @transform_3, window_bounds = array<i64: 1, 512, 1024>}, {transform_indices = @transform_4, window_bounds = array<i64: 1, 512, 512>}, {transform_indices = @transform_5, window_bounds = array<i64: 1, 512, 512>}, {transform_indices = @transform_6, window_bounds = array<i64: 32, 1024>}]} {
    %get3A = arith.constant 0 : index
    %get3A_0 = arith.constant 0 : index
    %get3A_1 = vector.load %arg2[%get3A, %get3A_0] : memref<32x1024xf32, #tpu.memory_space<vmem>>, vector<32x1024xf32>
    %get3A_2 = arith.constant 0 : index
    %get3A_3 = arith.constant 0 : index
    %get3A_4 = arith.constant 0 : index
    %get3A_5 = vector.load %arg4[%get3A_2, %get3A_3, %get3A_4] : memref<1x512x1024xf32, #tpu.memory_space<vmem>>, vector<1x512x1024xf32>
    %get3A_6 = vector.shape_cast %get3A_5 : vector<1x512x1024xf32> to vector<512x1024xf32>
    %dot_general3A = arith.constant dense<0.000000e+00> : vector<32x512xf32>
    %dot_general3A_7 = tpu.matmul %get3A_1, %get3A_6, %dot_general3A {dimension_numbers = #tpu.dot_dimension_numbers<[1], [1], [0], [0], [0, 0, 1, 0], [], []>, transpose_lhs_hint = false} : vector<32x1024xf32>, vector<512x1024xf32>, vector<32x512xf32> -> vector<32x512xf32>
    %get3A_8 = arith.constant 0 : index
    %get3A_9 = arith.constant 0 : index
    %get3A_10 = arith.constant 0 : index
    %get3A_11 = vector.load %arg5[%get3A_8, %get3A_9, %get3A_10] : memref<1x512x1024xf32, #tpu.memory_space<vmem>>, vector<1x512x1024xf32>
    %get3A_12 = vector.shape_cast %get3A_11 : vector<1x512x1024xf32> to vector<512x1024xf32>
    %dot_general3A_13 = arith.constant dense<0.000000e+00> : vector<32x512xf32>
    %dot_general3A_14 = tpu.matmul %get3A_1, %get3A_12, %dot_general3A_13 {dimension_numbers = #tpu.dot_dimension_numbers<[1], [1], [0], [0], [0, 0, 1, 0], [], []>, transpose_lhs_hint = false} : vector<32x1024xf32>, vector<512x1024xf32>, vector<32x512xf32> -> vector<32x512xf32>
    %logistic3A = arith.negf %dot_general3A_7 : vector<32x512xf32>
    %logistic3A_15 = math.exp %logistic3A : vector<32x512xf32>
    %logistic3A_16 = arith.constant 1.000000e+00 : f32
    %logistic3A_17 = vector.broadcast %logistic3A_16 : f32 to vector<32x512xf32>
    %logistic3A_18 = arith.addf %logistic3A_17, %logistic3A_15 : vector<32x512xf32>
    %logistic3A_19 = arith.divf %logistic3A_17, %logistic3A_18 : vector<32x512xf32>
    %mul3A = arith.mulf %dot_general3A_7, %logistic3A_19 : vector<32x512xf32>
    %mul3A_20 = arith.mulf %mul3A, %dot_general3A_14 : vector<32x512xf32>
    %get3A_21 = arith.constant 0 : index
    %get3A_22 = arith.constant 0 : index
    %get3A_23 = arith.constant 0 : index
    %get3A_24 = vector.load %arg6[%get3A_21, %get3A_22, %get3A_23] : memref<1x512x512xf32, #tpu.memory_space<vmem>>, vector<1x512x512xf32>
    %get3A_25 = vector.shape_cast %get3A_24 : vector<1x512x512xf32> to vector<512x512xf32>
    %dot_general3A_26 = arith.constant dense<0.000000e+00> : vector<32x512xf32>
    %dot_general3A_27 = tpu.matmul %mul3A_20, %get3A_25, %dot_general3A_26 {dimension_numbers = #tpu.dot_dimension_numbers<[1], [1], [0], [0], [0, 0, 1, 0], [], []>, transpose_lhs_hint = false} : vector<32x512xf32>, vector<512x512xf32>, vector<32x512xf32> -> vector<32x512xf32>
    %get3A_28 = arith.constant 0 : index
    %get3A_29 = arith.constant 0 : index
    %get3A_30 = arith.constant 0 : index
    %get3A_31 = vector.load %arg7[%get3A_28, %get3A_29, %get3A_30] : memref<1x512x512xf32, #tpu.memory_space<vmem>>, vector<1x512x512xf32>
    %get3A_32 = vector.shape_cast %get3A_31 : vector<1x512x512xf32> to vector<512x512xf32>
    %dot_general3A_33 = arith.constant dense<0.000000e+00> : vector<32x512xf32>
    %dot_general3A_34 = tpu.matmul %mul3A_20, %get3A_32, %dot_general3A_33 {dimension_numbers = #tpu.dot_dimension_numbers<[1], [1], [0], [0], [0, 0, 1, 0], [], []>, transpose_lhs_hint = false} : vector<32x512xf32>, vector<512x512xf32>, vector<32x512xf32> -> vector<32x512xf32>
    %concatenate3A = tpu.concatenate %dot_general3A_27, %dot_general3A_34 in 1 : vector<32x512xf32>, vector<32x512xf32> -> vector<32x1024xf32>
    %get3A_35 = arith.constant 0 : index
    %get3A_36 = arith.constant 0 : index
    %get3A_37 = arith.constant 0 : index
    %get3A_38 = vector.load %arg3[%get3A_35, %get3A_36, %get3A_37] : memref<1x1x32xf32, #tpu.memory_space<vmem>>, vector<1x1x32xf32>
    %get3A_39 = vector.shape_cast %get3A_38 : vector<1x1x32xf32> to vector<32xf32>
    %broadcast_in_dim3A = vector.shape_cast %get3A_39 : vector<32xf32> to vector<32x1xf32>
    %mul3A_40 = vector.broadcast %broadcast_in_dim3A : vector<32x1xf32> to vector<32x1024xf32>
    %mul3A_41 = arith.mulf %concatenate3A, %mul3A_40 : vector<32x1024xf32>
    %swap3A = arith.constant 0 : index
    %swap3A_42 = arith.constant 0 : index
    %swap3A_43 = vector.load %arg8[%swap3A, %swap3A_42] : memref<32x1024xf32, #tpu.memory_space<vmem>>, vector<32x1024xf32>
    tpu.vector_store %arg8[%swap3A, %swap3A_42], %mul3A_41 {strides = array<i32>} : memref<32x1024xf32, #tpu.memory_space<vmem>>, vector<32x1024xf32>,
    return
  }
  func.func @transform_0(%arg0: i32, %arg1: memref<40xi32, #tpu.memory_space<smem>>) -> (i32, i32) {
    %c0_i32 = arith.constant 0 : i32
    %c0_i32_0 = arith.constant 0 : i32
    return %arg0, %c0_i32 : i32, i32
  }
  func.func @transform_1(%arg0: i32, %arg1: memref<40xi32, #tpu.memory_space<smem>>) -> (i32, i32, i32) {
    %c0_i32 = arith.constant 0 : i32
    %c0_i32_0 = arith.constant 0 : i32
    %c0_i32_1 = arith.constant 0 : i32
    return %arg0, %c0_i32, %c0_i32_0 : i32, i32, i32
  }
  func.func @transform_2(%arg0: i32, %arg1: memref<40xi32, #tpu.memory_space<smem>>) -> (i32, i32, i32) {
    %get3A = arith.index_cast %arg0 : i32 to index
    %get3A_0 = memref.load %arg1[%get3A] : memref<40xi32, #tpu.memory_space<smem>>
    %c0_i32 = arith.constant 0 : i32
    %c0_i32_1 = arith.constant 0 : i32
    %c0_i32_2 = arith.constant 0 : i32
    return %get3A_0, %c0_i32, %c0_i32_1 : i32, i32, i32
  }
  func.func @transform_3(%arg0: i32, %arg1: memref<40xi32, #tpu.memory_space<smem>>) -> (i32, i32, i32) {
    %get3A = arith.index_cast %arg0 : i32 to index
    %get3A_0 = memref.load %arg1[%get3A] : memref<40xi32, #tpu.memory_space<smem>>
    %c1_i32 = arith.constant 1 : i32
    %c0_i32 = arith.constant 0 : i32
    %c0_i32_1 = arith.constant 0 : i32
    return %get3A_0, %c1_i32, %c0_i32 : i32, i32, i32
  }
  func.func @transform_4(%arg0: i32, %arg1: memref<40xi32, #tpu.memory_space<smem>>) -> (i32, i32, i32) {
    %get3A = arith.index_cast %arg0 : i32 to index
    %get3A_0 = memref.load %arg1[%get3A] : memref<40xi32, #tpu.memory_space<smem>>
    %c0_i32 = arith.constant 0 : i32
    %c0_i32_1 = arith.constant 0 : i32
    %c0_i32_2 = arith.constant 0 : i32
    return %get3A_0, %c0_i32, %c0_i32_1 : i32, i32, i32
  }
  func.func @transform_5(%arg0: i32, %arg1: memref<40xi32, #tpu.memory_space<smem>>) -> (i32, i32, i32) {
    %get3A = arith.index_cast %arg0 : i32 to index
    %get3A_0 = memref.load %arg1[%get3A] : memref<40xi32, #tpu.memory_space<smem>>
    %c1_i32 = arith.constant 1 : i32
    %c0_i32 = arith.constant 0 : i32
    %c0_i32_1 = arith.constant 0 : i32
    return %get3A_0, %c1_i32, %c0_i32 : i32, i32, i32
  }
  func.func @transform_6(%arg0: i32, %arg1: memref<40xi32, #tpu.memory_space<smem>>) -> (i32, i32) {
    %c0_i32 = arith.constant 0 : i32
    %c0_i32_0 = arith.constant 0 : i32
    return %arg0, %c0_i32 : i32, i32
  }
}

module attributes {stable_mosaic.version = 14 : i64} {
  func.func @_mm_body(%arg0: i32, %arg1: memref<8xi32, #tpu.memory_space<smem>>, %arg2: memref<32x1024xf32, #tpu.memory_space<vmem>>, %arg3: memref<1x1x32xf32, #tpu.memory_space<vmem>>, %arg4: memref<1x512x1024xf32, #tpu.memory_space<vmem>>, %arg5: memref<1x512x1024xf32, #tpu.memory_space<vmem>>, %arg6: memref<1x512x512xf32, #tpu.memory_space<vmem>>, %arg7: memref<1x512x512xf32, #tpu.memory_space<vmem>>, %arg8: memref<32x1024xf32, #tpu.memory_space<vmem>>) attributes {dimension_semantics = [#tpu.dimension_semantics<arbitrary>], iteration_bounds = array<i64: 8>, scalar_prefetch = 1 : i64, scratch_operands = 0 : i64, tpu.core_type = #tpu.core_type<tc>, window_params = [{transform_indices = @transform_0, window_bounds = array<i64: 32, 1024>}, {transform_indices = @transform_1, window_bounds = array<i64: 1, 1, 32>}, {transform_indices = @transform_2, window_bounds = array<i64: 1, 512, 1024>}, {transform_indices = @transform_3, window_bounds = array<i64: 1, 512, 1024>}, {transform_indices = @transform_4, window_bounds = array<i64: 1, 512, 512>}, {transform_indices = @transform_5, window_bounds = array<i64: 1, 512, 512>}, {transform_indices = @transform_6, window_bounds = array<i64: 32, 1024>}]} {
    %get3A = arith.constant 0 : index
    %get3A_0 = arith.constant 0 : index
    %get3A_1 = vector.load %arg2[%get3A, %get3A_0] : memref<32x1024xf32, #tpu.memory_space<vmem>>, vector<32x1024xf32>
    %get3A_2 = arith.constant 0 : index
    %get3A_3 = arith.constant 0 : index
    %get3A_4 = arith.constant 0 : index
    %get3A_5 = vector.load %arg4[%get3A_2, %get3A_3, %get3A_4] : memref<1x512x1024xf32, #tpu.memory_space<vmem>>, vector<1x512x1024xf32>
    %get3A_6 = vector.shape_cast %get3A_5 : vector<1x512x1024xf32> to vector<512x1024xf32>
    %dot_general3A = arith.constant dense<0.000000e+00> : vector<32x512xf32>
    %dot_general3A_7 = tpu.matmul %get3A_1, %get3A_6, %dot_general3A {dimension_numbers = #tpu.dot_dimension_numbers<[1], [1], [0], [0], [0, 0, 1, 0], [], []>, transpose_lhs_hint = false} : vector<32x1024xf32>, vector<512x1024xf32>, vector<32x512xf32> -> vector<32x512xf32>
    %get3A_8 = arith.constant 0 : index
    %get3A_9 = arith.constant 0 : index
    %get3A_10 = arith.constant 0 : index
    %get3A_11 = vector.load %arg5[%get3A_8, %get3A_9, %get3A_10] : memref<1x512x1024xf32, #tpu.memory_space<vmem>>, vector<1x512x1024xf32>
    %get3A_12 = vector.shape_cast %get3A_11 : vector<1x512x1024xf32> to vector<512x1024xf32>
    %dot_general3A_13 = arith.constant dense<0.000000e+00> : vector<32x512xf32>
    %dot_general3A_14 = tpu.matmul %get3A_1, %get3A_12, %dot_general3A_13 {dimension_numbers = #tpu.dot_dimension_numbers<[1], [1], [0], [0], [0, 0, 1, 0], [], []>, transpose_lhs_hint = false} : vector<32x1024xf32>, vector<512x1024xf32>, vector<32x512xf32> -> vector<32x512xf32>
    %logistic3A = arith.negf %dot_general3A_7 : vector<32x512xf32>
    %logistic3A_15 = math.exp %logistic3A : vector<32x512xf32>
    %logistic3A_16 = arith.constant 1.000000e+00 : f32
    %logistic3A_17 = vector.broadcast %logistic3A_16 : f32 to vector<32x512xf32>
    %logistic3A_18 = arith.addf %logistic3A_17, %logistic3A_15 : vector<32x512xf32>
    %logistic3A_19 = arith.divf %logistic3A_17, %logistic3A_18 : vector<32x512xf32>
    %mul3A = arith.mulf %dot_general3A_7, %logistic3A_19 : vector<32x512xf32>
    %mul3A_20 = arith.mulf %mul3A, %dot_general3A_14 : vector<32x512xf32>
    %get3A_21 = arith.constant 0 : index
    %get3A_22 = arith.constant 0 : index
    %get3A_23 = arith.constant 0 : index
    %get3A_24 = vector.load %arg6[%get3A_21, %get3A_22, %get3A_23] : memref<1x512x512xf32, #tpu.memory_space<vmem>>, vector<1x512x512xf32>
    %get3A_25 = vector.shape_cast %get3A_24 : vector<1x512x512xf32> to vector<512x512xf32>
    %dot_general3A_26 = arith.constant dense<0.000000e+00> : vector<32x512xf32>
    %dot_general3A_27 = tpu.matmul %mul3A_20, %get3A_25, %dot_general3A_26 {dimension_numbers = #tpu.dot_dimension_numbers<[1], [1], [0], [0], [0, 0, 1, 0], [], []>, transpose_lhs_hint = false} : vector<32x512xf32>, vector<512x512xf32>, vector<32x512xf32> -> vector<32x512xf32>
    %get3A_28 = arith.constant 0 : index
    %get3A_29 = arith.constant 0 : index
    %get3A_30 = arith.constant 0 : index
    %get3A_31 = vector.load %arg7[%get3A_28, %get3A_29, %get3A_30] : memref<1x512x512xf32, #tpu.memory_space<vmem>>, vector<1x512x512xf32>
    %get3A_32 = vector.shape_cast %get3A_31 : vector<1x512x512xf32> to vector<512x512xf32>
    %dot_general3A_33 = arith.constant dense<0.000000e+00> : vector<32x512xf32>
    %dot_general3A_34 = tpu.matmul %mul3A_20, %get3A_32, %dot_general3A_33 {dimension_numbers = #tpu.dot_dimension_numbers<[1], [1], [0], [0], [0, 0, 1, 0], [], []>, transpose_lhs_hint = false} : vector<32x512xf32>, vector<512x512xf32>, vector<32x512xf32> -> vector<32x512xf32>
    %concatenate3A = tpu.concatenate %dot_general3A_27, %dot_general3A_34 in 1 : vector<32x512xf32>, vector<32x512xf32> -> vector<32x1024xf32>
    %get3A_35 = arith.constant 0 : index
    %get3A_36 = arith.constant 0 : index
    %get3A_37 = arith.constant 0 : index
    %get3A_38 = vector.load %arg3[%get3A_35, %get3A_36, %get3A_37] : memref<1x1x32xf32, #tpu.memory_space<vmem>>, vector<1x1x32xf32>
    %get3A_39 = vector.shape_cast %get3A_38 : vector<1x1x32xf32> to vector<32xf32>
    %broadcast_in_dim3A = vector.shape_cast %get3A_39 : vector<32xf32> to vector<32x1xf32>
    %mul3A_40 = vector.broadcast %broadcast_in_dim3A : vector<32x1xf32> to vector<32x1024xf32>
    %mul3A_41 = arith.mulf %concatenate3A, %mul3A_40 : vector<32x1024xf32>
    %swap3A = arith.constant 0 : index
    %swap3A_42 = arith.constant 0 : index
    %swap3A_43 = vector.load %arg8[%swap3A, %swap3A_42] : memref<32x1024xf32, #tpu.memory_space<vmem>>, vector<32x1024xf32>
    tpu.vector_store %arg8[%swap3A, %swap3A_42], %mul3A_41 {strides = array<i32>} : memref<32x1024xf32, #tpu.memory_space<vmem>>, vector<32x1024xf32>,
    return
  }
  func.func @transform_0(%arg0: i32, %arg1: memref<8xi32, #tpu.memory_space<smem>>) -> (i32, i32) {
    %c0_i32 = arith.constant 0 : i32
    %c0_i32_0 = arith.constant 0 : i32
    return %arg0, %c0_i32 : i32, i32
  }
  func.func @transform_1(%arg0: i32, %arg1: memref<8xi32, #tpu.memory_space<smem>>) -> (i32, i32, i32) {
    %c0_i32 = arith.constant 0 : i32
    %c0_i32_0 = arith.constant 0 : i32
    %c0_i32_1 = arith.constant 0 : i32
    return %arg0, %c0_i32, %c0_i32_0 : i32, i32, i32
  }
  func.func @transform_2(%arg0: i32, %arg1: memref<8xi32, #tpu.memory_space<smem>>) -> (i32, i32, i32) {
    %get3A = arith.index_cast %arg0 : i32 to index
    %get3A_0 = memref.load %arg1[%get3A] : memref<8xi32, #tpu.memory_space<smem>>
    %c0_i32 = arith.constant 0 : i32
    %c0_i32_1 = arith.constant 0 : i32
    %c0_i32_2 = arith.constant 0 : i32
    return %get3A_0, %c0_i32, %c0_i32_1 : i32, i32, i32
  }
  func.func @transform_3(%arg0: i32, %arg1: memref<8xi32, #tpu.memory_space<smem>>) -> (i32, i32, i32) {
    %get3A = arith.index_cast %arg0 : i32 to index
    %get3A_0 = memref.load %arg1[%get3A] : memref<8xi32, #tpu.memory_space<smem>>
    %c1_i32 = arith.constant 1 : i32
    %c0_i32 = arith.constant 0 : i32
    %c0_i32_1 = arith.constant 0 : i32
    return %get3A_0, %c1_i32, %c0_i32 : i32, i32, i32
  }
  func.func @transform_4(%arg0: i32, %arg1: memref<8xi32, #tpu.memory_space<smem>>) -> (i32, i32, i32) {
    %get3A = arith.index_cast %arg0 : i32 to index
    %get3A_0 = memref.load %arg1[%get3A] : memref<8xi32, #tpu.memory_space<smem>>
    %c0_i32 = arith.constant 0 : i32
    %c0_i32_1 = arith.constant 0 : i32
    %c0_i32_2 = arith.constant 0 : i32
    return %get3A_0, %c0_i32, %c0_i32_1 : i32, i32, i32
  }
  func.func @transform_5(%arg0: i32, %arg1: memref<8xi32, #tpu.memory_space<smem>>) -> (i32, i32, i32) {
    %get3A = arith.index_cast %arg0 : i32 to index
    %get3A_0 = memref.load %arg1[%get3A] : memref<8xi32, #tpu.memory_space<smem>>
    %c1_i32 = arith.constant 1 : i32
    %c0_i32 = arith.constant 0 : i32
    %c0_i32_1 = arith.constant 0 : i32
    return %get3A_0, %c1_i32, %c0_i32 : i32, i32, i32
  }
  func.func @transform_6(%arg0: i32, %arg1: memref<8xi32, #tpu.memory_space<smem>>) -> (i32, i32) {
    %c0_i32 = arith.constant 0 : i32
    %c0_i32_0 = arith.constant 0 : i32
    return %arg0, %c0_i32 : i32, i32
  }
}

</mosaic_0001>

<sc_bundles>
// kernel: kernel.17.cloned.1.call-start
scs
__scs_entry_jumppad:
0x0: {  	(pc) =	sbr.rel $0x88, $3  }
0x1: {  	(tag) =	ssettag $0x0;
	lr =	simm.s32 $0x1  }
0x2: {  	[smem:$0x3F9C] =	sst lr;
	_ =	strace $0xD0000000  }
0x3: {  	_ = 	snop  }
0x4: {  	_ = 	snop  }
0x5: {  	_ = 	snop  }
0x6: {  	_ = 	snop  }
0x7: {  	_ = 	snop  }
__scs_overlays_trampoline_lowered:
0x8: {  	[smem:$0x3FAB] =	sst s0  }
0x9: {  	[smem:$0x3FAC] =	sst s1  }
0xa: {  	[smem:$0x3FAD] =	sst s2  }
0xb: {  	[smem:$0x3FAE] =	sst s3  }
0xc: {  	[smem:$0x3FAF] =	sst s4  }
0xd: {  	[smem:$0x3FB0] =	sst s5  }
0xe: {  	[smem:$0x3FB1] =	sst s6  }
0xf: {  	[smem:$0x3FB2] =	sst s7  }
0x10: {  	[smem:$0x3FB3] =	sst s8  }
0x11: {  	[smem:$0x3FB4] =	sst s9;
	s0 =	simm.s32 @!p0 $0x0  }
0x12: {  	s1 =	sld [smem:$0x3F9A];
	s0 =	simm.s32 @p0 $0x1  }
0x13: {  	[smem:$0x3FB5] =	sst s0;
	s0 =	simm.s32 @!p1 $0x0  }
0x14: {  	s2 =	sld [smem:$0x3F99];
	s0 =	simm.s32 @p1 $0x1  }
0x15: {  	[smem:$0x3FB6] =	sst s0;
	s0 =	simm.s32 @!p2 $0x0  }
0x16: {  	s3 =	sld [smem:$0x3FDB];
	s0 =	simm.s32 @p2 $0x1  }
0x17: {  	s4 =	simm.s32 $0x1BF5;
	[smem:$0x3FB8] =	sst s0  }
0x18: {  	s0 =	sld [smem:$0x3F9B];
	_ =	swait.ge [sflag:s4], $0x0  }
0x19: {  	s7 =	sld [smem:$0x3F9C]  }
0x1a: {  	s8 =	sadd.s32 $0xFFFFE003, lr  }
0x1b: {  	s9 =	sadd.s32 $0xFFFFFEF7, lr;
	s5 =	simm.s32 $0xFFFFFFFF;
	p2 =	slt.u32 s8, $0xFFFFF086  }
0x1c: {  	p1 =	slt.u32 s9, $0xF7A;
	s5 =	simm.s32 @!p2 $0x0  }
0x1d: {  	s5 =	simm.s32 @p1 $0x1;
	p0 =	seq.s32 s7, s2  }
0x1e: {  	s7 =	smul.u32 @!p0 $0xF7A, s2;
	p2 =	seq.s32 @!p0 s5, $0x0  }
0x1f: {  	s9 =	smul.u32 $0xF7A, s1;
	s8 =	simm.s32 @!p0 $0x1BF5;
	p2 =	por !p2, p0  }
0x20: {  	[sflag:s8] =	ssyncset.s32 @!p0 $0xFFFFF086;
	s6 =	sadd.s32 @!p0 s3, s7;
	s7 =	simm.s32 @!p0 $0x108  }
0x21: {  	s3 =	sadd.s32 s3, s9;
	s6 =	sadd.s32 @!p0 $0x88, s6;
	s7 =	simm.s32 @p2 $0x1082  }
0x22: {  	[simem:s7], [sflag:s8] =	dma.local @!p0 [hbm:s6], $0xF7A  }
0x23: {  	s9 =	sor.u32 $0xD0000000, s2;
	s6 =	simm.s32 $0x108;
	_ =	swait.ge @!p0 [sflag:s8], $0x0  }
0x24: {  	s3 =	sadd.s32 $0x88, s3;
	s6 =	simm.s32 @!p1 $0x1082;
	[sflag:s4] =	ssyncset.s32 $0xFFFFF086  }
0x25: {  	[simem:s6], [sflag:s4] =	dma.local [hbm:s3], $0xF7A  }
0x26: {  	[smem:$0x3F9C] =	sst s1;
	(tag) =	ssettag s2;
	_ =	strace s9  }
0x27: {  	s1 =	sld [smem:$0x3FAC]  }
0x28: {  	s2 =	sld [smem:$0x3FAD]  }
0x29: {  	s4 =	sld [smem:$0x3FAF]  }
0x2a: {  	p0 =	seq.s32 s5, $0x0;
	s5 =	sld [smem:$0x3FB0]  }
0x2b: {  	s6 =	sld [smem:$0x3FB1]  }
0x2c: {  	s7 =	sld [smem:$0x3FB2]  }
0x2d: {  	s3 =	simm.s32 $0x108;
	s8 =	sld [smem:$0x3FB3]  }
0x2e: {  	s3 =	simm.s32 @!p0 $0x1082;
	s9 =	sld [smem:$0x3FB4]  }
0x2f: {  	lr =	sadd.s32 s0, s3;
	s0 =	sld [smem:$0x3FAB]  }
0x30: {  	s3 =	sld [smem:$0x3FAE]  }
0x31: {  	[smem:$0x3FB7] =	sst s10  }
0x32: {  	s10 =	sld [smem:$0x3FB5];
	_ =	sdelay $0x3  }
0x33: {  	p0 =	seq.s32 s10, $0x1;
	s10 =	sld [smem:$0x3FB7];
	_ =	sdelay $0x3  }
0x34: {  	[smem:$0x3FB7] =	sst s10  }
0x35: {  	s10 =	sld [smem:$0x3FB6];
	_ =	sdelay $0x3  }
0x36: {  	p1 =	seq.s32 s10, $0x1;
	s10 =	sld [smem:$0x3FB7];
	_ =	sdelay $0x3  }
0x37: {  	[smem:$0x3FB7] =	sst s10  }
0x38: {  	s10 =	sld [smem:$0x3FB8]  }
0x39: {  	_ = 	snop;
	(pc) =	sbr.ind lr, $3  }
0x3a: {  	_ = 	snop  }
0x3b: {  	_ = 	snop  }
0x3c: {  	p2 =	seq.s32 s10, $0x1;
	s10 =	sld [smem:$0x3FB7]  }
0x3d: {  	_ =	shalt  }
0x3e: {  	_ =	shalt  }
0x3f: {  	_ =	shalt  }
0x40: {  	_ =	shalt  }
0x41: {  	_ =	shalt  }
0x42: {  	_ =	shalt  }
0x43: {  	_ =	shalt  }
0x44: {  	_ =	shalt  }
0x45: {  	_ =	shalt  }
0x46: {  	_ =	shalt  }
0x47: {  	_ =	shalt  }
0x48: {  	_ =	shalt  }
0x49: {  	_ =	shalt  }
0x4a: {  	_ =	shalt  }
0x4b: {  	_ =	shalt  }
0x4c: {  	_ =	shalt  }
0x4d: {  	_ =	shalt  }
0x4e: {  	_ =	shalt  }
0x4f: {  	_ =	shalt  }
0x50: {  	_ =	shalt  }
0x51: {  	_ =	shalt  }
0x52: {  	_ =	shalt  }
0x53: {  	_ =	shalt  }
0x54: {  	_ =	shalt  }
0x55: {  	_ =	shalt  }
0x56: {  	_ =	shalt  }
0x57: {  	_ =	shalt  }
0x58: {  	_ =	shalt  }
0x59: {  	_ =	shalt  }
0x5a: {  	_ =	shalt  }
0x5b: {  	_ =	shalt  }
0x5c: {  	_ =	shalt  }
0x5d: {  	_ =	shalt  }
0x5e: {  	_ =	shalt  }
0x5f: {  	_ =	shalt  }
0x60: {  	_ =	shalt  }
0x61: {  	_ =	shalt  }
0x62: {  	_ =	shalt  }
0x63: {  	_ =	shalt  }
0x64: {  	_ =	shalt  }
0x65: {  	_ =	shalt  }
0x66: {  	_ =	shalt  }
0x67: {  	_ =	shalt  }
0x68: {  	_ =	shalt  }
0x69: {  	_ =	shalt  }
0x6a: {  	_ =	shalt  }
0x6b: {  	_ =	shalt  }
0x6c: {  	_ =	shalt  }
0x6d: {  	_ =	shalt  }
0x6e: {  	_ =	shalt  }
0x6f: {  	_ =	shalt  }
0x70: {  	_ =	shalt  }
0x71: {  	_ =	shalt  }
0x72: {  	_ =	shalt  }
0x73: {  	_ =	shalt  }
0x74: {  	_ =	shalt  }
0x75: {  	_ =	shalt  }
0x76: {  	_ =	shalt  }
0x77: {  	_ =	shalt  }
0x78: {  	_ =	shalt  }
0x79: {  	_ =	shalt  }
0x7a: {  	_ =	shalt  }
0x7b: {  	_ =	shalt  }
0x7c: {  	_ =	shalt  }
0x7d: {  	_ =	shalt  }
0x7e: {  	_ =	shalt  }
0x7f: {  	_ =	shalt  }
0x80: {  	_ =	shalt  }
0x81: {  	_ =	shalt  }
0x82: {  	_ =	shalt  }
0x83: {  	_ =	shalt  }
0x84: {  	_ =	shalt  }
0x85: {  	_ =	shalt  }
0x86: {  	_ =	shalt  }
0x87: {  	_ =	shalt  }
.Lfunc_end0:
.L_simem_size_0:
called_computation_lowered:
.L_overlay_start_0:
0x88: {  	s2 =	sld [smem:$0x3FD9]  }
0x89: {  	s3 =	sld [smem:$0x3FFE];
	_ =	sdelay $0x1  }
0x8a: {  	s1 =	srdreg.scid  }
0x8b: {  	s0 =	sand.u32 $0x1, s1  }
0x8c: {  	s17 =	sshll.u32 s0, $0xA;
	s2 =	sadd.s32 s3, s2  }
0x8d: {  	s2 =	sadd.s32 s2, s17  }
0x8e: {  	[smem:$0x3FC3] =	sst s2  }
0x8f: {  	_ = 	snop  }
0x90: {  	s2 =	sld [smem:$0x3FC9];
	(tm) =	ssettm $0x1  }
0x91: {  	s18 =	sld [smem:$0x3FFB];
	_ =	sdelay $0x3  }
0x92: {  	_ =	strace s18  }
0x93: {  	s3 =	sld [smem:$0x3FFC];
	_ =	sdelay $0x3  }
0x94: {  	_ =	strace s3  }
0x95: {  	s3 =	sld [smem:$0x3FFD];
	_ =	sdelay $0x3  }
0x96: {  	_ =	strace s3  }
0x97: {  	_ =	strace $0x8FFFFFFF  }
0x98: {  	s19 =	sld [smem:$0x3FDB];
	_ =	sdelay $0x1  }
0x99: {  	s4 =	simm.s32 $_scs_section_size  }
0x9a: {  	s5 =	simm.s32 $_size__tile_overlayer_lowered;
	s6 =	simm.s32 $_tile_overlayer_lowered  }
0x9b: {  	s22 =	simm.s32 $0x1BFF;
	s21 =	sshll.u32 s6, $0x1;
	s3 =	sadd.s32 s4, s19  }
0x9c: {  	s7 =	simm.s32 $0x0;
	s20 =	sshll.u32 s5, $0x1;
	s5 =	sadd.s32 s21, s3  }
0x9d: {  	[timem:s7], [sflag:s22] =	dma.local [hbm:s5], s20  }
0x9e: {  	_ =	swait.ge [sflag:s22], s20  }
0x9f: {  	s4 =	ssub.s32 $0x0, s20;
	[sflag:s22] =	ssyncset.done $0x0  }
0xa0: {  	[sflag:s22] =	ssyncadd.s32 s4;
	_ =	sdelay $0x1  }
0xa1: {  	s23 =	simm.s32 $0x1B8B  }
0xa2: {  	_ =	swait.ge [sflag:s23], $0x1  }
0xa3: {  	[sflag:s23] =	ssyncset.done $0x0  }
0xa4: {  	s25 =	simm.s32 $0x1B8E;
	s24 =	sld [smem:$0x3FFE];
	[sflag:s23] =	ssyncadd.s32 $0xFFFFFFFF  }
0xa5: {  	s26 =	simm.s32 $execute0_lowered;
	[smem:$0x3FD2] =	sst s25  }
0xa6: {  	s5 =	sshll.u32 s26, $0x1;
	_ =	strace $0x80000046;
	[dreg:$0x1] =	wrdreg $0xFFFFFFFF  }
0xa7: {  	s28 =	simm.s32 $_size_execute0_lowered;
	s3 =	sadd.s32 s3, s5;
	[dreg:$0x0] =	wrdreg $0x0  }
0xa8: {  	s5 =	sshll.u32 s28, $0x1;
	[dreg:$0x2] =	wrdreg s3  }
0xa9: {  	[dreg:$0x3] =	wrdreg s5  }
0xaa: {  	[dreg:$0x4] =	wrdreg $0xC0  }
0xab: {  	_ =	task [dreg:s7], $0x5FFFF  }
0xac: {  	[dreg:$0x1] =	wrdreg $0xFFFFFFFF  }
0xad: {  	[dreg:$0x0] =	wrdreg $0x60  }
0xae: {  	[dreg:$0x2] =	wrdreg s2  }
0xaf: {  	[dreg:$0x3] =	wrdreg s24  }
0xb0: {  	[dreg:$0x4] =	wrdreg $0x9  }
0xb1: {  	_ =	task.clear_ibuf [dreg:s7], $0x5FFFF;
	_ =	strace $0x90000046  }
0xb2: {  	s29 =	simm.s32 $0x9;
	_ =	strace $0x80000048  }
0xb3: {  	_ =	swait.ge [sflag:s29], $0x1  }
0xb4: {  	[sflag:s29] =	ssyncadd.s32 $0xFFFFFFFF  }
0xb5: {  	_ =	strace $0x90000048  }
0xb6: {  	_ =	sfence  }
0xb7: {  	s30 =	sld [smem:$0x0];
	_ =	sdelay $0x2  }
0xb8: {  	s31 =	sshll.u32 s1, $0xD;
	s1 =	sshrl.u32 s1, $0x2  }
0xb9: {  	s3 =	sand.u32 $0x4000, s31;
	s1 =	sadd.s32 s1, s30  }
0xba: {  	s0 =	sor.u32 s3, s0;
	s1 =	sshll.u32 s1, $0x11  }
0xbb: {  	s0 =	sor.u32 s1, s0  }
0xbc: {  	s0 =	sadd.s32 $0x8F2B, s0  }
0xbd: {  	[sflag:s0] =	ssyncadd.remote.s32 $0x1  }
0xbe: {  	_ =	sfence.sel $0xFFFF  }
0xbf: {  	[dreg:$0x0] =	wrdreg $0xFFFFFFFF;
	(pc) =	sbr.abs _section_cstart, $3  }
0xc0: {  	[dreg:$0x1] =	wrdreg $0xFFFFFFFF  }
0xc1: {  	_ =	task.clear_ibuf [dreg:s7], $0x2FFFF;
	_ =	strace $0x9FFFFFFF  }
0xc2: {  	(tm) =	ssettm $0x7FFFFFFF  }
0xc3: {  	_ =	shalt  }
tec
execute0_lowered:
.L_overlay_start_1:
0x0: {  	(tag) =	ssettag $0x1  }
0x1: {  	s1 =	srdreg.scid  }
0x2: {  	s0 =	stileid.u32;
	s16 =	sand.u32 $0x1, s1  }
0x3: {  	s2 =	rddreg [dreg:$0x0];
	s30 =	sshll.u32 s0, $0x5;
	s3 =	sshll.u32 s16, $0x4  }
0x4: {  	s18 =	rddreg [dreg:$0x1];
	s19 =	sor.u32 s3, s30  }
0x5: {  	s1 =	rddreg [dreg:$0x2];
	s3 =	simm.s32 $0x0;
	s4 =	sshrl.u32 s19, $0x3  }
0x6: {  	[smem:$0x7FF] =	sst s3;
	s4 =	sadd.s32 s4, s18  }
0x7: {  	_ =	strace $0x80000047;
	s5 =	sadd.s32 $0x3200, s4;
	s4 =	simm.s32 $0x2  }
0x8: {  	[tilespmem:s3], [sflag:$0x2] =	stream.linear.gather [hbm4b:s5+s3], $0x10, $0x38;
	[tilespmem:$0x4080] =	vst v63  }
0x9: {  	_ =	swait.ge [sflag:s4], $0x10  }
0xa: {  	[sflag:s4] =	ssyncset.done $0x0  }
0xb: {  	[sflag:s4] =	ssyncadd.s32 $0xFFFFFFF0  }
0xc: {  	v0 =	vld [tilespmem:$0x0];
	_ =	sdelay $0x4  }
0xd: {  	v1 =	vshll.u32 v0, $0x3  }
0xe: {  	v2 =	vlaneseq.u32;
	v3 =	vand.u32 $0x7, v0;
	v1 =	vand.u32 $0xFFFFFFC0, v1  }
0xf: {  	v4 =	vshrl.u32 v2, $0x3;
	v0 =	vand.u32 $0x7, v2;
	v3 =	vor.u32 v3, v1  }
0x10: {  	v1 =	vmul.u32 $0x8, v4;
	v63 =	vperm.xlane v3, v0;
	_ =	sdelay $0x1  }
0x11: {  	v4 =	vadd.s32 v1, v63;
	_ =	sdelay $0x3  }
0x12: {  	vm0 =	vmmov $0xffff;
	s6 =	simm.s32 $0x80  }
0x13: {  	v2 =	vor.u32 $0x8, v2;
	[tilespmem:s6], [sflag:$0x1] =	stream.indirect_vreg.gather [hbm4b:s2+s3], $0x80, v4, vm0, $0xb8;
	[tilespmem:$0x4080] =	vst v63  }
0x14: {  	s8 =	simm.s32 $0x880;
	s7 =	sadd.s32 $0x100, s2;
	v3 =	vperm.xlane v3, v2  }
0x15: {  	[tilespmem:s8], [sflag:$0x1] =	stream.indirect_vreg.gather [hbm4b:s7+s3], $0x80, v4, vm0, $0xb8;
	[tilespmem:$0x4080] =	vst v63  }
0x16: {  	s10 =	simm.s32 $0x1080;
	s9 =	sadd.s32 $0x200, s2;
	v3 =	vadd.s32 v1, v3  }
0x17: {  	[tilespmem:s10], [sflag:$0x1] =	stream.indirect_vreg.gather [hbm4b:s9+s3], $0x80, v4, vm0, $0xb8;
	[tilespmem:$0x4080] =	vst v63  }
0x18: {  	s12 =	simm.s32 $0x1880;
	s11 =	sadd.s32 $0x300, s2  }
0x19: {  	[tilespmem:s12], [sflag:$0x1] =	stream.indirect_vreg.gather [hbm4b:s11+s3], $0x80, v4, vm0, $0xb8;
	[tilespmem:$0x4080] =	vst v63  }
0x1a: {  	s13 =	simm.s32 $0x2080;
	s20 =	ssub.s32 $0x2, s16  }
0x1b: {  	[tilespmem:s13], [sflag:$0x1] =	stream.indirect_vreg.gather [hbm4b:s2+s3], $0x80, v3, vm0, $0xb8;
	[tilespmem:$0x4080] =	vst v63  }
0x1c: {  	s14 =	simm.s32 $0x2880;
	s15 =	simm.s32 $0x3080;
	s21 =	sshrl.u32 s20, $0x1  }
0x1d: {  	[tilespmem:s14], [sflag:$0x1] =	stream.indirect_vreg.gather [hbm4b:s7+s3], $0x80, v3, vm0, $0xb8;
	[tilespmem:$0x4080] =	vst v63  }
0x1e: {  	s17 =	simm.s32 $0x1;
	s19 =	sshll.u32 s19, $0x7;
	s31 =	ssub.s32 s20, s21  }
0x1f: {  	[tilespmem:s15], [sflag:$0x1] =	stream.indirect_vreg.gather [hbm4b:s9+s3], $0x80, v3, vm0, $0xb8;
	[tilespmem:$0x4080] =	vst v63  }
0x20: {  	s16 =	simm.s32 $0x3880;
	s18 =	sadd.s32 s19, s18;
	s19 =	smax.u32 s31, $0x1  }
0x21: {  	[tilespmem:s16], [sflag:$0x1] =	stream.indirect_vreg.gather [hbm4b:s11+s3], $0x80, v3, vm0, $0xb8;
	[tilespmem:$0x4080] =	vst v63  }
0x22: {  	p0 =	sne.s32 s19, $0x1;
	_ =	swait.ge [sflag:s17], $0x4000  }
.Ltmp0:
0x23: {  	[sflag:s17] =	ssyncset.done $0x0;
	(pc) =	sbr.rel @!p0 .LBB2_2-.Ltmp0, $4  }
0x24: {  	s18 =	sadd.s32 $0x3600, s18;
	[sflag:s17] =	ssyncadd.s32 $0xFFFFC000  }
0x25: {  	[hbm4b:s18+s3] =	stream.linear.scatter [tilespmem:s6], [sflag:$0x2], $0x4000, $0x38;
	[tilespmem:$0x4080] =	vst v63  }
0x26: {  	_ =	swait.ge [sflag:s4], $0x4000  }
0x27: {  	s19 =	sadd.s32 $0xFFFFFFFF, s19;
	[sflag:s4] =	ssyncset.done $0x0  }
.LBB2_1:
0x28: {  	p0 =	sne.s32 s19, $0x1;
	s19 =	sadd.s32 $0xFFFFFFFF, s19;
	[sflag:s4] =	ssyncadd.s32 $0xFFFFC000  }
0x29: {  	[tilespmem:s3], [sflag:$0x2] =	stream.linear.gather [hbm4b:s5+s3], $0x10, $0x38;
	[tilespmem:$0x4080] =	vst v63  }
0x2a: {  	_ =	swait.ge [sflag:s4], $0x10  }
0x2b: {  	[sflag:s4] =	ssyncset.done $0x0  }
0x2c: {  	[sflag:s4] =	ssyncadd.s32 $0xFFFFFFF0  }
0x2d: {  	v3 =	vld [tilespmem:$0x0];
	_ =	sdelay $0x4  }
0x2e: {  	v4 =	vshll.u32 v3, $0x3  }
0x2f: {  	v3 =	vand.u32 $0x7, v3;
	v4 =	vand.u32 $0xFFFFFFC0, v4  }
0x30: {  	v3 =	vor.u32 v3, v4  }
0x31: {  	v4 =	vperm.xlane v3, v0;
	v3 =	vperm.xlane v3, v2;
	_ =	sdelay $0x1  }
0x32: {  	v4 =	vadd.s32 v1, v4;
	_ =	sdelay $0x4  }
0x33: {  	[tilespmem:s6], [sflag:$0x1] =	stream.indirect_vreg.gather [hbm4b:s2+s3], $0x80, v4, vm0, $0xb8;
	[tilespmem:$0x4080] =	vst v63  }
0x34: {  	_ = 	snop  }
0x35: {  	[tilespmem:s8], [sflag:$0x1] =	stream.indirect_vreg.gather [hbm4b:s7+s3], $0x80, v4, vm0, $0xb8;
	[tilespmem:$0x4080] =	vst v63  }
0x36: {  	v3 =	vadd.s32 v1, v3  }
0x37: {  	[tilespmem:s10], [sflag:$0x1] =	stream.indirect_vreg.gather [hbm4b:s9+s3], $0x80, v4, vm0, $0xb8;
	[tilespmem:$0x4080] =	vst v63  }
0x38: {  	_ = 	snop  }
0x39: {  	[tilespmem:s12], [sflag:$0x1] =	stream.indirect_vreg.gather [hbm4b:s11+s3], $0x80, v4, vm0, $0xb8;
	[tilespmem:$0x4080] =	vst v63  }
0x3a: {  	_ = 	snop  }
0x3b: {  	[tilespmem:s13], [sflag:$0x1] =	stream.indirect_vreg.gather [hbm4b:s2+s3], $0x80, v3, vm0, $0xb8;
	[tilespmem:$0x4080] =	vst v63  }
0x3c: {  	_ = 	snop  }
0x3d: {  	[tilespmem:s14], [sflag:$0x1] =	stream.indirect_vreg.gather [hbm4b:s7+s3], $0x80, v3, vm0, $0xb8;
	[tilespmem:$0x4080] =	vst v63  }
0x3e: {  	_ = 	snop  }
0x3f: {  	[tilespmem:s15], [sflag:$0x1] =	stream.indirect_vreg.gather [hbm4b:s9+s3], $0x80, v3, vm0, $0xb8;
	[tilespmem:$0x4080] =	vst v63  }
0x40: {  	_ = 	snop  }
0x41: {  	[tilespmem:s16], [sflag:$0x1] =	stream.indirect_vreg.gather [hbm4b:s11+s3], $0x80, v3, vm0, $0xb8;
	[tilespmem:$0x4080] =	vst v63  }
0x42: {  	_ =	swait.ge [sflag:s17], $0x4000  }
.Ltmp1:
0x43: {  	[sflag:s17] =	ssyncset.done $0x0;
	(pc) =	sbr.rel @p0 .LBB2_1-.Ltmp1, $4  }
0x44: {  	[sflag:s17] =	ssyncadd.s32 $0xFFFFC000  }
0x45: {  	[hbm4b:s18+s3] =	stream.linear.scatter [tilespmem:s6], [sflag:$0x2], $0x4000, $0x38;
	[tilespmem:$0x4080] =	vst v63  }
0x46: {  	_ =	swait.ge [sflag:s4], $0x4000  }
0x47: {  	[sflag:s4] =	ssyncset.done $0x0  }
.LBB2_2:
0x48: {  	[sflag:s4] =	ssyncadd.s32 $0xFFFFC000  }
0x49: {  	_ =	sfence.sel $0x180000  }
0x4a: {  	[bflag:$0x0] =	sbarrier.arrive $0xFFFF  }
0x4b: {  	p0 =	sne.s32 s0, $0x0;
	_ =	strace $0x90000047  }
0x4c: {  	s0 =	sadd.s32 @!p0 $0x100000, s1;
	[bflag:$0x2] =	sbarrier.arrive $0xFFFF  }
0x4d: {  	[sflag:s0] =	ssyncadd.tile.s32 @!p0 $0x1;
	_ =	shalt  }
.Lfunc_end2:
_tile_overlayer_lowered:
.L_overlay_start_2:
0x4e: {  	(tag) =	ssettag $0x2  }
0x4f: {  	s0 =	rddreg [dreg:$0x0];
	s2 =	stileid.u32  }
0x50: {  	s1 =	rddreg [dreg:$0x1];
	p0 =	sne.s32 s2, $0x0  }
0x51: {  	s3 =	rddreg [dreg:$0x2];
	[bflag:$0x3] =	sbarrier.arrive $0xFFFF;
	s2 =	simm.s32 @!p0 $0x1C02  }
0x52: {  	[timem:s3], [sflag:s2] =	dma.local @!p0 [hbm:s0], s1  }
0x53: {  	s0 =	simm.s32 @!p0 $0x2  }
0x54: {  	_ =	swait.ge @!p0 [sflag:s0], s1  }
0x55: {  	s1 =	ssub.s32 @!p0 $0x0, s1;
	[sflag:s0] =	ssyncset.done @!p0 $0x0  }
0x56: {  	[sflag:s0] =	ssyncadd.s32 @!p0 s1  }
0x57: {  	[bflag:$0x3] =	sbarrier.arrive $0xFFFF  }
0x58: {  	_ =	shalt  }

// kernel: kernel.20.cloned.1.call-start
scs
__scs_entry_jumppad:
0x0: {  	(pc) =	sbr.rel $0x88, $3  }
0x1: {  	(tag) =	ssettag $0x0;
	lr =	simm.s32 $0x1  }
0x2: {  	[smem:$0x3F9C] =	sst lr;
	_ =	strace $0xD0000000  }
0x3: {  	_ = 	snop  }
0x4: {  	_ = 	snop  }
0x5: {  	_ = 	snop  }
0x6: {  	_ = 	snop  }
0x7: {  	_ = 	snop  }
__scs_overlays_trampoline_lowered:
0x8: {  	[smem:$0x3FAB] =	sst s0  }
0x9: {  	[smem:$0x3FAC] =	sst s1  }
0xa: {  	[smem:$0x3FAD] =	sst s2  }
0xb: {  	[smem:$0x3FAE] =	sst s3  }
0xc: {  	[smem:$0x3FAF] =	sst s4  }
0xd: {  	[smem:$0x3FB0] =	sst s5  }
0xe: {  	[smem:$0x3FB1] =	sst s6  }
0xf: {  	[smem:$0x3FB2] =	sst s7  }
0x10: {  	[smem:$0x3FB3] =	sst s8  }
0x11: {  	[smem:$0x3FB4] =	sst s9;
	s0 =	simm.s32 @!p0 $0x0  }
0x12: {  	s1 =	sld [smem:$0x3F9A];
	s0 =	simm.s32 @p0 $0x1  }
0x13: {  	[smem:$0x3FB5] =	sst s0;
	s0 =	simm.s32 @!p1 $0x0  }
0x14: {  	s2 =	sld [smem:$0x3F99];
	s0 =	simm.s32 @p1 $0x1  }
0x15: {  	[smem:$0x3FB6] =	sst s0;
	s0 =	simm.s32 @!p2 $0x0  }
0x16: {  	s3 =	sld [smem:$0x3FDB];
	s0 =	simm.s32 @p2 $0x1  }
0x17: {  	s4 =	simm.s32 $0x1BF5;
	[smem:$0x3FB8] =	sst s0  }
0x18: {  	s0 =	sld [smem:$0x3F9B];
	_ =	swait.ge [sflag:s4], $0x0  }
0x19: {  	s7 =	sld [smem:$0x3F9C]  }
0x1a: {  	s8 =	sadd.s32 $0xFFFFE003, lr  }
0x1b: {  	s9 =	sadd.s32 $0xFFFFFEF7, lr;
	s5 =	simm.s32 $0xFFFFFFFF;
	p2 =	slt.u32 s8, $0xFFFFF086  }
0x1c: {  	p1 =	slt.u32 s9, $0xF7A;
	s5 =	simm.s32 @!p2 $0x0  }
0x1d: {  	s5 =	simm.s32 @p1 $0x1;
	p0 =	seq.s32 s7, s2  }
0x1e: {  	s7 =	smul.u32 @!p0 $0xF7A, s2;
	p2 =	seq.s32 @!p0 s5, $0x0  }
0x1f: {  	s9 =	smul.u32 $0xF7A, s1;
	s8 =	simm.s32 @!p0 $0x1BF5;
	p2 =	por !p2, p0  }
0x20: {  	[sflag:s8] =	ssyncset.s32 @!p0 $0xFFFFF086;
	s6 =	sadd.s32 @!p0 s3, s7;
	s7 =	simm.s32 @!p0 $0x108  }
0x21: {  	s3 =	sadd.s32 s3, s9;
	s6 =	sadd.s32 @!p0 $0x88, s6;
	s7 =	simm.s32 @p2 $0x1082  }
0x22: {  	[simem:s7], [sflag:s8] =	dma.local @!p0 [hbm:s6], $0xF7A  }
0x23: {  	s9 =	sor.u32 $0xD0000000, s2;
	s6 =	simm.s32 $0x108;
	_ =	swait.ge @!p0 [sflag:s8], $0x0  }
0x24: {  	s3 =	sadd.s32 $0x88, s3;
	s6 =	simm.s32 @!p1 $0x1082;
	[sflag:s4] =	ssyncset.s32 $0xFFFFF086  }
0x25: {  	[simem:s6], [sflag:s4] =	dma.local [hbm:s3], $0xF7A  }
0x26: {  	[smem:$0x3F9C] =	sst s1;
	(tag) =	ssettag s2;
	_ =	strace s9  }
0x27: {  	s1 =	sld [smem:$0x3FAC]  }
0x28: {  	s2 =	sld [smem:$0x3FAD]  }
0x29: {  	s4 =	sld [smem:$0x3FAF]  }
0x2a: {  	p0 =	seq.s32 s5, $0x0;
	s5 =	sld [smem:$0x3FB0]  }
0x2b: {  	s6 =	sld [smem:$0x3FB1]  }
0x2c: {  	s7 =	sld [smem:$0x3FB2]  }
0x2d: {  	s3 =	simm.s32 $0x108;
	s8 =	sld [smem:$0x3FB3]  }
0x2e: {  	s3 =	simm.s32 @!p0 $0x1082;
	s9 =	sld [smem:$0x3FB4]  }
0x2f: {  	lr =	sadd.s32 s0, s3;
	s0 =	sld [smem:$0x3FAB]  }
0x30: {  	s3 =	sld [smem:$0x3FAE]  }
0x31: {  	[smem:$0x3FB7] =	sst s10  }
0x32: {  	s10 =	sld [smem:$0x3FB5];
	_ =	sdelay $0x3  }
0x33: {  	p0 =	seq.s32 s10, $0x1;
	s10 =	sld [smem:$0x3FB7];
	_ =	sdelay $0x3  }
0x34: {  	[smem:$0x3FB7] =	sst s10  }
0x35: {  	s10 =	sld [smem:$0x3FB6];
	_ =	sdelay $0x3  }
0x36: {  	p1 =	seq.s32 s10, $0x1;
	s10 =	sld [smem:$0x3FB7];
	_ =	sdelay $0x3  }
0x37: {  	[smem:$0x3FB7] =	sst s10  }
0x38: {  	s10 =	sld [smem:$0x3FB8]  }
0x39: {  	_ = 	snop;
	(pc) =	sbr.ind lr, $3  }
0x3a: {  	_ = 	snop  }
0x3b: {  	_ = 	snop  }
0x3c: {  	p2 =	seq.s32 s10, $0x1;
	s10 =	sld [smem:$0x3FB7]  }
0x3d: {  	_ =	shalt  }
0x3e: {  	_ =	shalt  }
0x3f: {  	_ =	shalt  }
0x40: {  	_ =	shalt  }
0x41: {  	_ =	shalt  }
0x42: {  	_ =	shalt  }
0x43: {  	_ =	shalt  }
0x44: {  	_ =	shalt  }
0x45: {  	_ =	shalt  }
0x46: {  	_ =	shalt  }
0x47: {  	_ =	shalt  }
0x48: {  	_ =	shalt  }
0x49: {  	_ =	shalt  }
0x4a: {  	_ =	shalt  }
0x4b: {  	_ =	shalt  }
0x4c: {  	_ =	shalt  }
0x4d: {  	_ =	shalt  }
0x4e: {  	_ =	shalt  }
0x4f: {  	_ =	shalt  }
0x50: {  	_ =	shalt  }
0x51: {  	_ =	shalt  }
0x52: {  	_ =	shalt  }
0x53: {  	_ =	shalt  }
0x54: {  	_ =	shalt  }
0x55: {  	_ =	shalt  }
0x56: {  	_ =	shalt  }
0x57: {  	_ =	shalt  }
0x58: {  	_ =	shalt  }
0x59: {  	_ =	shalt  }
0x5a: {  	_ =	shalt  }
0x5b: {  	_ =	shalt  }
0x5c: {  	_ =	shalt  }
0x5d: {  	_ =	shalt  }
0x5e: {  	_ =	shalt  }
0x5f: {  	_ =	shalt  }
0x60: {  	_ =	shalt  }
0x61: {  	_ =	shalt  }
0x62: {  	_ =	shalt  }
0x63: {  	_ =	shalt  }
0x64: {  	_ =	shalt  }
0x65: {  	_ =	shalt  }
0x66: {  	_ =	shalt  }
0x67: {  	_ =	shalt  }
0x68: {  	_ =	shalt  }
0x69: {  	_ =	shalt  }
0x6a: {  	_ =	shalt  }
0x6b: {  	_ =	shalt  }
0x6c: {  	_ =	shalt  }
0x6d: {  	_ =	shalt  }
0x6e: {  	_ =	shalt  }
0x6f: {  	_ =	shalt  }
0x70: {  	_ =	shalt  }
0x71: {  	_ =	shalt  }
0x72: {  	_ =	shalt  }
0x73: {  	_ =	shalt  }
0x74: {  	_ =	shalt  }
0x75: {  	_ =	shalt  }
0x76: {  	_ =	shalt  }
0x77: {  	_ =	shalt  }
0x78: {  	_ =	shalt  }
0x79: {  	_ =	shalt  }
0x7a: {  	_ =	shalt  }
0x7b: {  	_ =	shalt  }
0x7c: {  	_ =	shalt  }
0x7d: {  	_ =	shalt  }
0x7e: {  	_ =	shalt  }
0x7f: {  	_ =	shalt  }
0x80: {  	_ =	shalt  }
0x81: {  	_ =	shalt  }
0x82: {  	_ =	shalt  }
0x83: {  	_ =	shalt  }
0x84: {  	_ =	shalt  }
0x85: {  	_ =	shalt  }
0x86: {  	_ =	shalt  }
0x87: {  	_ =	shalt  }
.Lfunc_end0:
.L_simem_size_0:
called_computation.1_lowered:
.L_overlay_start_0:
0x88: {  	s2 =	sld [smem:$0x3FD9]  }
0x89: {  	s3 =	sld [smem:$0x3FFE];
	_ =	sdelay $0x1  }
0x8a: {  	s1 =	srdreg.scid  }
0x8b: {  	s0 =	sand.u32 $0x1, s1  }
0x8c: {  	s17 =	sshll.u32 s0, $0xA;
	s2 =	sadd.s32 s3, s2  }
0x8d: {  	s2 =	sadd.s32 s2, s17  }
0x8e: {  	[smem:$0x3FC3] =	sst s2  }
0x8f: {  	_ = 	snop  }
0x90: {  	(tm) =	ssettm $0x1  }
0x91: {  	s18 =	sld [smem:$0x3FFB];
	_ =	sdelay $0x3  }
0x92: {  	_ =	strace s18  }
0x93: {  	s2 =	sld [smem:$0x3FFC];
	_ =	sdelay $0x3  }
0x94: {  	_ =	strace s2  }
0x95: {  	s2 =	sld [smem:$0x3FFD];
	_ =	sdelay $0x3  }
0x96: {  	_ =	strace s2  }
0x97: {  	_ =	strace $0x8FFFFFFF  }
0x98: {  	s19 =	sld [smem:$0x3FDB];
	_ =	sdelay $0x1  }
0x99: {  	s20 =	simm.s32 $_scs_section_size  }
0x9a: {  	s4 =	simm.s32 $_size__tile_overlayer_lowered;
	s5 =	simm.s32 $_tile_overlayer_lowered  }
0x9b: {  	s6 =	simm.s32 $0x1BFF;
	s21 =	sshll.u32 s5, $0x1;
	s3 =	sadd.s32 s20, s19  }
0x9c: {  	s22 =	simm.s32 $0x0;
	s4 =	sshll.u32 s4, $0x1;
	s5 =	sadd.s32 s21, s3  }
0x9d: {  	[timem:s22], [sflag:s6] =	dma.local [hbm:s5], s4  }
0x9e: {  	_ =	swait.ge [sflag:s6], s4  }
0x9f: {  	s4 =	ssub.s32 $0x0, s4;
	[sflag:s6] =	ssyncset.done $0x0  }
0xa0: {  	[sflag:s6] =	ssyncadd.s32 s4;
	_ =	sdelay $0x1  }
0xa1: {  	s23 =	simm.s32 $0x1B8B  }
0xa2: {  	_ =	swait.ge [sflag:s23], $0x1  }
0xa3: {  	[sflag:s23] =	ssyncset.done $0x0  }
0xa4: {  	[sflag:s23] =	ssyncadd.s32 $0xFFFFFFFF  }
0xa5: {  	s4 =	sld [smem:$0x0]  }
0xa6: {  	s5 =	sand.u32 $0xFFFFFFFE, s1  }
0xa7: {  	p0 =	sne.s32 s1, s5  }
0xa8: {  	s5 =	sshll.u32 @p0 s5, $0xE  }
0xa9: {  	s5 =	sadd.s32 @p0 $0x11B8D, s5;
	s6 =	sshll.u32 @p0 s4, $0x11  }
0xaa: {  	s5 =	sor.u32 @p0 s6, s5  }
0xab: {  	[sflag:s5] =	ssyncadd.remote.s32 @p0 $0x1;
	_ =	sdelay $0x1  }
0xac: {  	s5 =	simm.s32 @p0 $0x1B8D  }
0xad: {  	_ =	swait.eq @p0 [sflag:s5], $0x1  }
0xae: {  	[sflag:s5] =	ssyncadd.s32 @p0 $0xFFFFFFFF  }
0xaf: {  	s6 =	sshll.u32 @!p0 s1, $0xE  }
0xb0: {  	s6 =	sor.u32 @!p0 $0x4000, s6;
	s5 =	simm.s32 @!p0 $0x1B8D  }
0xb1: {  	s4 =	sshll.u32 @!p0 s4, $0x11;
	s6 =	sadd.s32 @!p0 $0x11B8D, s6;
	_ =	swait.eq @!p0 [sflag:s5], $0x1  }
0xb2: {  	s4 =	sor.u32 @!p0 s4, s6;
	[sflag:s5] =	ssyncadd.s32 @!p0 $0xFFFFFFFF  }
0xb3: {  	s25 =	simm.s32 $0x1B8E;
	s24 =	sld [smem:$0x3FFE];
	[sflag:s4] =	ssyncadd.remote.s32 @!p0 $0x1  }
0xb4: {  	s26 =	simm.s32 $execute0_lowered;
	[smem:$0x3FD2] =	sst s25  }
0xb5: {  	s5 =	sshll.u32 s26, $0x1;
	_ =	strace $0x8000004C;
	[dreg:$0x1] =	wrdreg $0xFFFFFFFF  }
0xb6: {  	s28 =	simm.s32 $_size_execute0_lowered;
	s3 =	sadd.s32 s3, s5;
	[dreg:$0x0] =	wrdreg $0x0  }
0xb7: {  	s5 =	sshll.u32 s28, $0x1;
	[dreg:$0x2] =	wrdreg s3  }
0xb8: {  	[dreg:$0x3] =	wrdreg s5  }
0xb9: {  	[dreg:$0x4] =	wrdreg $0xC0  }
0xba: {  	_ =	task [dreg:s22], $0x5FFFF  }
0xbb: {  	[dreg:$0x1] =	wrdreg $0xFFFFFFFF  }
0xbc: {  	[dreg:$0x0] =	wrdreg $0x60  }
0xbd: {  	[dreg:$0x2] =	wrdreg s24  }
0xbe: {  	[dreg:$0x3] =	wrdreg $0xB  }
0xbf: {  	_ =	task.clear_ibuf [dreg:s22], $0x4FFFF;
	_ =	strace $0x9000004C  }
0xc0: {  	s29 =	simm.s32 $0xB;
	_ =	strace $0x8000004E  }
0xc1: {  	_ =	swait.ge [sflag:s29], $0x1  }
0xc2: {  	[sflag:s29] =	ssyncadd.s32 $0xFFFFFFFF  }
0xc3: {  	_ =	strace $0x9000004E  }
0xc4: {  	_ =	sfence  }
0xc5: {  	s30 =	sld [smem:$0x0];
	_ =	sdelay $0x2  }
0xc6: {  	s31 =	sshll.u32 s1, $0xD;
	s1 =	sshrl.u32 s1, $0x2  }
0xc7: {  	s4 =	sand.u32 $0x4000, s31;
	s1 =	sadd.s32 s1, s30  }
0xc8: {  	s0 =	sor.u32 s4, s0;
	s1 =	sshll.u32 s1, $0x11  }
0xc9: {  	s0 =	sor.u32 s1, s0  }
0xca: {  	s0 =	sadd.s32 $0x8F2B, s0  }
0xcb: {  	[sflag:s0] =	ssyncadd.remote.s32 $0x1  }
0xcc: {  	_ =	sfence.sel $0xFFFF  }
0xcd: {  	[dreg:$0x0] =	wrdreg $0xFFFFFFFF;
	(pc) =	sbr.abs _section_cstart, $3  }
0xce: {  	[dreg:$0x1] =	wrdreg $0xFFFFFFFF  }
0xcf: {  	_ =	task.clear_ibuf [dreg:s22], $0x2FFFF;
	_ =	strace $0x9FFFFFFF  }
0xd0: {  	(tm) =	ssettm $0x7FFFFFFF  }
0xd1: {  	_ =	shalt  }
tec
execute0_lowered:
.L_overlay_start_1:
0x0: {  	(tag) =	ssettag $0x1  }
0x1: {  	s1 =	srdreg.scid  }
0x2: {  	s0 =	stileid.u32;
	s14 =	sand.u32 $0x1, s1  }
0x3: {  	s31 =	sshll.u32 s0, $0x5;
	s2 =	sshll.u32 s14, $0x4  }
0x4: {  	s5 =	sor.u32 s2, s31  }
0x5: {  	s12 =	rddreg [dreg:$0x0];
	s2 =	simm.s32 $0x0;
	s3 =	sshrl.u32 s5, $0x3  }
0x6: {  	s4 =	simm.s32 $0x2;
	[smem:$0x7FF] =	sst s2;
	s3 =	sadd.s32 s3, s12  }
0x7: {  	s1 =	rddreg [dreg:$0x1];
	_ =	strace $0x8000004D;
	s3 =	sadd.s32 $0x13C00, s3  }
0x8: {  	[tilespmem:s2], [sflag:$0x2] =	stream.linear.gather [hbm4b:s3+s2], $0x10, $0x38;
	[tilespmem:$0x4080] =	vst v63  }
0x9: {  	s5 =	sshll.u32 s5, $0x7;
	_ =	swait.ge [sflag:s4], $0x10  }
0xa: {  	s5 =	sadd.s32 s5, s12;
	[sflag:s4] =	ssyncset.done $0x0  }
0xb: {  	s6 =	simm.s32 $0x80;
	s5 =	sadd.s32 $0x3600, s5;
	[sflag:s4] =	ssyncadd.s32 $0xFFFFFFF0  }
0xc: {  	[tilespmem:s6], [sflag:$0x2] =	stream.linear.gather [hbm4b:s5+s2], $0x4000, $0x38;
	[tilespmem:$0x4080] =	vst v63  }
0xd: {  	_ =	swait.ge [sflag:s4], $0x4000  }
0xe: {  	[sflag:s4] =	ssyncset.done $0x0  }
0xf: {  	[sflag:s4] =	ssyncadd.s32 $0xFFFFC000  }
0x10: {  	v0 =	vld [tilespmem:$0x0];
	_ =	sdelay $0x4  }
0x11: {  	v1 =	vshll.u32 v0, $0x3  }
0x12: {  	v2 =	vlaneseq.u32;
	v3 =	vand.u32 $0x7, v0;
	v1 =	vand.u32 $0xFFFFFFC0, v1  }
0x13: {  	v4 =	vshrl.u32 v2, $0x3;
	v0 =	vand.u32 $0x7, v2;
	v3 =	vor.u32 v3, v1  }
0x14: {  	v1 =	vmul.u32 $0x8, v4;
	v63 =	vperm.xlane v3, v0;
	_ =	sdelay $0x1  }
0x15: {  	v4 =	vadd.s32 v1, v63;
	_ =	sdelay $0x3  }
0x16: {  	vm0 =	vmmov $0xffff;
	s7 =	sadd.s32 $0x14200, s12  }
0x17: {  	v2 =	vor.u32 $0x8, v2;
	[hbm4b:s7+s2] =	stream.indirect_vreg.scatter [tilespmem:s6], [sflag:$0x1], $0x80, v4, vm0, $0xb8;
	[tilespmem:$0x4080] =	vst v63  }
0x18: {  	s9 =	simm.s32 $0x880;
	s8 =	sadd.s32 $0x14300, s12;
	v3 =	vperm.xlane v3, v2  }
0x19: {  	[hbm4b:s8+s2] =	stream.indirect_vreg.scatter [tilespmem:s9], [sflag:$0x1], $0x80, v4, vm0, $0xb8;
	[tilespmem:$0x4080] =	vst v63  }
0x1a: {  	s11 =	simm.s32 $0x1080;
	s10 =	sadd.s32 $0x14400, s12;
	s16 =	ssub.s32 $0x2, s14;
	v3 =	vadd.s32 v1, v3  }
0x1b: {  	[hbm4b:s10+s2] =	stream.indirect_vreg.scatter [tilespmem:s11], [sflag:$0x1], $0x80, v4, vm0, $0xb8;
	[tilespmem:$0x4080] =	vst v63  }
0x1c: {  	s13 =	simm.s32 $0x1880;
	s17 =	sshrl.u32 s16, $0x1;
	s12 =	sadd.s32 $0x14500, s12  }
0x1d: {  	[hbm4b:s12+s2] =	stream.indirect_vreg.scatter [tilespmem:s13], [sflag:$0x1], $0x80, v4, vm0, $0xb8;
	[tilespmem:$0x4080] =	vst v63  }
0x1e: {  	s14 =	simm.s32 $0x2080;
	s17 =	ssub.s32 s16, s17  }
0x1f: {  	[hbm4b:s7+s2] =	stream.indirect_vreg.scatter [tilespmem:s14], [sflag:$0x1], $0x80, v3, vm0, $0xb8;
	[tilespmem:$0x4080] =	vst v63  }
0x20: {  	s15 =	simm.s32 $0x2880;
	s19 =	smax.u32 s17, $0x1  }
0x21: {  	[hbm4b:s8+s2] =	stream.indirect_vreg.scatter [tilespmem:s15], [sflag:$0x1], $0x80, v3, vm0, $0xb8;
	[tilespmem:$0x4080] =	vst v63  }
0x22: {  	s16 =	simm.s32 $0x3080;
	p0 =	sne.s32 s19, $0x1  }
0x23: {  	[hbm4b:s10+s2] =	stream.indirect_vreg.scatter [tilespmem:s16], [sflag:$0x1], $0x80, v3, vm0, $0xb8;
	[tilespmem:$0x4080] =	vst v63  }
.Ltmp0:
0x24: {  	_ = 	snop;
	(pc) =	sbr.rel @!p0 .LBB2_2-.Ltmp0, $4  }
0x25: {  	s18 =	simm.s32 $0x3880;
	s17 =	simm.s32 $0x1  }
0x26: {  	[hbm4b:s12+s2] =	stream.indirect_vreg.scatter [tilespmem:s18], [sflag:$0x1], $0x80, v3, vm0, $0xb8;
	[tilespmem:$0x4080] =	vst v63  }
0x27: {  	_ =	swait.ge [sflag:s17], $0x4000  }
0x28: {  	s19 =	sadd.s32 $0xFFFFFFFF, s19;
	[sflag:s17] =	ssyncset.done $0x0  }
.LBB2_1:
0x29: {  	p0 =	sne.s32 s19, $0x1;
	s19 =	sadd.s32 $0xFFFFFFFF, s19;
	[sflag:s17] =	ssyncadd.s32 $0xFFFFC000  }
0x2a: {  	_ = 	snop  }
0x2b: {  	[tilespmem:s2], [sflag:$0x2] =	stream.linear.gather [hbm4b:s3+s2], $0x10, $0x38;
	[tilespmem:$0x4080] =	vst v63  }
0x2c: {  	_ =	swait.ge [sflag:s4], $0x10  }
0x2d: {  	[sflag:s4] =	ssyncset.done $0x0  }
0x2e: {  	[sflag:s4] =	ssyncadd.s32 $0xFFFFFFF0  }
0x2f: {  	[tilespmem:s6], [sflag:$0x2] =	stream.linear.gather [hbm4b:s5+s2], $0x4000, $0x38;
	[tilespmem:$0x4080] =	vst v63  }
0x30: {  	_ =	swait.ge [sflag:s4], $0x4000  }
0x31: {  	[sflag:s4] =	ssyncset.done $0x0  }
0x32: {  	[sflag:s4] =	ssyncadd.s32 $0xFFFFC000  }
0x33: {  	v3 =	vld [tilespmem:$0x0];
	_ =	sdelay $0x4  }
0x34: {  	v4 =	vshll.u32 v3, $0x3  }
0x35: {  	v3 =	vand.u32 $0x7, v3;
	v4 =	vand.u32 $0xFFFFFFC0, v4  }
0x36: {  	v3 =	vor.u32 v3, v4  }
0x37: {  	v4 =	vperm.xlane v3, v0;
	v3 =	vperm.xlane v3, v2;
	_ =	sdelay $0x1  }
0x38: {  	v4 =	vadd.s32 v1, v4;
	_ =	sdelay $0x4  }
0x39: {  	[hbm4b:s7+s2] =	stream.indirect_vreg.scatter [tilespmem:s6], [sflag:$0x1], $0x80, v4, vm0, $0xb8;
	[tilespmem:$0x4080] =	vst v63  }
0x3a: {  	_ = 	snop  }
0x3b: {  	[hbm4b:s8+s2] =	stream.indirect_vreg.scatter [tilespmem:s9], [sflag:$0x1], $0x80, v4, vm0, $0xb8;
	[tilespmem:$0x4080] =	vst v63  }
0x3c: {  	v3 =	vadd.s32 v1, v3  }
0x3d: {  	[hbm4b:s10+s2] =	stream.indirect_vreg.scatter [tilespmem:s11], [sflag:$0x1], $0x80, v4, vm0, $0xb8;
	[tilespmem:$0x4080] =	vst v63  }
0x3e: {  	_ = 	snop  }
0x3f: {  	[hbm4b:s12+s2] =	stream.indirect_vreg.scatter [tilespmem:s13], [sflag:$0x1], $0x80, v4, vm0, $0xb8;
	[tilespmem:$0x4080] =	vst v63  }
0x40: {  	_ = 	snop  }
0x41: {  	[hbm4b:s7+s2] =	stream.indirect_vreg.scatter [tilespmem:s14], [sflag:$0x1], $0x80, v3, vm0, $0xb8;
	[tilespmem:$0x4080] =	vst v63  }
0x42: {  	_ = 	snop  }
0x43: {  	[hbm4b:s8+s2] =	stream.indirect_vreg.scatter [tilespmem:s15], [sflag:$0x1], $0x80, v3, vm0, $0xb8;
	[tilespmem:$0x4080] =	vst v63  }
0x44: {  	_ = 	snop  }
0x45: {  	[hbm4b:s10+s2] =	stream.indirect_vreg.scatter [tilespmem:s16], [sflag:$0x1], $0x80, v3, vm0, $0xb8;
	[tilespmem:$0x4080] =	vst v63  }
.Ltmp1:
0x46: {  	_ = 	snop;
	(pc) =	sbr.rel @p0 .LBB2_1-.Ltmp1, $4  }
0x47: {  	_ = 	snop  }
0x48: {  	[hbm4b:s12+s2] =	stream.indirect_vreg.scatter [tilespmem:s18], [sflag:$0x1], $0x80, v3, vm0, $0xb8;
	[tilespmem:$0x4080] =	vst v63  }
0x49: {  	_ =	swait.ge [sflag:s17], $0x4000  }
0x4a: {  	[sflag:s17] =	ssyncset.done $0x0  }
.LBB2_2:
0x4b: {  	[sflag:s17] =	ssyncadd.s32 $0xFFFFC000  }
0x4c: {  	_ =	sfence.sel $0x180000  }
0x4d: {  	[bflag:$0x0] =	sbarrier.arrive $0xFFFF  }
0x4e: {  	p0 =	sne.s32 s0, $0x0;
	_ =	strace $0x9000004D  }
0x4f: {  	s0 =	sadd.s32 @!p0 $0x100000, s1;
	[bflag:$0x2] =	sbarrier.arrive $0xFFFF  }
0x50: {  	[sflag:s0] =	ssyncadd.tile.s32 @!p0 $0x1;
	_ =	shalt  }
.Lfunc_end2:
_tile_overlayer_lowered:
.L_overlay_start_2:
0x51: {  	(tag) =	ssettag $0x2  }
0x52: {  	s0 =	rddreg [dreg:$0x0];
	s2 =	stileid.u32  }
0x53: {  	s1 =	rddreg [dreg:$0x1];
	p0 =	sne.s32 s2, $0x0  }
0x54: {  	s3 =	rddreg [dreg:$0x2];
	[bflag:$0x3] =	sbarrier.arrive $0xFFFF;
	s2 =	simm.s32 @!p0 $0x1C02  }
0x55: {  	[timem:s3], [sflag:s2] =	dma.local @!p0 [hbm:s0], s1  }
0x56: {  	s0 =	simm.s32 @!p0 $0x2  }
0x57: {  	_ =	swait.ge @!p0 [sflag:s0], s1  }
0x58: {  	s1 =	ssub.s32 @!p0 $0x0, s1;
	[sflag:s0] =	ssyncset.done @!p0 $0x0  }
0x59: {  	[sflag:s0] =	ssyncadd.s32 @!p0 s1  }
0x5a: {  	[bflag:$0x3] =	sbarrier.arrive $0xFFFF  }
0x5b: {  	_ =	shalt  }

// kernel: kernel.23.cloned.1.call-start
scs
__scs_entry_jumppad:
0x0: {  	(pc) =	sbr.rel $0x88, $3  }
0x1: {  	(tag) =	ssettag $0x0;
	lr =	simm.s32 $0x1  }
0x2: {  	[smem:$0x3F9C] =	sst lr;
	_ =	strace $0xD0000000  }
0x3: {  	_ = 	snop  }
0x4: {  	_ = 	snop  }
0x5: {  	_ = 	snop  }
0x6: {  	_ = 	snop  }
0x7: {  	_ = 	snop  }
__scs_overlays_trampoline_lowered:
0x8: {  	[smem:$0x3FAB] =	sst s0  }
0x9: {  	[smem:$0x3FAC] =	sst s1  }
0xa: {  	[smem:$0x3FAD] =	sst s2  }
0xb: {  	[smem:$0x3FAE] =	sst s3  }
0xc: {  	[smem:$0x3FAF] =	sst s4  }
0xd: {  	[smem:$0x3FB0] =	sst s5  }
0xe: {  	[smem:$0x3FB1] =	sst s6  }
0xf: {  	[smem:$0x3FB2] =	sst s7  }
0x10: {  	[smem:$0x3FB3] =	sst s8  }
0x11: {  	[smem:$0x3FB4] =	sst s9;
	s0 =	simm.s32 @!p0 $0x0  }
0x12: {  	s1 =	sld [smem:$0x3F9A];
	s0 =	simm.s32 @p0 $0x1  }
0x13: {  	[smem:$0x3FB5] =	sst s0;
	s0 =	simm.s32 @!p1 $0x0  }
0x14: {  	s2 =	sld [smem:$0x3F99];
	s0 =	simm.s32 @p1 $0x1  }
0x15: {  	[smem:$0x3FB6] =	sst s0;
	s0 =	simm.s32 @!p2 $0x0  }
0x16: {  	s3 =	sld [smem:$0x3FDB];
	s0 =	simm.s32 @p2 $0x1  }
0x17: {  	s4 =	simm.s32 $0x1BF5;
	[smem:$0x3FB8] =	sst s0  }
0x18: {  	s0 =	sld [smem:$0x3F9B];
	_ =	swait.ge [sflag:s4], $0x0  }
0x19: {  	s7 =	sld [smem:$0x3F9C]  }
0x1a: {  	s8 =	sadd.s32 $0xFFFFE003, lr  }
0x1b: {  	s9 =	sadd.s32 $0xFFFFFEF7, lr;
	s5 =	simm.s32 $0xFFFFFFFF;
	p2 =	slt.u32 s8, $0xFFFFF086  }
0x1c: {  	p1 =	slt.u32 s9, $0xF7A;
	s5 =	simm.s32 @!p2 $0x0  }
0x1d: {  	s5 =	simm.s32 @p1 $0x1;
	p0 =	seq.s32 s7, s2  }
0x1e: {  	s7 =	smul.u32 @!p0 $0xF7A, s2;
	p2 =	seq.s32 @!p0 s5, $0x0  }
0x1f: {  	s9 =	smul.u32 $0xF7A, s1;
	s8 =	simm.s32 @!p0 $0x1BF5;
	p2 =	por !p2, p0  }
0x20: {  	[sflag:s8] =	ssyncset.s32 @!p0 $0xFFFFF086;
	s6 =	sadd.s32 @!p0 s3, s7;
	s7 =	simm.s32 @!p0 $0x108  }
0x21: {  	s3 =	sadd.s32 s3, s9;
	s6 =	sadd.s32 @!p0 $0x88, s6;
	s7 =	simm.s32 @p2 $0x1082  }
0x22: {  	[simem:s7], [sflag:s8] =	dma.local @!p0 [hbm:s6], $0xF7A  }
0x23: {  	s9 =	sor.u32 $0xD0000000, s2;
	s6 =	simm.s32 $0x108;
	_ =	swait.ge @!p0 [sflag:s8], $0x0  }
0x24: {  	s3 =	sadd.s32 $0x88, s3;
	s6 =	simm.s32 @!p1 $0x1082;
	[sflag:s4] =	ssyncset.s32 $0xFFFFF086  }
0x25: {  	[simem:s6], [sflag:s4] =	dma.local [hbm:s3], $0xF7A  }
0x26: {  	[smem:$0x3F9C] =	sst s1;
	(tag) =	ssettag s2;
	_ =	strace s9  }
0x27: {  	s1 =	sld [smem:$0x3FAC]  }
0x28: {  	s2 =	sld [smem:$0x3FAD]  }
0x29: {  	s4 =	sld [smem:$0x3FAF]  }
0x2a: {  	p0 =	seq.s32 s5, $0x0;
	s5 =	sld [smem:$0x3FB0]  }
0x2b: {  	s6 =	sld [smem:$0x3FB1]  }
0x2c: {  	s7 =	sld [smem:$0x3FB2]  }
0x2d: {  	s3 =	simm.s32 $0x108;
	s8 =	sld [smem:$0x3FB3]  }
0x2e: {  	s3 =	simm.s32 @!p0 $0x1082;
	s9 =	sld [smem:$0x3FB4]  }
0x2f: {  	lr =	sadd.s32 s0, s3;
	s0 =	sld [smem:$0x3FAB]  }
0x30: {  	s3 =	sld [smem:$0x3FAE]  }
0x31: {  	[smem:$0x3FB7] =	sst s10  }
0x32: {  	s10 =	sld [smem:$0x3FB5];
	_ =	sdelay $0x3  }
0x33: {  	p0 =	seq.s32 s10, $0x1;
	s10 =	sld [smem:$0x3FB7];
	_ =	sdelay $0x3  }
0x34: {  	[smem:$0x3FB7] =	sst s10  }
0x35: {  	s10 =	sld [smem:$0x3FB6];
	_ =	sdelay $0x3  }
0x36: {  	p1 =	seq.s32 s10, $0x1;
	s10 =	sld [smem:$0x3FB7];
	_ =	sdelay $0x3  }
0x37: {  	[smem:$0x3FB7] =	sst s10  }
0x38: {  	s10 =	sld [smem:$0x3FB8]  }
0x39: {  	_ = 	snop;
	(pc) =	sbr.ind lr, $3  }
0x3a: {  	_ = 	snop  }
0x3b: {  	_ = 	snop  }
0x3c: {  	p2 =	seq.s32 s10, $0x1;
	s10 =	sld [smem:$0x3FB7]  }
0x3d: {  	_ =	shalt  }
0x3e: {  	_ =	shalt  }
0x3f: {  	_ =	shalt  }
0x40: {  	_ =	shalt  }
0x41: {  	_ =	shalt  }
0x42: {  	_ =	shalt  }
0x43: {  	_ =	shalt  }
0x44: {  	_ =	shalt  }
0x45: {  	_ =	shalt  }
0x46: {  	_ =	shalt  }
0x47: {  	_ =	shalt  }
0x48: {  	_ =	shalt  }
0x49: {  	_ =	shalt  }
0x4a: {  	_ =	shalt  }
0x4b: {  	_ =	shalt  }
0x4c: {  	_ =	shalt  }
0x4d: {  	_ =	shalt  }
0x4e: {  	_ =	shalt  }
0x4f: {  	_ =	shalt  }
0x50: {  	_ =	shalt  }
0x51: {  	_ =	shalt  }
0x52: {  	_ =	shalt  }
0x53: {  	_ =	shalt  }
0x54: {  	_ =	shalt  }
0x55: {  	_ =	shalt  }
0x56: {  	_ =	shalt  }
0x57: {  	_ =	shalt  }
0x58: {  	_ =	shalt  }
0x59: {  	_ =	shalt  }
0x5a: {  	_ =	shalt  }
0x5b: {  	_ =	shalt  }
0x5c: {  	_ =	shalt  }
0x5d: {  	_ =	shalt  }
0x5e: {  	_ =	shalt  }
0x5f: {  	_ =	shalt  }
0x60: {  	_ =	shalt  }
0x61: {  	_ =	shalt  }
0x62: {  	_ =	shalt  }
0x63: {  	_ =	shalt  }
0x64: {  	_ =	shalt  }
0x65: {  	_ =	shalt  }
0x66: {  	_ =	shalt  }
0x67: {  	_ =	shalt  }
0x68: {  	_ =	shalt  }
0x69: {  	_ =	shalt  }
0x6a: {  	_ =	shalt  }
0x6b: {  	_ =	shalt  }
0x6c: {  	_ =	shalt  }
0x6d: {  	_ =	shalt  }
0x6e: {  	_ =	shalt  }
0x6f: {  	_ =	shalt  }
0x70: {  	_ =	shalt  }
0x71: {  	_ =	shalt  }
0x72: {  	_ =	shalt  }
0x73: {  	_ =	shalt  }
0x74: {  	_ =	shalt  }
0x75: {  	_ =	shalt  }
0x76: {  	_ =	shalt  }
0x77: {  	_ =	shalt  }
0x78: {  	_ =	shalt  }
0x79: {  	_ =	shalt  }
0x7a: {  	_ =	shalt  }
0x7b: {  	_ =	shalt  }
0x7c: {  	_ =	shalt  }
0x7d: {  	_ =	shalt  }
0x7e: {  	_ =	shalt  }
0x7f: {  	_ =	shalt  }
0x80: {  	_ =	shalt  }
0x81: {  	_ =	shalt  }
0x82: {  	_ =	shalt  }
0x83: {  	_ =	shalt  }
0x84: {  	_ =	shalt  }
0x85: {  	_ =	shalt  }
0x86: {  	_ =	shalt  }
0x87: {  	_ =	shalt  }
.Lfunc_end0:
.L_simem_size_0:
called_computation.2_lowered:
.L_overlay_start_0:
0x88: {  	s2 =	sld [smem:$0x3FD9]  }
0x89: {  	s3 =	sld [smem:$0x3FFE];
	_ =	sdelay $0x1  }
0x8a: {  	s1 =	srdreg.scid  }
0x8b: {  	s0 =	sand.u32 $0x1, s1  }
0x8c: {  	s17 =	sshll.u32 s0, $0xA;
	s2 =	sadd.s32 s3, s2  }
0x8d: {  	s2 =	sadd.s32 s2, s17  }
0x8e: {  	[smem:$0x3FC3] =	sst s2  }
0x8f: {  	_ = 	snop  }
0x90: {  	s4 =	sld [smem:$0x3FC9]  }
0x91: {  	s18 =	sld [smem:$0x3FD0];
	(tm) =	ssettm $0x1  }
0x92: {  	s19 =	sld [smem:$0x3FFB];
	_ =	sdelay $0x3  }
0x93: {  	_ =	strace s19  }
0x94: {  	s2 =	sld [smem:$0x3FFC];
	_ =	sdelay $0x3  }
0x95: {  	_ =	strace s2  }
0x96: {  	s2 =	sld [smem:$0x3FFD];
	_ =	sdelay $0x3  }
0x97: {  	_ =	strace s2  }
0x98: {  	_ =	strace $0x8FFFFFFF  }
0x99: {  	s20 =	sld [smem:$0x3FDB];
	_ =	sdelay $0x1  }
0x9a: {  	s5 =	simm.s32 $_scs_section_size  }
0x9b: {  	s6 =	simm.s32 $_size__tile_overlayer_lowered;
	s7 =	simm.s32 $_tile_overlayer_lowered  }
0x9c: {  	s8 =	simm.s32 $0x1BFF;
	s21 =	sshll.u32 s7, $0x1;
	s5 =	sadd.s32 s5, s20  }
0x9d: {  	s22 =	simm.s32 $0x0;
	s6 =	sshll.u32 s6, $0x1;
	s7 =	sadd.s32 s21, s5  }
0x9e: {  	[timem:s22], [sflag:s8] =	dma.local [hbm:s7], s6  }
0x9f: {  	_ =	swait.ge [sflag:s8], s6  }
0xa0: {  	s6 =	ssub.s32 $0x0, s6;
	[sflag:s8] =	ssyncset.done $0x0  }
0xa1: {  	[sflag:s8] =	ssyncadd.s32 s6;
	_ =	sdelay $0x1  }
0xa2: {  	s23 =	simm.s32 $0x1B8B  }
0xa3: {  	_ =	swait.ge [sflag:s23], $0x1  }
0xa4: {  	[sflag:s23] =	ssyncset.done $0x0  }
0xa5: {  	[sflag:s23] =	ssyncadd.s32 $0xFFFFFFFF  }
0xa6: {  	s6 =	sld [smem:$0x0]  }
0xa7: {  	s7 =	sand.u32 $0xFFFFFFFE, s1  }
0xa8: {  	p0 =	sne.s32 s1, s7  }
0xa9: {  	s7 =	sshll.u32 @p0 s7, $0xE  }
0xaa: {  	s7 =	sadd.s32 @p0 $0x11B8D, s7;
	s8 =	sshll.u32 @p0 s6, $0x11  }
0xab: {  	s7 =	sor.u32 @p0 s8, s7  }
0xac: {  	[sflag:s7] =	ssyncadd.remote.s32 @p0 $0x1;
	_ =	sdelay $0x1  }
0xad: {  	s7 =	simm.s32 @p0 $0x1B8D  }
0xae: {  	_ =	swait.eq @p0 [sflag:s7], $0x1  }
0xaf: {  	[sflag:s7] =	ssyncadd.s32 @p0 $0xFFFFFFFF  }
0xb0: {  	s8 =	sshll.u32 @!p0 s1, $0xE  }
0xb1: {  	s8 =	sor.u32 @!p0 $0x4000, s8;
	s7 =	simm.s32 @!p0 $0x1B8D  }
0xb2: {  	s6 =	sshll.u32 @!p0 s6, $0x11;
	s8 =	sadd.s32 @!p0 $0x11B8D, s8;
	_ =	swait.eq @!p0 [sflag:s7], $0x1  }
0xb3: {  	s6 =	sor.u32 @!p0 s6, s8;
	[sflag:s7] =	ssyncadd.s32 @!p0 $0xFFFFFFFF  }
0xb4: {  	s25 =	simm.s32 $0x1B8E;
	s24 =	sld [smem:$0x3FFE];
	[sflag:s6] =	ssyncadd.remote.s32 @!p0 $0x1  }
0xb5: {  	s26 =	simm.s32 $execute0_lowered;
	[smem:$0x3FD2] =	sst s25  }
0xb6: {  	s7 =	sshll.u32 s26, $0x1;
	_ =	strace $0x80000049;
	[dreg:$0x1] =	wrdreg $0xFFFFFFFF  }
0xb7: {  	s28 =	simm.s32 $_size_execute0_lowered;
	s5 =	sadd.s32 s5, s7;
	[dreg:$0x0] =	wrdreg $0x0  }
0xb8: {  	s7 =	sshll.u32 s28, $0x1;
	[dreg:$0x2] =	wrdreg s5  }
0xb9: {  	[dreg:$0x3] =	wrdreg s7  }
0xba: {  	[dreg:$0x4] =	wrdreg $0xC0  }
0xbb: {  	_ =	task [dreg:s22], $0x5FFFF  }
0xbc: {  	[dreg:$0x1] =	wrdreg $0xFFFFFFFF  }
0xbd: {  	[dreg:$0x0] =	wrdreg $0x60  }
0xbe: {  	[dreg:$0x2] =	wrdreg s4  }
0xbf: {  	[dreg:$0x3] =	wrdreg s24  }
0xc0: {  	[dreg:$0x4] =	wrdreg s18  }
0xc1: {  	[dreg:$0x5] =	wrdreg $0xA  }
0xc2: {  	_ =	task.clear_ibuf [dreg:s22], $0x6FFFF;
	_ =	strace $0x90000049  }
0xc3: {  	s29 =	simm.s32 $0xA;
	_ =	strace $0x8000004B  }
0xc4: {  	_ =	swait.ge [sflag:s29], $0x1  }
0xc5: {  	[sflag:s29] =	ssyncadd.s32 $0xFFFFFFFF  }
0xc6: {  	_ =	strace $0x9000004B  }
0xc7: {  	_ =	sfence  }
0xc8: {  	s30 =	sld [smem:$0x0];
	_ =	sdelay $0x2  }
0xc9: {  	s31 =	sshll.u32 s1, $0xD;
	s1 =	sshrl.u32 s1, $0x2  }
0xca: {  	s4 =	sand.u32 $0x4000, s31;
	s1 =	sadd.s32 s1, s30  }
0xcb: {  	s0 =	sor.u32 s4, s0;
	s1 =	sshll.u32 s1, $0x11  }
0xcc: {  	s0 =	sor.u32 s1, s0  }
0xcd: {  	s0 =	sadd.s32 $0x8F2B, s0  }
0xce: {  	[sflag:s0] =	ssyncadd.remote.s32 $0x1  }
0xcf: {  	_ =	sfence.sel $0xFFFF  }
0xd0: {  	[dreg:$0x0] =	wrdreg $0xFFFFFFFF;
	(pc) =	sbr.abs _section_cstart, $3  }
0xd1: {  	[dreg:$0x1] =	wrdreg $0xFFFFFFFF  }
0xd2: {  	_ =	task.clear_ibuf [dreg:s22], $0x2FFFF;
	_ =	strace $0x9FFFFFFF  }
0xd3: {  	(tm) =	ssettm $0x7FFFFFFF  }
tec
execute0_lowered:
.L_overlay_start_1:
0x0: {  	(tag) =	ssettag $0x1  }
0x1: {  	s1 =	rddreg [dreg:$0x0];
	s2 =	srdreg.scid  }
0x2: {  	s0 =	stileid.u32;
	s4 =	rddreg [dreg:$0x1]  }
0x3: {  	s7 =	rddreg [dreg:$0x2];
	s25 =	simm.s32 $0x880;
	s26 =	simm.s32 $0x1080  }
0x4: {  	s9 =	simm.s32 $0x80;
	s11 =	simm.s32 $0x2080;
	s12 =	simm.s32 $0x2880  }
0x5: {  	s13 =	simm.s32 $0x3080;
	s14 =	simm.s32 $0x3880;
	s15 =	simm.s32 $0x4080  }
0x6: {  	s16 =	simm.s32 $0x4880;
	s17 =	simm.s32 $0x5080;
	s18 =	simm.s32 $0x5880  }
0x7: {  	s19 =	simm.s32 $0x6080;
	s20 =	simm.s32 $0x6880;
	s21 =	simm.s32 $0x7080  }
0x8: {  	s22 =	simm.s32 $0x7880;
	s23 =	simm.s32 $0x8080;
	s28 =	simm.s32 $0xA080  }
0x9: {  	s29 =	simm.s32 $0xA880;
	s2 =	sand.u32 $0x1, s2;
	s3 =	sshll.u32 s0, $0x1  }
0xa: {  	s30 =	simm.s32 $0xB080;
	s31 =	simm.s32 $0xB880;
	s5 =	sor.u32 s2, s3  }
0xb: {  	s3 =	simm.s32 $0x0;
	s2 =	ssub.s32 $0x2, s2;
	s6 =	smul.u32 $0x6, s5  }
0xc: {  	[smem:$0x7FF] =	sst s3;
	s24 =	sshrl.u32 s2, $0x1;
	s8 =	smul.u32 $0x1800, s5  }
0xd: {  	s5 =	sadd.s32 $0x200, s1;
	_ =	strace $0x8000004A;
	[dreg:$0x6] =	wrdreg s25  }
0xe: {  	s2 =	ssub.s32 s2, s24;
	[dreg:$0x7] =	wrdreg s26;
	s24 =	simm.s32 $0x8880  }
0xf: {  	s25 =	simm.s32 $0x9080;
	s26 =	simm.s32 $0x9880;
	s4 =	sadd.s32 s6, s4  }
0x10: {  	v2 =	vlaneseq.u32;
	s6 =	sadd.s32 $0x300, s1;
	s7 =	sadd.s32 s7, s8;
	s8 =	simm.s32 $0x2  }
0x11: {  	vm0 =	vmmov $0xffff;
	v1 =	vshrl.u32 v2, $0x3;
	s4 =	sadd.s32 $0x13600, s4;
	[dreg:$0x5] =	wrdreg s7;
	s7 =	smax.u32 s2, $0x1  }
0x12: {  	v0 =	vand.u32 $0x7, v2;
	v2 =	vor.u32 $0x8, v2;
	v1 =	vmul.u32 $0x8, v1;
	s2 =	simm.s32 $0x1;
	[dreg:$0x4] =	wrdreg s4;
	s4 =	sadd.s32 $0x100, s1  }
.LBB2_1:
0x13: {  	s0 =	rddreg [dreg:$0x4]  }
0x14: {  	[tilespmem:s3], [sflag:$0x2] =	stream.linear.gather [hbm4b:s0+s3], $0x30, $0x38;
	[tilespmem:$0xC080] =	vst v63  }
0x15: {  	_ =	swait.ge [sflag:s8], $0x30  }
0x16: {  	[sflag:s8] =	ssyncset.done $0x0  }
0x17: {  	[sflag:s8] =	ssyncadd.s32 $0xFFFFFFD0  }
0x18: {  	v3 =	vld [tilespmem:$0x0];
	_ =	sdelay $0x4  }
0x19: {  	v4 =	vshll.u32 v3, $0x3  }
0x1a: {  	v3 =	vand.u32 $0x7, v3;
	v4 =	vand.u32 $0xFFFFFFC0, v4  }
0x1b: {  	v3 =	vor.u32 v3, v4  }
0x1c: {  	v4 =	vperm.xlane v3, v0;
	_ =	sdelay $0x1  }
0x1d: {  	v4 =	vadd.s32 v1, v4;
	_ =	sdelay $0x4  }
0x1e: {  	[tilespmem:s9], [sflag:$0x1] =	stream.indirect_vreg.gather [hbm4b:s1+s3], $0x80, v4, vm0, $0xb8;
	[tilespmem:$0xC080] =	vst v63  }
0x1f: {  	s0 =	rddreg [dreg:$0x6];
	v3 =	vperm.xlane v3, v2  }
0x20: {  	[tilespmem:s0], [sflag:$0x1] =	stream.indirect_vreg.gather [hbm4b:s4+s3], $0x80, v4, vm0, $0xb8;
	[tilespmem:$0xC080] =	vst v63  }
0x21: {  	s10 =	rddreg [dreg:$0x7];
	v3 =	vadd.s32 v1, v3  }
0x22: {  	[tilespmem:s10], [sflag:$0x1] =	stream.indirect_vreg.gather [hbm4b:s5+s3], $0x80, v4, vm0, $0xb8;
	[tilespmem:$0xC080] =	vst v63  }
0x23: {  	s10 =	simm.s32 $0x1880  }
0x24: {  	[tilespmem:s10], [sflag:$0x1] =	stream.indirect_vreg.gather [hbm4b:s6+s3], $0x80, v4, vm0, $0xb8;
	[tilespmem:$0xC080] =	vst v63  }
0x25: {  	_ = 	snop  }
0x26: {  	[tilespmem:s11], [sflag:$0x1] =	stream.indirect_vreg.gather [hbm4b:s1+s3], $0x80, v3, vm0, $0xb8;
	[tilespmem:$0xC080] =	vst v63  }
0x27: {  	_ = 	snop  }
0x28: {  	[tilespmem:s12], [sflag:$0x1] =	stream.indirect_vreg.gather [hbm4b:s4+s3], $0x80, v3, vm0, $0xb8;
	[tilespmem:$0xC080] =	vst v63  }
0x29: {  	_ = 	snop  }
0x2a: {  	[tilespmem:s13], [sflag:$0x1] =	stream.indirect_vreg.gather [hbm4b:s5+s3], $0x80, v3, vm0, $0xb8;
	[tilespmem:$0xC080] =	vst v63  }
0x2b: {  	_ = 	snop  }
0x2c: {  	[tilespmem:s14], [sflag:$0x1] =	stream.indirect_vreg.gather [hbm4b:s6+s3], $0x80, v3, vm0, $0xb8;
	[tilespmem:$0xC080] =	vst v63  }
0x2d: {  	v3 =	vld [tilespmem:$0x10];
	_ =	sdelay $0x4  }
0x2e: {  	v62 =	vshll.u32 v3, $0x3  }
0x2f: {  	v3 =	vand.u32 $0x7, v3;
	v4 =	vand.u32 $0xFFFFFFC0, v62  }
0x30: {  	v3 =	vor.u32 v3, v4  }
0x31: {  	v4 =	vperm.xlane v3, v0;
	_ =	sdelay $0x1  }
0x32: {  	v4 =	vadd.s32 v1, v4;
	_ =	sdelay $0x4  }
0x33: {  	[tilespmem:s15], [sflag:$0x1] =	stream.indirect_vreg.gather [hbm4b:s1+s3], $0x80, v4, vm0, $0xb8;
	[tilespmem:$0xC080] =	vst v63  }
0x34: {  	v3 =	vperm.xlane v3, v2  }
0x35: {  	[tilespmem:s16], [sflag:$0x1] =	stream.indirect_vreg.gather [hbm4b:s4+s3], $0x80, v4, vm0, $0xb8;
	[tilespmem:$0xC080] =	vst v63  }
0x36: {  	v3 =	vadd.s32 v1, v3  }
0x37: {  	[tilespmem:s17], [sflag:$0x1] =	stream.indirect_vreg.gather [hbm4b:s5+s3], $0x80, v4, vm0, $0xb8;
	[tilespmem:$0xC080] =	vst v63  }
0x38: {  	_ = 	snop  }
0x39: {  	[tilespmem:s18], [sflag:$0x1] =	stream.indirect_vreg.gather [hbm4b:s6+s3], $0x80, v4, vm0, $0xb8;
	[tilespmem:$0xC080] =	vst v63  }
0x3a: {  	_ = 	snop  }
0x3b: {  	[tilespmem:s19], [sflag:$0x1] =	stream.indirect_vreg.gather [hbm4b:s1+s3], $0x80, v3, vm0, $0xb8;
	[tilespmem:$0xC080] =	vst v63  }
0x3c: {  	_ = 	snop  }
0x3d: {  	[tilespmem:s20], [sflag:$0x1] =	stream.indirect_vreg.gather [hbm4b:s4+s3], $0x80, v3, vm0, $0xb8;
	[tilespmem:$0xC080] =	vst v63  }
0x3e: {  	_ = 	snop  }
0x3f: {  	[tilespmem:s21], [sflag:$0x1] =	stream.indirect_vreg.gather [hbm4b:s5+s3], $0x80, v3, vm0, $0xb8;
	[tilespmem:$0xC080] =	vst v63  }
0x40: {  	_ = 	snop  }
0x41: {  	[tilespmem:s22], [sflag:$0x1] =	stream.indirect_vreg.gather [hbm4b:s6+s3], $0x80, v3, vm0, $0xb8;
	[tilespmem:$0xC080] =	vst v63  }
0x42: {  	v3 =	vld [tilespmem:$0x20];
	_ =	sdelay $0x4  }
0x43: {  	v63 =	vshll.u32 v3, $0x3  }
0x44: {  	v3 =	vand.u32 $0x7, v3;
	v4 =	vand.u32 $0xFFFFFFC0, v63  }
0x45: {  	v3 =	vor.u32 v3, v4  }
0x46: {  	v4 =	vperm.xlane v3, v0;
	_ =	sdelay $0x1  }
0x47: {  	v4 =	vadd.s32 v1, v4;
	_ =	sdelay $0x4  }
0x48: {  	[tilespmem:s23], [sflag:$0x1] =	stream.indirect_vreg.gather [hbm4b:s1+s3], $0x80, v4, vm0, $0xb8;
	[tilespmem:$0xC080] =	vst v63  }
0x49: {  	v3 =	vperm.xlane v3, v2  }
0x4a: {  	[tilespmem:s24], [sflag:$0x1] =	stream.indirect_vreg.gather [hbm4b:s4+s3], $0x80, v4, vm0, $0xb8;
	[tilespmem:$0xC080] =	vst v63  }
0x4b: {  	v3 =	vadd.s32 v1, v3  }
0x4c: {  	[tilespmem:s25], [sflag:$0x1] =	stream.indirect_vreg.gather [hbm4b:s5+s3], $0x80, v4, vm0, $0xb8;
	[tilespmem:$0xC080] =	vst v63  }
0x4d: {  	_ = 	snop  }
0x4e: {  	[tilespmem:s26], [sflag:$0x1] =	stream.indirect_vreg.gather [hbm4b:s6+s3], $0x80, v4, vm0, $0xb8;
	[tilespmem:$0xC080] =	vst v63  }
0x4f: {  	_ = 	snop  }
0x50: {  	[tilespmem:s28], [sflag:$0x1] =	stream.indirect_vreg.gather [hbm4b:s1+s3], $0x80, v3, vm0, $0xb8;
	[tilespmem:$0xC080] =	vst v63  }
0x51: {  	_ = 	snop  }
0x52: {  	[tilespmem:s29], [sflag:$0x1] =	stream.indirect_vreg.gather [hbm4b:s4+s3], $0x80, v3, vm0, $0xb8;
	[tilespmem:$0xC080] =	vst v63  }
0x53: {  	_ = 	snop  }
0x54: {  	[tilespmem:s30], [sflag:$0x1] =	stream.indirect_vreg.gather [hbm4b:s5+s3], $0x80, v3, vm0, $0xb8;
	[tilespmem:$0xC080] =	vst v63  }
0x55: {  	_ = 	snop  }
0x56: {  	[tilespmem:s31], [sflag:$0x1] =	stream.indirect_vreg.gather [hbm4b:s6+s3], $0x80, v3, vm0, $0xb8;
	[tilespmem:$0xC080] =	vst v63  }
0x57: {  	_ =	swait.ge [sflag:s2], $0xC000  }
0x58: {  	p0 =	sne.s32 s7, $0x1;
	[sflag:s2] =	ssyncset.done $0x0  }
.Ltmp0:
0x59: {  	s10 =	rddreg [dreg:$0x5];
	[sflag:s2] =	ssyncadd.s32 $0xFFFF4000;
	(pc) =	sbr.rel @p0 .LBB2_1-.Ltmp0, $4  }
0x5a: {  	[hbm4b:s10+s3] =	stream.linear.scatter [tilespmem:s9], [sflag:$0x2], $0xC000, $0x38;
	[tilespmem:$0xC080] =	vst v63  }
0x5b: {  	_ =	swait.ge [sflag:s8], $0xC000  }
0x5c: {  	[sflag:s8] =	ssyncset.done $0x0  }
0x5d: {  	s7 =	sadd.s32 $0xFFFFFFFF, s7;
	[sflag:s8] =	ssyncadd.s32 $0xFFFF4000  }
0x5e: {  	_ =	sfence.sel $0x180000  }
0x5f: {  	[bflag:$0x0] =	sbarrier.arrive $0xFFFF  }
0x60: {  	_ =	strace $0x9000004A  }
0x61: {  	s0 =	stileid.u32;
	[bflag:$0x2] =	sbarrier.arrive $0xFFFF  }
0x62: {  	p0 =	sne.s32 s0, $0x0;
	s0 =	rddreg [dreg:$0x3]  }
0x63: {  	s0 =	sadd.s32 @!p0 $0x100000, s0  }
0x64: {  	[sflag:s0] =	ssyncadd.tile.s32 @!p0 $0x1;
	_ =	shalt  }
.Lfunc_end2:
_tile_overlayer_lowered:
.L_overlay_start_2:
0x65: {  	(tag) =	ssettag $0x2  }
0x66: {  	s0 =	rddreg [dreg:$0x0];
	s2 =	stileid.u32  }
0x67: {  	s1 =	rddreg [dreg:$0x1];
	p0 =	sne.s32 s2, $0x0  }
0x68: {  	s3 =	rddreg [dreg:$0x2];
	[bflag:$0x3] =	sbarrier.arrive $0xFFFF;
	s2 =	simm.s32 @!p0 $0x1C02  }
0x69: {  	[timem:s3], [sflag:s2] =	dma.local @!p0 [hbm:s0], s1  }
0x6a: {  	s0 =	simm.s32 @!p0 $0x2  }
0x6b: {  	_ =	swait.ge @!p0 [sflag:s0], s1  }
0x6c: {  	s1 =	ssub.s32 @!p0 $0x0, s1;
	[sflag:s0] =	ssyncset.done @!p0 $0x0  }
0x6d: {  	[sflag:s0] =	ssyncadd.s32 @!p0 s1  }
0x6e: {  	[bflag:$0x3] =	sbarrier.arrive $0xFFFF  }
0x6f: {  	_ =	shalt  }

// kernel: kernel.26.cloned.1.call-start
scs
__scs_entry_jumppad:
0x0: {  	(pc) =	sbr.rel $0x88, $3  }
0x1: {  	(tag) =	ssettag $0x0;
	lr =	simm.s32 $0x1  }
0x2: {  	[smem:$0x3F9C] =	sst lr;
	_ =	strace $0xD0000000  }
0x3: {  	_ = 	snop  }
0x4: {  	_ = 	snop  }
0x5: {  	_ = 	snop  }
0x6: {  	_ = 	snop  }
0x7: {  	_ = 	snop  }
__scs_overlays_trampoline_lowered:
0x8: {  	[smem:$0x3FAB] =	sst s0  }
0x9: {  	[smem:$0x3FAC] =	sst s1  }
0xa: {  	[smem:$0x3FAD] =	sst s2  }
0xb: {  	[smem:$0x3FAE] =	sst s3  }
0xc: {  	[smem:$0x3FAF] =	sst s4  }
0xd: {  	[smem:$0x3FB0] =	sst s5  }
0xe: {  	[smem:$0x3FB1] =	sst s6  }
0xf: {  	[smem:$0x3FB2] =	sst s7  }
0x10: {  	[smem:$0x3FB3] =	sst s8  }
0x11: {  	[smem:$0x3FB4] =	sst s9;
	s0 =	simm.s32 @!p0 $0x0  }
0x12: {  	s1 =	sld [smem:$0x3F9A];
	s0 =	simm.s32 @p0 $0x1  }
0x13: {  	[smem:$0x3FB5] =	sst s0;
	s0 =	simm.s32 @!p1 $0x0  }
0x14: {  	s2 =	sld [smem:$0x3F99];
	s0 =	simm.s32 @p1 $0x1  }
0x15: {  	[smem:$0x3FB6] =	sst s0;
	s0 =	simm.s32 @!p2 $0x0  }
0x16: {  	s3 =	sld [smem:$0x3FDB];
	s0 =	simm.s32 @p2 $0x1  }
0x17: {  	s4 =	simm.s32 $0x1BF5;
	[smem:$0x3FB8] =	sst s0  }
0x18: {  	s0 =	sld [smem:$0x3F9B];
	_ =	swait.ge [sflag:s4], $0x0  }
0x19: {  	s7 =	sld [smem:$0x3F9C]  }
0x1a: {  	s8 =	sadd.s32 $0xFFFFE003, lr  }
0x1b: {  	s9 =	sadd.s32 $0xFFFFFEF7, lr;
	s5 =	simm.s32 $0xFFFFFFFF;
	p2 =	slt.u32 s8, $0xFFFFF086  }
0x1c: {  	p1 =	slt.u32 s9, $0xF7A;
	s5 =	simm.s32 @!p2 $0x0  }
0x1d: {  	s5 =	simm.s32 @p1 $0x1;
	p0 =	seq.s32 s7, s2  }
0x1e: {  	s7 =	smul.u32 @!p0 $0xF7A, s2;
	p2 =	seq.s32 @!p0 s5, $0x0  }
0x1f: {  	s9 =	smul.u32 $0xF7A, s1;
	s8 =	simm.s32 @!p0 $0x1BF5;
	p2 =	por !p2, p0  }
0x20: {  	[sflag:s8] =	ssyncset.s32 @!p0 $0xFFFFF086;
	s6 =	sadd.s32 @!p0 s3, s7;
	s7 =	simm.s32 @!p0 $0x108  }
0x21: {  	s3 =	sadd.s32 s3, s9;
	s6 =	sadd.s32 @!p0 $0x88, s6;
	s7 =	simm.s32 @p2 $0x1082  }
0x22: {  	[simem:s7], [sflag:s8] =	dma.local @!p0 [hbm:s6], $0xF7A  }
0x23: {  	s9 =	sor.u32 $0xD0000000, s2;
	s6 =	simm.s32 $0x108;
	_ =	swait.ge @!p0 [sflag:s8], $0x0  }
0x24: {  	s3 =	sadd.s32 $0x88, s3;
	s6 =	simm.s32 @!p1 $0x1082;
	[sflag:s4] =	ssyncset.s32 $0xFFFFF086  }
0x25: {  	[simem:s6], [sflag:s4] =	dma.local [hbm:s3], $0xF7A  }
0x26: {  	[smem:$0x3F9C] =	sst s1;
	(tag) =	ssettag s2;
	_ =	strace s9  }
0x27: {  	s1 =	sld [smem:$0x3FAC]  }
0x28: {  	s2 =	sld [smem:$0x3FAD]  }
0x29: {  	s4 =	sld [smem:$0x3FAF]  }
0x2a: {  	p0 =	seq.s32 s5, $0x0;
	s5 =	sld [smem:$0x3FB0]  }
0x2b: {  	s6 =	sld [smem:$0x3FB1]  }
0x2c: {  	s7 =	sld [smem:$0x3FB2]  }
0x2d: {  	s3 =	simm.s32 $0x108;
	s8 =	sld [smem:$0x3FB3]  }
0x2e: {  	s3 =	simm.s32 @!p0 $0x1082;
	s9 =	sld [smem:$0x3FB4]  }
0x2f: {  	lr =	sadd.s32 s0, s3;
	s0 =	sld [smem:$0x3FAB]  }
0x30: {  	s3 =	sld [smem:$0x3FAE]  }
0x31: {  	[smem:$0x3FB7] =	sst s10  }
0x32: {  	s10 =	sld [smem:$0x3FB5];
	_ =	sdelay $0x3  }
0x33: {  	p0 =	seq.s32 s10, $0x1;
	s10 =	sld [smem:$0x3FB7];
	_ =	sdelay $0x3  }
0x34: {  	[smem:$0x3FB7] =	sst s10  }
0x35: {  	s10 =	sld [smem:$0x3FB6];
	_ =	sdelay $0x3  }
0x36: {  	p1 =	seq.s32 s10, $0x1;
	s10 =	sld [smem:$0x3FB7];
	_ =	sdelay $0x3  }
0x37: {  	[smem:$0x3FB7] =	sst s10  }
0x38: {  	s10 =	sld [smem:$0x3FB8]  }
0x39: {  	_ = 	snop;
	(pc) =	sbr.ind lr, $3  }
0x3a: {  	_ = 	snop  }
0x3b: {  	_ = 	snop  }
0x3c: {  	p2 =	seq.s32 s10, $0x1;
	s10 =	sld [smem:$0x3FB7]  }
0x3d: {  	_ =	shalt  }
0x3e: {  	_ =	shalt  }
0x3f: {  	_ =	shalt  }
0x40: {  	_ =	shalt  }
0x41: {  	_ =	shalt  }
0x42: {  	_ =	shalt  }
0x43: {  	_ =	shalt  }
0x44: {  	_ =	shalt  }
0x45: {  	_ =	shalt  }
0x46: {  	_ =	shalt  }
0x47: {  	_ =	shalt  }
0x48: {  	_ =	shalt  }
0x49: {  	_ =	shalt  }
0x4a: {  	_ =	shalt  }
0x4b: {  	_ =	shalt  }
0x4c: {  	_ =	shalt  }
0x4d: {  	_ =	shalt  }
0x4e: {  	_ =	shalt  }
0x4f: {  	_ =	shalt  }
0x50: {  	_ =	shalt  }
0x51: {  	_ =	shalt  }
0x52: {  	_ =	shalt  }
0x53: {  	_ =	shalt  }
0x54: {  	_ =	shalt  }
0x55: {  	_ =	shalt  }
0x56: {  	_ =	shalt  }
0x57: {  	_ =	shalt  }
0x58: {  	_ =	shalt  }
0x59: {  	_ =	shalt  }
0x5a: {  	_ =	shalt  }
0x5b: {  	_ =	shalt  }
0x5c: {  	_ =	shalt  }
0x5d: {  	_ =	shalt  }
0x5e: {  	_ =	shalt  }
0x5f: {  	_ =	shalt  }
0x60: {  	_ =	shalt  }
0x61: {  	_ =	shalt  }
0x62: {  	_ =	shalt  }
0x63: {  	_ =	shalt  }
0x64: {  	_ =	shalt  }
0x65: {  	_ =	shalt  }
0x66: {  	_ =	shalt  }
0x67: {  	_ =	shalt  }
0x68: {  	_ =	shalt  }
0x69: {  	_ =	shalt  }
0x6a: {  	_ =	shalt  }
0x6b: {  	_ =	shalt  }
0x6c: {  	_ =	shalt  }
0x6d: {  	_ =	shalt  }
0x6e: {  	_ =	shalt  }
0x6f: {  	_ =	shalt  }
0x70: {  	_ =	shalt  }
0x71: {  	_ =	shalt  }
0x72: {  	_ =	shalt  }
0x73: {  	_ =	shalt  }
0x74: {  	_ =	shalt  }
0x75: {  	_ =	shalt  }
0x76: {  	_ =	shalt  }
0x77: {  	_ =	shalt  }
0x78: {  	_ =	shalt  }
0x79: {  	_ =	shalt  }
0x7a: {  	_ =	shalt  }
0x7b: {  	_ =	shalt  }
0x7c: {  	_ =	shalt  }
0x7d: {  	_ =	shalt  }
0x7e: {  	_ =	shalt  }
0x7f: {  	_ =	shalt  }
0x80: {  	_ =	shalt  }
0x81: {  	_ =	shalt  }
0x82: {  	_ =	shalt  }
0x83: {  	_ =	shalt  }
0x84: {  	_ =	shalt  }
0x85: {  	_ =	shalt  }
0x86: {  	_ =	shalt  }
0x87: {  	_ =	shalt  }
.Lfunc_end0:
.L_simem_size_0:
called_computation.3_lowered:
.L_overlay_start_0:
0x88: {  	s2 =	sld [smem:$0x3FD9]  }
0x89: {  	s3 =	sld [smem:$0x3FFE];
	_ =	sdelay $0x1  }
0x8a: {  	s1 =	srdreg.scid  }
0x8b: {  	s0 =	sand.u32 $0x1, s1  }
0x8c: {  	s17 =	sshll.u32 s0, $0xA;
	s2 =	sadd.s32 s3, s2  }
0x8d: {  	s2 =	sadd.s32 s2, s17  }
0x8e: {  	[smem:$0x3FC3] =	sst s2  }
0x8f: {  	_ = 	snop  }
0x90: {  	s18 =	sld [smem:$0x3FD0];
	(tm) =	ssettm $0x1  }
0x91: {  	s19 =	sld [smem:$0x3FFB];
	_ =	sdelay $0x3  }
0x92: {  	_ =	strace s19  }
0x93: {  	s2 =	sld [smem:$0x3FFC];
	_ =	sdelay $0x3  }
0x94: {  	_ =	strace s2  }
0x95: {  	s2 =	sld [smem:$0x3FFD];
	_ =	sdelay $0x3  }
0x96: {  	_ =	strace s2  }
0x97: {  	_ =	strace $0x8FFFFFFF  }
0x98: {  	s20 =	sld [smem:$0x3FDB];
	_ =	sdelay $0x1  }
0x99: {  	s4 =	simm.s32 $_scs_section_size  }
0x9a: {  	s5 =	simm.s32 $_size__tile_overlayer_lowered;
	s6 =	simm.s32 $_tile_overlayer_lowered  }
0x9b: {  	s7 =	simm.s32 $0x1BFF;
	s21 =	sshll.u32 s6, $0x1;
	s4 =	sadd.s32 s4, s20  }
0x9c: {  	s22 =	simm.s32 $0x0;
	s5 =	sshll.u32 s5, $0x1;
	s6 =	sadd.s32 s21, s4  }
0x9d: {  	[timem:s22], [sflag:s7] =	dma.local [hbm:s6], s5  }
0x9e: {  	_ =	swait.ge [sflag:s7], s5  }
0x9f: {  	s5 =	ssub.s32 $0x0, s5;
	[sflag:s7] =	ssyncset.done $0x0  }
0xa0: {  	[sflag:s7] =	ssyncadd.s32 s5;
	_ =	sdelay $0x1  }
0xa1: {  	s23 =	simm.s32 $0x1B8B  }
0xa2: {  	_ =	swait.ge [sflag:s23], $0x1  }
0xa3: {  	[sflag:s23] =	ssyncset.done $0x0  }
0xa4: {  	[sflag:s23] =	ssyncadd.s32 $0xFFFFFFFF  }
0xa5: {  	s5 =	sld [smem:$0x0]  }
0xa6: {  	s6 =	sand.u32 $0xFFFFFFFE, s1  }
0xa7: {  	p0 =	sne.s32 s1, s6  }
0xa8: {  	s6 =	sshll.u32 @p0 s6, $0xE  }
0xa9: {  	s6 =	sadd.s32 @p0 $0x11B8D, s6;
	s7 =	sshll.u32 @p0 s5, $0x11  }
0xaa: {  	s6 =	sor.u32 @p0 s7, s6  }
0xab: {  	[sflag:s6] =	ssyncadd.remote.s32 @p0 $0x1;
	_ =	sdelay $0x1  }
0xac: {  	s6 =	simm.s32 @p0 $0x1B8D  }
0xad: {  	_ =	swait.eq @p0 [sflag:s6], $0x1  }
0xae: {  	[sflag:s6] =	ssyncadd.s32 @p0 $0xFFFFFFFF  }
0xaf: {  	s7 =	sshll.u32 @!p0 s1, $0xE  }
0xb0: {  	s7 =	sor.u32 @!p0 $0x4000, s7;
	s6 =	simm.s32 @!p0 $0x1B8D  }
0xb1: {  	s5 =	sshll.u32 @!p0 s5, $0x11;
	s7 =	sadd.s32 @!p0 $0x11B8D, s7;
	_ =	swait.eq @!p0 [sflag:s6], $0x1  }
0xb2: {  	s5 =	sor.u32 @!p0 s5, s7;
	[sflag:s6] =	ssyncadd.s32 @!p0 $0xFFFFFFFF  }
0xb3: {  	s25 =	simm.s32 $0x1B8E;
	s24 =	sld [smem:$0x3FFE];
	[sflag:s5] =	ssyncadd.remote.s32 @!p0 $0x1  }
0xb4: {  	s26 =	simm.s32 $execute0_lowered;
	[smem:$0x3FD2] =	sst s25  }
0xb5: {  	s6 =	sshll.u32 s26, $0x1;
	_ =	strace $0x80000052;
	[dreg:$0x1] =	wrdreg $0xFFFFFFFF  }
0xb6: {  	s28 =	simm.s32 $_size_execute0_lowered;
	s4 =	sadd.s32 s4, s6;
	[dreg:$0x0] =	wrdreg $0x0  }
0xb7: {  	s6 =	sshll.u32 s28, $0x1;
	[dreg:$0x2] =	wrdreg s4  }
0xb8: {  	[dreg:$0x3] =	wrdreg s6  }
0xb9: {  	[dreg:$0x4] =	wrdreg $0xC0  }
0xba: {  	_ =	task [dreg:s22], $0x5FFFF  }
0xbb: {  	[dreg:$0x1] =	wrdreg $0xFFFFFFFF  }
0xbc: {  	[dreg:$0x0] =	wrdreg $0x60  }
0xbd: {  	[dreg:$0x2] =	wrdreg s18  }
0xbe: {  	[dreg:$0x3] =	wrdreg s24  }
0xbf: {  	[dreg:$0x4] =	wrdreg $0xB  }
0xc0: {  	_ =	task.clear_ibuf [dreg:s22], $0x5FFFF;
	_ =	strace $0x90000052  }
0xc1: {  	s29 =	simm.s32 $0xB;
	_ =	strace $0x80000054  }
0xc2: {  	_ =	swait.ge [sflag:s29], $0x1  }
0xc3: {  	[sflag:s29] =	ssyncadd.s32 $0xFFFFFFFF  }
0xc4: {  	_ =	strace $0x90000054  }
0xc5: {  	_ =	sfence  }
0xc6: {  	s30 =	sld [smem:$0x0];
	_ =	sdelay $0x2  }
0xc7: {  	s31 =	sshll.u32 s1, $0xD;
	s1 =	sshrl.u32 s1, $0x2  }
0xc8: {  	s4 =	sand.u32 $0x4000, s31;
	s1 =	sadd.s32 s1, s30  }
0xc9: {  	s0 =	sor.u32 s4, s0;
	s1 =	sshll.u32 s1, $0x11  }
0xca: {  	s0 =	sor.u32 s1, s0  }
0xcb: {  	s0 =	sadd.s32 $0x8F2B, s0  }
0xcc: {  	[sflag:s0] =	ssyncadd.remote.s32 $0x1  }
0xcd: {  	_ =	sfence.sel $0xFFFF  }
0xce: {  	[dreg:$0x0] =	wrdreg $0xFFFFFFFF;
	(pc) =	sbr.abs _section_cstart, $3  }
0xcf: {  	[dreg:$0x1] =	wrdreg $0xFFFFFFFF  }
0xd0: {  	_ =	task.clear_ibuf [dreg:s22], $0x2FFFF;
	_ =	strace $0x9FFFFFFF  }
0xd1: {  	(tm) =	ssettm $0x7FFFFFFF  }
tec
execute0_lowered:
.L_overlay_start_1:
0x0: {  	(tag) =	ssettag $0x1  }
0x1: {  	s1 =	rddreg [dreg:$0x0];
	s2 =	srdreg.scid  }
0x2: {  	s0 =	stileid.u32;
	s6 =	rddreg [dreg:$0x1]  }
0x3: {  	s25 =	simm.s32 $0x880;
	s26 =	simm.s32 $0x1080;
	s9 =	simm.s32 $0x80  }
0x4: {  	s11 =	simm.s32 $0x2080;
	s12 =	simm.s32 $0x2880;
	s13 =	simm.s32 $0x3080  }
0x5: {  	s14 =	simm.s32 $0x3880;
	s15 =	simm.s32 $0x4080;
	s16 =	simm.s32 $0x4880  }
0x6: {  	s17 =	simm.s32 $0x5080;
	s18 =	simm.s32 $0x5880;
	s19 =	simm.s32 $0x6080  }
0x7: {  	s20 =	simm.s32 $0x6880;
	s21 =	simm.s32 $0x7080;
	s22 =	simm.s32 $0x7880  }
0x8: {  	s23 =	simm.s32 $0x8080;
	s24 =	simm.s32 $0x8880;
	s28 =	simm.s32 $0xA080  }
0x9: {  	s29 =	simm.s32 $0xA880;
	s30 =	simm.s32 $0xB080;
	s31 =	simm.s32 $0xB880  }
0xa: {  	s3 =	sand.u32 $0x1, s2;
	s4 =	sshll.u32 s0, $0x1;
	s2 =	simm.s32 $0x0  }
0xb: {  	s4 =	sor.u32 s3, s4;
	[smem:$0x7FF] =	sst s2;
	s7 =	ssub.s32 $0x2, s3  }
0xc: {  	s3 =	sadd.s32 $0x14200, s6;
	s5 =	smul.u32 $0x6, s4;
	_ =	strace $0x80000053  }
0xd: {  	s4 =	smul.u32 $0x1800, s4;
	s8 =	sshrl.u32 s7, $0x1;
	[dreg:$0x5] =	wrdreg s25  }
0xe: {  	[dreg:$0x6] =	wrdreg s26;
	s25 =	simm.s32 $0x9080;
	s26 =	simm.s32 $0x9880  }
0xf: {  	s7 =	ssub.s32 s7, s8;
	s8 =	simm.s32 $0x2;
	s5 =	sadd.s32 s5, s6  }
0x10: {  	v2 =	vlaneseq.u32;
	s1 =	sadd.s32 s1, s4;
	s4 =	sadd.s32 $0x14300, s6;
	s7 =	smax.u32 s7, $0x1  }
0x11: {  	vm0 =	vmmov $0xffff;
	v1 =	vshrl.u32 v2, $0x3;
	s5 =	sadd.s32 $0x13A00, s5;
	[dreg:$0x4] =	wrdreg s1;
	s1 =	simm.s32 $0x1  }
0x12: {  	v0 =	vand.u32 $0x7, v2;
	v2 =	vor.u32 $0x8, v2;
	v1 =	vmul.u32 $0x8, v1;
	[dreg:$0x3] =	wrdreg s5;
	s5 =	sadd.s32 $0x14400, s6;
	s6 =	sadd.s32 $0x14500, s6  }
.LBB2_1:
0x13: {  	s0 =	rddreg [dreg:$0x3]  }
0x14: {  	[tilespmem:s2], [sflag:$0x2] =	stream.linear.gather [hbm4b:s0+s2], $0x30, $0x38;
	[tilespmem:$0xC080] =	vst v63  }
0x15: {  	_ =	swait.ge [sflag:s8], $0x30  }
0x16: {  	[sflag:s8] =	ssyncset.done $0x0  }
0x17: {  	s10 =	rddreg [dreg:$0x4];
	[sflag:s8] =	ssyncadd.s32 $0xFFFFFFD0  }
0x18: {  	[tilespmem:s9], [sflag:$0x2] =	stream.linear.gather [hbm4b:s10+s2], $0xC000, $0x38;
	[tilespmem:$0xC080] =	vst v63  }
0x19: {  	_ =	swait.ge [sflag:s8], $0xC000  }
0x1a: {  	[sflag:s8] =	ssyncset.done $0x0  }
0x1b: {  	[sflag:s8] =	ssyncadd.s32 $0xFFFF4000  }
0x1c: {  	v3 =	vld [tilespmem:$0x0];
	_ =	sdelay $0x4  }
0x1d: {  	v4 =	vshll.u32 v3, $0x3  }
0x1e: {  	v3 =	vand.u32 $0x7, v3;
	v4 =	vand.u32 $0xFFFFFFC0, v4  }
0x1f: {  	v3 =	vor.u32 v3, v4  }
0x20: {  	v4 =	vperm.xlane v3, v0;
	_ =	sdelay $0x1  }
0x21: {  	v4 =	vadd.s32 v1, v4;
	_ =	sdelay $0x4  }
0x22: {  	[hbm4b:s3+s2] =	stream.indirect_vreg.scatter [tilespmem:s9], [sflag:$0x1], $0x80, v4, vm0, $0xb8;
	[tilespmem:$0xC080] =	vst v63  }
0x23: {  	s0 =	rddreg [dreg:$0x5];
	v3 =	vperm.xlane v3, v2  }
0x24: {  	[hbm4b:s4+s2] =	stream.indirect_vreg.scatter [tilespmem:s0], [sflag:$0x1], $0x80, v4, vm0, $0xb8;
	[tilespmem:$0xC080] =	vst v63  }
0x25: {  	s10 =	rddreg [dreg:$0x6];
	v3 =	vadd.s32 v1, v3  }
0x26: {  	[hbm4b:s5+s2] =	stream.indirect_vreg.scatter [tilespmem:s10], [sflag:$0x1], $0x80, v4, vm0, $0xb8;
	[tilespmem:$0xC080] =	vst v63  }
0x27: {  	s10 =	simm.s32 $0x1880  }
0x28: {  	[hbm4b:s6+s2] =	stream.indirect_vreg.scatter [tilespmem:s10], [sflag:$0x1], $0x80, v4, vm0, $0xb8;
	[tilespmem:$0xC080] =	vst v63  }
0x29: {  	_ = 	snop  }
0x2a: {  	[hbm4b:s3+s2] =	stream.indirect_vreg.scatter [tilespmem:s11], [sflag:$0x1], $0x80, v3, vm0, $0xb8;
	[tilespmem:$0xC080] =	vst v63  }
0x2b: {  	_ = 	snop  }
0x2c: {  	[hbm4b:s4+s2] =	stream.indirect_vreg.scatter [tilespmem:s12], [sflag:$0x1], $0x80, v3, vm0, $0xb8;
	[tilespmem:$0xC080] =	vst v63  }
0x2d: {  	_ = 	snop  }
0x2e: {  	[hbm4b:s5+s2] =	stream.indirect_vreg.scatter [tilespmem:s13], [sflag:$0x1], $0x80, v3, vm0, $0xb8;
	[tilespmem:$0xC080] =	vst v63  }
0x2f: {  	_ = 	snop  }
0x30: {  	[hbm4b:s6+s2] =	stream.indirect_vreg.scatter [tilespmem:s14], [sflag:$0x1], $0x80, v3, vm0, $0xb8;
	[tilespmem:$0xC080] =	vst v63  }
0x31: {  	v3 =	vld [tilespmem:$0x10];
	_ =	sdelay $0x4  }
0x32: {  	v62 =	vshll.u32 v3, $0x3  }
0x33: {  	v3 =	vand.u32 $0x7, v3;
	v4 =	vand.u32 $0xFFFFFFC0, v62  }
0x34: {  	v3 =	vor.u32 v3, v4  }
0x35: {  	v4 =	vperm.xlane v3, v0;
	_ =	sdelay $0x1  }
0x36: {  	v4 =	vadd.s32 v1, v4;
	_ =	sdelay $0x4  }
0x37: {  	[hbm4b:s3+s2] =	stream.indirect_vreg.scatter [tilespmem:s15], [sflag:$0x1], $0x80, v4, vm0, $0xb8;
	[tilespmem:$0xC080] =	vst v63  }
0x38: {  	v3 =	vperm.xlane v3, v2  }
0x39: {  	[hbm4b:s4+s2] =	stream.indirect_vreg.scatter [tilespmem:s16], [sflag:$0x1], $0x80, v4, vm0, $0xb8;
	[tilespmem:$0xC080] =	vst v63  }
0x3a: {  	v3 =	vadd.s32 v1, v3  }
0x3b: {  	[hbm4b:s5+s2] =	stream.indirect_vreg.scatter [tilespmem:s17], [sflag:$0x1], $0x80, v4, vm0, $0xb8;
	[tilespmem:$0xC080] =	vst v63  }
0x3c: {  	_ = 	snop  }
0x3d: {  	[hbm4b:s6+s2] =	stream.indirect_vreg.scatter [tilespmem:s18], [sflag:$0x1], $0x80, v4, vm0, $0xb8;
	[tilespmem:$0xC080] =	vst v63  }
0x3e: {  	_ = 	snop  }
0x3f: {  	[hbm4b:s3+s2] =	stream.indirect_vreg.scatter [tilespmem:s19], [sflag:$0x1], $0x80, v3, vm0, $0xb8;
	[tilespmem:$0xC080] =	vst v63  }
0x40: {  	_ = 	snop  }
0x41: {  	[hbm4b:s4+s2] =	stream.indirect_vreg.scatter [tilespmem:s20], [sflag:$0x1], $0x80, v3, vm0, $0xb8;
	[tilespmem:$0xC080] =	vst v63  }
0x42: {  	_ = 	snop  }
0x43: {  	[hbm4b:s5+s2] =	stream.indirect_vreg.scatter [tilespmem:s21], [sflag:$0x1], $0x80, v3, vm0, $0xb8;
	[tilespmem:$0xC080] =	vst v63  }
0x44: {  	_ = 	snop  }
0x45: {  	[hbm4b:s6+s2] =	stream.indirect_vreg.scatter [tilespmem:s22], [sflag:$0x1], $0x80, v3, vm0, $0xb8;
	[tilespmem:$0xC080] =	vst v63  }
0x46: {  	v3 =	vld [tilespmem:$0x20];
	_ =	sdelay $0x4  }
0x47: {  	v63 =	vshll.u32 v3, $0x3  }
0x48: {  	v3 =	vand.u32 $0x7, v3;
	v4 =	vand.u32 $0xFFFFFFC0, v63  }
0x49: {  	v3 =	vor.u32 v3, v4  }
0x4a: {  	v4 =	vperm.xlane v3, v0;
	_ =	sdelay $0x1  }
0x4b: {  	v4 =	vadd.s32 v1, v4;
	_ =	sdelay $0x4  }
0x4c: {  	[hbm4b:s3+s2] =	stream.indirect_vreg.scatter [tilespmem:s23], [sflag:$0x1], $0x80, v4, vm0, $0xb8;
	[tilespmem:$0xC080] =	vst v63  }
0x4d: {  	v3 =	vperm.xlane v3, v2  }
0x4e: {  	[hbm4b:s4+s2] =	stream.indirect_vreg.scatter [tilespmem:s24], [sflag:$0x1], $0x80, v4, vm0, $0xb8;
	[tilespmem:$0xC080] =	vst v63  }
0x4f: {  	v3 =	vadd.s32 v1, v3  }
0x50: {  	[hbm4b:s5+s2] =	stream.indirect_vreg.scatter [tilespmem:s25], [sflag:$0x1], $0x80, v4, vm0, $0xb8;
	[tilespmem:$0xC080] =	vst v63  }
0x51: {  	_ = 	snop  }
0x52: {  	[hbm4b:s6+s2] =	stream.indirect_vreg.scatter [tilespmem:s26], [sflag:$0x1], $0x80, v4, vm0, $0xb8;
	[tilespmem:$0xC080] =	vst v63  }
0x53: {  	_ = 	snop  }
0x54: {  	[hbm4b:s3+s2] =	stream.indirect_vreg.scatter [tilespmem:s28], [sflag:$0x1], $0x80, v3, vm0, $0xb8;
	[tilespmem:$0xC080] =	vst v63  }
0x55: {  	_ = 	snop  }
0x56: {  	[hbm4b:s4+s2] =	stream.indirect_vreg.scatter [tilespmem:s29], [sflag:$0x1], $0x80, v3, vm0, $0xb8;
	[tilespmem:$0xC080] =	vst v63  }
0x57: {  	p0 =	sne.s32 s7, $0x1  }
0x58: {  	[hbm4b:s5+s2] =	stream.indirect_vreg.scatter [tilespmem:s30], [sflag:$0x1], $0x80, v3, vm0, $0xb8;
	[tilespmem:$0xC080] =	vst v63  }
.Ltmp0:
0x59: {  	_ = 	snop;
	(pc) =	sbr.rel @p0 .LBB2_1-.Ltmp0, $4  }
0x5a: {  	[hbm4b:s6+s2] =	stream.indirect_vreg.scatter [tilespmem:s31], [sflag:$0x1], $0x80, v3, vm0, $0xb8;
	[tilespmem:$0xC080] =	vst v63  }
0x5b: {  	_ =	swait.ge [sflag:s1], $0xC000  }
0x5c: {  	[sflag:s1] =	ssyncset.done $0x0  }
0x5d: {  	s7 =	sadd.s32 $0xFFFFFFFF, s7;
	[sflag:s1] =	ssyncadd.s32 $0xFFFF4000  }
0x5e: {  	_ =	sfence.sel $0x180000  }
0x5f: {  	[bflag:$0x0] =	sbarrier.arrive $0xFFFF  }
0x60: {  	_ =	strace $0x90000053  }
0x61: {  	s0 =	stileid.u32;
	[bflag:$0x2] =	sbarrier.arrive $0xFFFF  }
0x62: {  	p0 =	sne.s32 s0, $0x0;
	s0 =	rddreg [dreg:$0x2]  }
0x63: {  	s0 =	sadd.s32 @!p0 $0x100000, s0  }
0x64: {  	[sflag:s0] =	ssyncadd.tile.s32 @!p0 $0x1;
	_ =	shalt  }
.Lfunc_end2:
_tile_overlayer_lowered:
.L_overlay_start_2:
0x65: {  	(tag) =	ssettag $0x2  }
0x66: {  	s0 =	rddreg [dreg:$0x0];
	s2 =	stileid.u32  }
0x67: {  	s1 =	rddreg [dreg:$0x1];
	p0 =	sne.s32 s2, $0x0  }
0x68: {  	s3 =	rddreg [dreg:$0x2];
	[bflag:$0x3] =	sbarrier.arrive $0xFFFF;
	s2 =	simm.s32 @!p0 $0x1C02  }
0x69: {  	[timem:s3], [sflag:s2] =	dma.local @!p0 [hbm:s0], s1  }
0x6a: {  	s0 =	simm.s32 @!p0 $0x2  }
0x6b: {  	_ =	swait.ge @!p0 [sflag:s0], s1  }
0x6c: {  	s1 =	ssub.s32 @!p0 $0x0, s1;
	[sflag:s0] =	ssyncset.done @!p0 $0x0  }
0x6d: {  	[sflag:s0] =	ssyncadd.s32 @!p0 s1  }
0x6e: {  	[bflag:$0x3] =	sbarrier.arrive $0xFFFF  }
0x6f: {  	_ =	shalt  }

// kernel: kernel.29.cloned.1.call-start
scs
__scs_entry_jumppad:
0x0: {  	(pc) =	sbr.rel $0x88, $3  }
0x1: {  	(tag) =	ssettag $0x0;
	lr =	simm.s32 $0x1  }
0x2: {  	[smem:$0x3F9C] =	sst lr;
	_ =	strace $0xD0000000  }
0x3: {  	_ = 	snop  }
0x4: {  	_ = 	snop  }
0x5: {  	_ = 	snop  }
0x6: {  	_ = 	snop  }
0x7: {  	_ = 	snop  }
__scs_overlays_trampoline_lowered:
0x8: {  	[smem:$0x3FAB] =	sst s0  }
0x9: {  	[smem:$0x3FAC] =	sst s1  }
0xa: {  	[smem:$0x3FAD] =	sst s2  }
0xb: {  	[smem:$0x3FAE] =	sst s3  }
0xc: {  	[smem:$0x3FAF] =	sst s4  }
0xd: {  	[smem:$0x3FB0] =	sst s5  }
0xe: {  	[smem:$0x3FB1] =	sst s6  }
0xf: {  	[smem:$0x3FB2] =	sst s7  }
0x10: {  	[smem:$0x3FB3] =	sst s8  }
0x11: {  	[smem:$0x3FB4] =	sst s9;
	s0 =	simm.s32 @!p0 $0x0  }
0x12: {  	s1 =	sld [smem:$0x3F9A];
	s0 =	simm.s32 @p0 $0x1  }
0x13: {  	[smem:$0x3FB5] =	sst s0;
	s0 =	simm.s32 @!p1 $0x0  }
0x14: {  	s2 =	sld [smem:$0x3F99];
	s0 =	simm.s32 @p1 $0x1  }
0x15: {  	[smem:$0x3FB6] =	sst s0;
	s0 =	simm.s32 @!p2 $0x0  }
0x16: {  	s3 =	sld [smem:$0x3FDB];
	s0 =	simm.s32 @p2 $0x1  }
0x17: {  	s4 =	simm.s32 $0x1BF5;
	[smem:$0x3FB8] =	sst s0  }
0x18: {  	s0 =	sld [smem:$0x3F9B];
	_ =	swait.ge [sflag:s4], $0x0  }
0x19: {  	s7 =	sld [smem:$0x3F9C]  }
0x1a: {  	s8 =	sadd.s32 $0xFFFFE003, lr  }
0x1b: {  	s9 =	sadd.s32 $0xFFFFFEF7, lr;
	s5 =	simm.s32 $0xFFFFFFFF;
	p2 =	slt.u32 s8, $0xFFFFF086  }
0x1c: {  	p1 =	slt.u32 s9, $0xF7A;
	s5 =	simm.s32 @!p2 $0x0  }
0x1d: {  	s5 =	simm.s32 @p1 $0x1;
	p0 =	seq.s32 s7, s2  }
0x1e: {  	s7 =	smul.u32 @!p0 $0xF7A, s2;
	p2 =	seq.s32 @!p0 s5, $0x0  }
0x1f: {  	s9 =	smul.u32 $0xF7A, s1;
	s8 =	simm.s32 @!p0 $0x1BF5;
	p2 =	por !p2, p0  }
0x20: {  	[sflag:s8] =	ssyncset.s32 @!p0 $0xFFFFF086;
	s6 =	sadd.s32 @!p0 s3, s7;
	s7 =	simm.s32 @!p0 $0x108  }
0x21: {  	s3 =	sadd.s32 s3, s9;
	s6 =	sadd.s32 @!p0 $0x88, s6;
	s7 =	simm.s32 @p2 $0x1082  }
0x22: {  	[simem:s7], [sflag:s8] =	dma.local @!p0 [hbm:s6], $0xF7A  }
0x23: {  	s9 =	sor.u32 $0xD0000000, s2;
	s6 =	simm.s32 $0x108;
	_ =	swait.ge @!p0 [sflag:s8], $0x0  }
0x24: {  	s3 =	sadd.s32 $0x88, s3;
	s6 =	simm.s32 @!p1 $0x1082;
	[sflag:s4] =	ssyncset.s32 $0xFFFFF086  }
0x25: {  	[simem:s6], [sflag:s4] =	dma.local [hbm:s3], $0xF7A  }
0x26: {  	[smem:$0x3F9C] =	sst s1;
	(tag) =	ssettag s2;
	_ =	strace s9  }
0x27: {  	s1 =	sld [smem:$0x3FAC]  }
0x28: {  	s2 =	sld [smem:$0x3FAD]  }
0x29: {  	s4 =	sld [smem:$0x3FAF]  }
0x2a: {  	p0 =	seq.s32 s5, $0x0;
	s5 =	sld [smem:$0x3FB0]  }
0x2b: {  	s6 =	sld [smem:$0x3FB1]  }
0x2c: {  	s7 =	sld [smem:$0x3FB2]  }
0x2d: {  	s3 =	simm.s32 $0x108;
	s8 =	sld [smem:$0x3FB3]  }
0x2e: {  	s3 =	simm.s32 @!p0 $0x1082;
	s9 =	sld [smem:$0x3FB4]  }
0x2f: {  	lr =	sadd.s32 s0, s3;
	s0 =	sld [smem:$0x3FAB]  }
0x30: {  	s3 =	sld [smem:$0x3FAE]  }
0x31: {  	[smem:$0x3FB7] =	sst s10  }
0x32: {  	s10 =	sld [smem:$0x3FB5];
	_ =	sdelay $0x3  }
0x33: {  	p0 =	seq.s32 s10, $0x1;
	s10 =	sld [smem:$0x3FB7];
	_ =	sdelay $0x3  }
0x34: {  	[smem:$0x3FB7] =	sst s10  }
0x35: {  	s10 =	sld [smem:$0x3FB6];
	_ =	sdelay $0x3  }
0x36: {  	p1 =	seq.s32 s10, $0x1;
	s10 =	sld [smem:$0x3FB7];
	_ =	sdelay $0x3  }
0x37: {  	[smem:$0x3FB7] =	sst s10  }
0x38: {  	s10 =	sld [smem:$0x3FB8]  }
0x39: {  	_ = 	snop;
	(pc) =	sbr.ind lr, $3  }
0x3a: {  	_ = 	snop  }
0x3b: {  	_ = 	snop  }
0x3c: {  	p2 =	seq.s32 s10, $0x1;
	s10 =	sld [smem:$0x3FB7]  }
0x3d: {  	_ =	shalt  }
0x3e: {  	_ =	shalt  }
0x3f: {  	_ =	shalt  }
0x40: {  	_ =	shalt  }
0x41: {  	_ =	shalt  }
0x42: {  	_ =	shalt  }
0x43: {  	_ =	shalt  }
0x44: {  	_ =	shalt  }
0x45: {  	_ =	shalt  }
0x46: {  	_ =	shalt  }
0x47: {  	_ =	shalt  }
0x48: {  	_ =	shalt  }
0x49: {  	_ =	shalt  }
0x4a: {  	_ =	shalt  }
0x4b: {  	_ =	shalt  }
0x4c: {  	_ =	shalt  }
0x4d: {  	_ =	shalt  }
0x4e: {  	_ =	shalt  }
0x4f: {  	_ =	shalt  }
0x50: {  	_ =	shalt  }
0x51: {  	_ =	shalt  }
0x52: {  	_ =	shalt  }
0x53: {  	_ =	shalt  }
0x54: {  	_ =	shalt  }
0x55: {  	_ =	shalt  }
0x56: {  	_ =	shalt  }
0x57: {  	_ =	shalt  }
0x58: {  	_ =	shalt  }
0x59: {  	_ =	shalt  }
0x5a: {  	_ =	shalt  }
0x5b: {  	_ =	shalt  }
0x5c: {  	_ =	shalt  }
0x5d: {  	_ =	shalt  }
0x5e: {  	_ =	shalt  }
0x5f: {  	_ =	shalt  }
0x60: {  	_ =	shalt  }
0x61: {  	_ =	shalt  }
0x62: {  	_ =	shalt  }
0x63: {  	_ =	shalt  }
0x64: {  	_ =	shalt  }
0x65: {  	_ =	shalt  }
0x66: {  	_ =	shalt  }
0x67: {  	_ =	shalt  }
0x68: {  	_ =	shalt  }
0x69: {  	_ =	shalt  }
0x6a: {  	_ =	shalt  }
0x6b: {  	_ =	shalt  }
0x6c: {  	_ =	shalt  }
0x6d: {  	_ =	shalt  }
0x6e: {  	_ =	shalt  }
0x6f: {  	_ =	shalt  }
0x70: {  	_ =	shalt  }
0x71: {  	_ =	shalt  }
0x72: {  	_ =	shalt  }
0x73: {  	_ =	shalt  }
0x74: {  	_ =	shalt  }
0x75: {  	_ =	shalt  }
0x76: {  	_ =	shalt  }
0x77: {  	_ =	shalt  }
0x78: {  	_ =	shalt  }
0x79: {  	_ =	shalt  }
0x7a: {  	_ =	shalt  }
0x7b: {  	_ =	shalt  }
0x7c: {  	_ =	shalt  }
0x7d: {  	_ =	shalt  }
0x7e: {  	_ =	shalt  }
0x7f: {  	_ =	shalt  }
0x80: {  	_ =	shalt  }
0x81: {  	_ =	shalt  }
0x82: {  	_ =	shalt  }
0x83: {  	_ =	shalt  }
0x84: {  	_ =	shalt  }
0x85: {  	_ =	shalt  }
0x86: {  	_ =	shalt  }
0x87: {  	_ =	shalt  }
.Lfunc_end0:
.L_simem_size_0:
called_computation.4_lowered:
.L_overlay_start_0:
0x88: {  	s2 =	sld [smem:$0x3FD9]  }
0x89: {  	s3 =	sld [smem:$0x3FFE];
	_ =	sdelay $0x1  }
0x8a: {  	s1 =	srdreg.scid  }
0x8b: {  	s0 =	sand.u32 $0x1, s1  }
0x8c: {  	s17 =	sshll.u32 s0, $0xA;
	s2 =	sadd.s32 s3, s2  }
0x8d: {  	s2 =	sadd.s32 s2, s17  }
0x8e: {  	[smem:$0x3FC3] =	sst s2  }
0x8f: {  	_ = 	snop  }
0x90: {  	s18 =	sld [smem:$0x3FC9];
	(tm) =	ssettm $0x1  }
0x91: {  	s19 =	sld [smem:$0x3FFB];
	_ =	sdelay $0x3  }
0x92: {  	_ =	strace s19  }
0x93: {  	s2 =	sld [smem:$0x3FFC];
	_ =	sdelay $0x3  }
0x94: {  	_ =	strace s2  }
0x95: {  	s2 =	sld [smem:$0x3FFD];
	_ =	sdelay $0x3  }
0x96: {  	_ =	strace s2  }
0x97: {  	_ =	strace $0x8FFFFFFF  }
0x98: {  	s20 =	sld [smem:$0x3FDB];
	_ =	sdelay $0x1  }
0x99: {  	s4 =	simm.s32 $_scs_section_size  }
0x9a: {  	s5 =	simm.s32 $_size__tile_overlayer_lowered;
	s6 =	simm.s32 $_tile_overlayer_lowered  }
0x9b: {  	s7 =	simm.s32 $0x1BFF;
	s21 =	sshll.u32 s6, $0x1;
	s4 =	sadd.s32 s4, s20  }
0x9c: {  	s22 =	simm.s32 $0x0;
	s5 =	sshll.u32 s5, $0x1;
	s6 =	sadd.s32 s21, s4  }
0x9d: {  	[timem:s22], [sflag:s7] =	dma.local [hbm:s6], s5  }
0x9e: {  	_ =	swait.ge [sflag:s7], s5  }
0x9f: {  	s5 =	ssub.s32 $0x0, s5;
	[sflag:s7] =	ssyncset.done $0x0  }
0xa0: {  	[sflag:s7] =	ssyncadd.s32 s5;
	_ =	sdelay $0x1  }
0xa1: {  	s23 =	simm.s32 $0x1B8B  }
0xa2: {  	_ =	swait.ge [sflag:s23], $0x1  }
0xa3: {  	[sflag:s23] =	ssyncset.done $0x0  }
0xa4: {  	[sflag:s23] =	ssyncadd.s32 $0xFFFFFFFF  }
0xa5: {  	s5 =	sld [smem:$0x0]  }
0xa6: {  	s6 =	sand.u32 $0xFFFFFFFE, s1  }
0xa7: {  	p0 =	sne.s32 s1, s6  }
0xa8: {  	s6 =	sshll.u32 @p0 s6, $0xE  }
0xa9: {  	s6 =	sadd.s32 @p0 $0x11B8D, s6;
	s7 =	sshll.u32 @p0 s5, $0x11  }
0xaa: {  	s6 =	sor.u32 @p0 s7, s6  }
0xab: {  	[sflag:s6] =	ssyncadd.remote.s32 @p0 $0x1;
	_ =	sdelay $0x1  }
0xac: {  	s6 =	simm.s32 @p0 $0x1B8D  }
0xad: {  	_ =	swait.eq @p0 [sflag:s6], $0x1  }
0xae: {  	[sflag:s6] =	ssyncadd.s32 @p0 $0xFFFFFFFF  }
0xaf: {  	s7 =	sshll.u32 @!p0 s1, $0xE  }
0xb0: {  	s7 =	sor.u32 @!p0 $0x4000, s7;
	s6 =	simm.s32 @!p0 $0x1B8D  }
0xb1: {  	s5 =	sshll.u32 @!p0 s5, $0x11;
	s7 =	sadd.s32 @!p0 $0x11B8D, s7;
	_ =	swait.eq @!p0 [sflag:s6], $0x1  }
0xb2: {  	s5 =	sor.u32 @!p0 s5, s7;
	[sflag:s6] =	ssyncadd.s32 @!p0 $0xFFFFFFFF  }
0xb3: {  	s25 =	simm.s32 $0x1B8E;
	s24 =	sld [smem:$0x3FFE];
	[sflag:s5] =	ssyncadd.remote.s32 @!p0 $0x1  }
0xb4: {  	s26 =	simm.s32 $execute0_lowered;
	[smem:$0x3FD2] =	sst s25  }
0xb5: {  	s6 =	sshll.u32 s26, $0x1;
	_ =	strace $0x8000004F;
	[dreg:$0x1] =	wrdreg $0xFFFFFFFF  }
0xb6: {  	s28 =	simm.s32 $_size_execute0_lowered;
	s4 =	sadd.s32 s4, s6;
	[dreg:$0x0] =	wrdreg $0x0  }
0xb7: {  	s6 =	sshll.u32 s28, $0x1;
	[dreg:$0x2] =	wrdreg s4  }
0xb8: {  	[dreg:$0x3] =	wrdreg s6  }
0xb9: {  	[dreg:$0x4] =	wrdreg $0xC0  }
0xba: {  	_ =	task [dreg:s22], $0x5FFFF  }
0xbb: {  	[dreg:$0x1] =	wrdreg $0xFFFFFFFF  }
0xbc: {  	[dreg:$0x0] =	wrdreg $0x60  }
0xbd: {  	[dreg:$0x2] =	wrdreg s18  }
0xbe: {  	[dreg:$0x3] =	wrdreg s24  }
0xbf: {  	[dreg:$0x4] =	wrdreg $0x9  }
0xc0: {  	_ =	task.clear_ibuf [dreg:s22], $0x5FFFF;
	_ =	strace $0x9000004F  }
0xc1: {  	s29 =	simm.s32 $0x9;
	_ =	strace $0x80000051  }
0xc2: {  	_ =	swait.ge [sflag:s29], $0x1  }
0xc3: {  	[sflag:s29] =	ssyncadd.s32 $0xFFFFFFFF  }
0xc4: {  	_ =	strace $0x90000051  }
0xc5: {  	_ =	sfence  }
0xc6: {  	s30 =	sld [smem:$0x0];
	_ =	sdelay $0x2  }
0xc7: {  	s31 =	sshll.u32 s1, $0xD;
	s1 =	sshrl.u32 s1, $0x2  }
0xc8: {  	s4 =	sand.u32 $0x4000, s31;
	s1 =	sadd.s32 s1, s30  }
0xc9: {  	s0 =	sor.u32 s4, s0;
	s1 =	sshll.u32 s1, $0x11  }
0xca: {  	s0 =	sor.u32 s1, s0  }
0xcb: {  	s0 =	sadd.s32 $0x8F2B, s0  }
0xcc: {  	[sflag:s0] =	ssyncadd.remote.s32 $0x1  }
0xcd: {  	_ =	sfence.sel $0xFFFF  }
0xce: {  	[dreg:$0x0] =	wrdreg $0xFFFFFFFF;
	(pc) =	sbr.abs _section_cstart, $3  }
0xcf: {  	[dreg:$0x1] =	wrdreg $0xFFFFFFFF  }
0xd0: {  	_ =	task.clear_ibuf [dreg:s22], $0x2FFFF;
	_ =	strace $0x9FFFFFFF  }
0xd1: {  	(tm) =	ssettm $0x7FFFFFFF  }
tec
execute0_lowered:
.L_overlay_start_1:
0x0: {  	(tag) =	ssettag $0x1  }
0x1: {  	s1 =	srdreg.scid;
	s2 =	rddreg [dreg:$0x0]  }
0x2: {  	s0 =	stileid.u32;
	s5 =	rddreg [dreg:$0x1]  }
0x3: {  	s3 =	simm.s32 $0x0;
	s10 =	simm.s32 $0x80;
	s11 =	simm.s32 $0x880  }
0x4: {  	s12 =	simm.s32 $0x1080;
	s13 =	simm.s32 $0x1880;
	s14 =	simm.s32 $0x2080  }
0x5: {  	s15 =	simm.s32 $0x2880;
	s16 =	simm.s32 $0x3080;
	s17 =	simm.s32 $0x3880  }
0x6: {  	s18 =	simm.s32 $0x4080;
	s19 =	simm.s32 $0x4880;
	s20 =	simm.s32 $0x5080  }
0x7: {  	s21 =	simm.s32 $0x5880;
	s22 =	simm.s32 $0x6080;
	s23 =	simm.s32 $0x6880  }
0x8: {  	s24 =	simm.s32 $0x7080;
	s25 =	simm.s32 $0x7880;
	s28 =	simm.s32 $0x8880  }
0x9: {  	s29 =	simm.s32 $0x9080;
	s4 =	sand.u32 $0x1, s1;
	s26 =	sshll.u32 s0, $0x1  }
0xa: {  	s30 =	simm.s32 $0x9880;
	s31 =	simm.s32 $0x1;
	s6 =	sor.u32 s4, s26  }
0xb: {  	[smem:$0x7FF] =	sst s3;
	s4 =	ssub.s32 $0x2, s4;
	s7 =	smul.u32 $0x5, s6  }
0xc: {  	_ =	strace $0x80000050;
	s6 =	smul.u32 $0x1400, s6;
	s8 =	sshrl.u32 s4, $0x1  }
0xd: {  	s26 =	simm.s32 $0x8080;
	s8 =	ssub.s32 s4, s8;
	s4 =	sadd.s32 $0x100, s2  }
0xe: {  	v2 =	vlaneseq.u32;
	s7 =	sadd.s32 s7, s5;
	s9 =	sadd.s32 s6, s5;
	s5 =	sadd.s32 $0x200, s2  }
0xf: {  	vm0 =	vmmov $0xffff;
	v1 =	vshrl.u32 v2, $0x3;
	s6 =	sadd.s32 $0x300, s2;
	s8 =	smax.u32 s8, $0x1;
	s7 =	sadd.s32 $0x54600, s7  }
0x10: {  	v0 =	vand.u32 $0x7, v2;
	v2 =	vor.u32 $0x8, v2;
	v1 =	vmul.u32 $0x8, v1;
	[dreg:$0x3] =	wrdreg s7;
	s7 =	sadd.s32 $0x54800, s9;
	s9 =	simm.s32 $0x2  }
.LBB2_1:
0x11: {  	s1 =	rddreg [dreg:$0x3]  }
0x12: {  	[tilespmem:s3], [sflag:$0x2] =	stream.linear.gather [hbm4b:s1+s3], $0x28, $0x38;
	[tilespmem:$0xA080] =	vst v63  }
0x13: {  	_ =	swait.ge [sflag:s9], $0x28  }
0x14: {  	[sflag:s9] =	ssyncset.done $0x0  }
0x15: {  	[sflag:s9] =	ssyncadd.s32 $0xFFFFFFD8  }
0x16: {  	v3 =	vld [tilespmem:$0x0];
	_ =	sdelay $0x4  }
0x17: {  	v4 =	vshll.u32 v3, $0x3  }
0x18: {  	v3 =	vand.u32 $0x7, v3;
	v4 =	vand.u32 $0xFFFFFFC0, v4  }
0x19: {  	v3 =	vor.u32 v3, v4  }
0x1a: {  	v4 =	vperm.xlane v3, v0;
	_ =	sdelay $0x1  }
0x1b: {  	v4 =	vadd.s32 v1, v4;
	_ =	sdelay $0x4  }
0x1c: {  	[tilespmem:s10], [sflag:$0x1] =	stream.indirect_vreg.gather [hbm4b:s2+s3], $0x80, v4, vm0, $0xb8;
	[tilespmem:$0xA080] =	vst v63  }
0x1d: {  	v3 =	vperm.xlane v3, v2  }
0x1e: {  	[tilespmem:s11], [sflag:$0x1] =	stream.indirect_vreg.gather [hbm4b:s4+s3], $0x80, v4, vm0, $0xb8;
	[tilespmem:$0xA080] =	vst v63  }
0x1f: {  	v3 =	vadd.s32 v1, v3  }
0x20: {  	[tilespmem:s12], [sflag:$0x1] =	stream.indirect_vreg.gather [hbm4b:s5+s3], $0x80, v4, vm0, $0xb8;
	[tilespmem:$0xA080] =	vst v63  }
0x21: {  	_ = 	snop  }
0x22: {  	[tilespmem:s13], [sflag:$0x1] =	stream.indirect_vreg.gather [hbm4b:s6+s3], $0x80, v4, vm0, $0xb8;
	[tilespmem:$0xA080] =	vst v63  }
0x23: {  	_ = 	snop  }
0x24: {  	[tilespmem:s14], [sflag:$0x1] =	stream.indirect_vreg.gather [hbm4b:s2+s3], $0x80, v3, vm0, $0xb8;
	[tilespmem:$0xA080] =	vst v63  }
0x25: {  	_ = 	snop  }
0x26: {  	[tilespmem:s15], [sflag:$0x1] =	stream.indirect_vreg.gather [hbm4b:s4+s3], $0x80, v3, vm0, $0xb8;
	[tilespmem:$0xA080] =	vst v63  }
0x27: {  	_ = 	snop  }
0x28: {  	[tilespmem:s16], [sflag:$0x1] =	stream.indirect_vreg.gather [hbm4b:s5+s3], $0x80, v3, vm0, $0xb8;
	[tilespmem:$0xA080] =	vst v63  }
0x29: {  	_ = 	snop  }
0x2a: {  	[tilespmem:s17], [sflag:$0x1] =	stream.indirect_vreg.gather [hbm4b:s6+s3], $0x80, v3, vm0, $0xb8;
	[tilespmem:$0xA080] =	vst v63  }
0x2b: {  	v3 =	vld [tilespmem:$0x10];
	_ =	sdelay $0x4  }
0x2c: {  	v62 =	vshll.u32 v3, $0x3  }
0x2d: {  	v3 =	vand.u32 $0x7, v3;
	v4 =	vand.u32 $0xFFFFFFC0, v62  }
0x2e: {  	v3 =	vor.u32 v3, v4  }
0x2f: {  	v4 =	vperm.xlane v3, v0;
	_ =	sdelay $0x1  }
0x30: {  	v4 =	vadd.s32 v1, v4;
	_ =	sdelay $0x4  }
0x31: {  	[tilespmem:s18], [sflag:$0x1] =	stream.indirect_vreg.gather [hbm4b:s2+s3], $0x80, v4, vm0, $0xb8;
	[tilespmem:$0xA080] =	vst v63  }
0x32: {  	v3 =	vperm.xlane v3, v2  }
0x33: {  	[tilespmem:s19], [sflag:$0x1] =	stream.indirect_vreg.gather [hbm4b:s4+s3], $0x80, v4, vm0, $0xb8;
	[tilespmem:$0xA080] =	vst v63  }
0x34: {  	v3 =	vadd.s32 v1, v3  }
0x35: {  	[tilespmem:s20], [sflag:$0x1] =	stream.indirect_vreg.gather [hbm4b:s5+s3], $0x80, v4, vm0, $0xb8;
	[tilespmem:$0xA080] =	vst v63  }
0x36: {  	_ = 	snop  }
0x37: {  	[tilespmem:s21], [sflag:$0x1] =	stream.indirect_vreg.gather [hbm4b:s6+s3], $0x80, v4, vm0, $0xb8;
	[tilespmem:$0xA080] =	vst v63  }
0x38: {  	_ = 	snop  }
0x39: {  	[tilespmem:s22], [sflag:$0x1] =	stream.indirect_vreg.gather [hbm4b:s2+s3], $0x80, v3, vm0, $0xb8;
	[tilespmem:$0xA080] =	vst v63  }
0x3a: {  	_ = 	snop  }
0x3b: {  	[tilespmem:s23], [sflag:$0x1] =	stream.indirect_vreg.gather [hbm4b:s4+s3], $0x80, v3, vm0, $0xb8;
	[tilespmem:$0xA080] =	vst v63  }
0x3c: {  	_ = 	snop  }
0x3d: {  	[tilespmem:s24], [sflag:$0x1] =	stream.indirect_vreg.gather [hbm4b:s5+s3], $0x80, v3, vm0, $0xb8;
	[tilespmem:$0xA080] =	vst v63  }
0x3e: {  	_ = 	snop  }
0x3f: {  	[tilespmem:s25], [sflag:$0x1] =	stream.indirect_vreg.gather [hbm4b:s6+s3], $0x80, v3, vm0, $0xb8;
	[tilespmem:$0xA080] =	vst v63  }
0x40: {  	v3 =	vld.msk [tilespmem:$0x20], $0xff;
	_ =	sdelay $0x4  }
0x41: {  	v63 =	vshll.u32 v3, $0x3  }
0x42: {  	v3 =	vand.u32 $0x7, v3;
	v4 =	vand.u32 $0xFFFFFFC0, v63  }
0x43: {  	v3 =	vor.u32 v3, v4  }
0x44: {  	v3 =	vperm.xlane v3, v0;
	_ =	sdelay $0x1  }
0x45: {  	v3 =	vadd.s32 v1, v3;
	_ =	sdelay $0x4  }
0x46: {  	[tilespmem:s26], [sflag:$0x1] =	stream.indirect_vreg.gather [hbm4b:s2+s3], $0x80, v3, vm0, $0xb8;
	[tilespmem:$0xA080] =	vst v63  }
0x47: {  	_ = 	snop  }
0x48: {  	[tilespmem:s28], [sflag:$0x1] =	stream.indirect_vreg.gather [hbm4b:s4+s3], $0x80, v3, vm0, $0xb8;
	[tilespmem:$0xA080] =	vst v63  }
0x49: {  	_ = 	snop  }
0x4a: {  	[tilespmem:s29], [sflag:$0x1] =	stream.indirect_vreg.gather [hbm4b:s5+s3], $0x80, v3, vm0, $0xb8;
	[tilespmem:$0xA080] =	vst v63  }
0x4b: {  	_ = 	snop  }
0x4c: {  	[tilespmem:s30], [sflag:$0x1] =	stream.indirect_vreg.gather [hbm4b:s6+s3], $0x80, v3, vm0, $0xb8;
	[tilespmem:$0xA080] =	vst v63  }
0x4d: {  	_ =	swait.ge [sflag:s31], $0xA000  }
0x4e: {  	p0 =	sne.s32 s8, $0x1;
	[sflag:s31] =	ssyncset.done $0x0  }
.Ltmp0:
0x4f: {  	[sflag:s31] =	ssyncadd.s32 $0xFFFF6000;
	(pc) =	sbr.rel @p0 .LBB2_1-.Ltmp0, $4  }
0x50: {  	[hbm4b:s7+s3] =	stream.linear.scatter [tilespmem:s10], [sflag:$0x2], $0xA000, $0x38;
	[tilespmem:$0xA080] =	vst v63  }
0x51: {  	_ =	swait.ge [sflag:s9], $0xA000  }
0x52: {  	[sflag:s9] =	ssyncset.done $0x0  }
0x53: {  	s8 =	sadd.s32 $0xFFFFFFFF, s8;
	[sflag:s9] =	ssyncadd.s32 $0xFFFF6000  }
0x54: {  	_ =	sfence.sel $0x180000  }
0x55: {  	[bflag:$0x0] =	sbarrier.arrive $0xFFFF  }
0x56: {  	_ =	strace $0x90000050  }
0x57: {  	[bflag:$0x2] =	sbarrier.arrive $0xFFFF  }
0x58: {  	p0 =	sne.s32 s0, $0x0;
	s0 =	rddreg [dreg:$0x2]  }
0x59: {  	s0 =	sadd.s32 @!p0 $0x100000, s0  }
0x5a: {  	[sflag:s0] =	ssyncadd.tile.s32 @!p0 $0x1;
	_ =	shalt  }
.Lfunc_end2:
_tile_overlayer_lowered:
.L_overlay_start_2:
0x5b: {  	(tag) =	ssettag $0x2  }
0x5c: {  	s0 =	rddreg [dreg:$0x0];
	s2 =	stileid.u32  }
0x5d: {  	s1 =	rddreg [dreg:$0x1];
	p0 =	sne.s32 s2, $0x0  }
0x5e: {  	s3 =	rddreg [dreg:$0x2];
	[bflag:$0x3] =	sbarrier.arrive $0xFFFF;
	s2 =	simm.s32 @!p0 $0x1C02  }
0x5f: {  	[timem:s3], [sflag:s2] =	dma.local @!p0 [hbm:s0], s1  }
0x60: {  	s0 =	simm.s32 @!p0 $0x2  }
0x61: {  	_ =	swait.ge @!p0 [sflag:s0], s1  }
0x62: {  	s1 =	ssub.s32 @!p0 $0x0, s1;
	[sflag:s0] =	ssyncset.done @!p0 $0x0  }
0x63: {  	[sflag:s0] =	ssyncadd.s32 @!p0 s1  }
0x64: {  	[bflag:$0x3] =	sbarrier.arrive $0xFFFF  }
0x65: {  	_ =	shalt  }

// kernel: kernel.32.cloned.1.call-start
scs
__scs_entry_jumppad:
0x0: {  	(pc) =	sbr.rel $0x88, $3  }
0x1: {  	(tag) =	ssettag $0x0;
	lr =	simm.s32 $0x1  }
0x2: {  	[smem:$0x3F9C] =	sst lr;
	_ =	strace $0xD0000000  }
0x3: {  	_ = 	snop  }
0x4: {  	_ = 	snop  }
0x5: {  	_ = 	snop  }
0x6: {  	_ = 	snop  }
0x7: {  	_ = 	snop  }
__scs_overlays_trampoline_lowered:
0x8: {  	[smem:$0x3FAB] =	sst s0  }
0x9: {  	[smem:$0x3FAC] =	sst s1  }
0xa: {  	[smem:$0x3FAD] =	sst s2  }
0xb: {  	[smem:$0x3FAE] =	sst s3  }
0xc: {  	[smem:$0x3FAF] =	sst s4  }
0xd: {  	[smem:$0x3FB0] =	sst s5  }
0xe: {  	[smem:$0x3FB1] =	sst s6  }
0xf: {  	[smem:$0x3FB2] =	sst s7  }
0x10: {  	[smem:$0x3FB3] =	sst s8  }
0x11: {  	[smem:$0x3FB4] =	sst s9;
	s0 =	simm.s32 @!p0 $0x0  }
0x12: {  	s1 =	sld [smem:$0x3F9A];
	s0 =	simm.s32 @p0 $0x1  }
0x13: {  	[smem:$0x3FB5] =	sst s0;
	s0 =	simm.s32 @!p1 $0x0  }
0x14: {  	s2 =	sld [smem:$0x3F99];
	s0 =	simm.s32 @p1 $0x1  }
0x15: {  	[smem:$0x3FB6] =	sst s0;
	s0 =	simm.s32 @!p2 $0x0  }
0x16: {  	s3 =	sld [smem:$0x3FDB];
	s0 =	simm.s32 @p2 $0x1  }
0x17: {  	s4 =	simm.s32 $0x1BF5;
	[smem:$0x3FB8] =	sst s0  }
0x18: {  	s0 =	sld [smem:$0x3F9B];
	_ =	swait.ge [sflag:s4], $0x0  }
0x19: {  	s7 =	sld [smem:$0x3F9C]  }
0x1a: {  	s8 =	sadd.s32 $0xFFFFE003, lr  }
0x1b: {  	s9 =	sadd.s32 $0xFFFFFEF7, lr;
	s5 =	simm.s32 $0xFFFFFFFF;
	p2 =	slt.u32 s8, $0xFFFFF086  }
0x1c: {  	p1 =	slt.u32 s9, $0xF7A;
	s5 =	simm.s32 @!p2 $0x0  }
0x1d: {  	s5 =	simm.s32 @p1 $0x1;
	p0 =	seq.s32 s7, s2  }
0x1e: {  	s7 =	smul.u32 @!p0 $0xF7A, s2;
	p2 =	seq.s32 @!p0 s5, $0x0  }
0x1f: {  	s9 =	smul.u32 $0xF7A, s1;
	s8 =	simm.s32 @!p0 $0x1BF5;
	p2 =	por !p2, p0  }
0x20: {  	[sflag:s8] =	ssyncset.s32 @!p0 $0xFFFFF086;
	s6 =	sadd.s32 @!p0 s3, s7;
	s7 =	simm.s32 @!p0 $0x108  }
0x21: {  	s3 =	sadd.s32 s3, s9;
	s6 =	sadd.s32 @!p0 $0x88, s6;
	s7 =	simm.s32 @p2 $0x1082  }
0x22: {  	[simem:s7], [sflag:s8] =	dma.local @!p0 [hbm:s6], $0xF7A  }
0x23: {  	s9 =	sor.u32 $0xD0000000, s2;
	s6 =	simm.s32 $0x108;
	_ =	swait.ge @!p0 [sflag:s8], $0x0  }
0x24: {  	s3 =	sadd.s32 $0x88, s3;
	s6 =	simm.s32 @!p1 $0x1082;
	[sflag:s4] =	ssyncset.s32 $0xFFFFF086  }
0x25: {  	[simem:s6], [sflag:s4] =	dma.local [hbm:s3], $0xF7A  }
0x26: {  	[smem:$0x3F9C] =	sst s1;
	(tag) =	ssettag s2;
	_ =	strace s9  }
0x27: {  	s1 =	sld [smem:$0x3FAC]  }
0x28: {  	s2 =	sld [smem:$0x3FAD]  }
0x29: {  	s4 =	sld [smem:$0x3FAF]  }
0x2a: {  	p0 =	seq.s32 s5, $0x0;
	s5 =	sld [smem:$0x3FB0]  }
0x2b: {  	s6 =	sld [smem:$0x3FB1]  }
0x2c: {  	s7 =	sld [smem:$0x3FB2]  }
0x2d: {  	s3 =	simm.s32 $0x108;
	s8 =	sld [smem:$0x3FB3]  }
0x2e: {  	s3 =	simm.s32 @!p0 $0x1082;
	s9 =	sld [smem:$0x3FB4]  }
0x2f: {  	lr =	sadd.s32 s0, s3;
	s0 =	sld [smem:$0x3FAB]  }
0x30: {  	s3 =	sld [smem:$0x3FAE]  }
0x31: {  	[smem:$0x3FB7] =	sst s10  }
0x32: {  	s10 =	sld [smem:$0x3FB5];
	_ =	sdelay $0x3  }
0x33: {  	p0 =	seq.s32 s10, $0x1;
	s10 =	sld [smem:$0x3FB7];
	_ =	sdelay $0x3  }
0x34: {  	[smem:$0x3FB7] =	sst s10  }
0x35: {  	s10 =	sld [smem:$0x3FB6];
	_ =	sdelay $0x3  }
0x36: {  	p1 =	seq.s32 s10, $0x1;
	s10 =	sld [smem:$0x3FB7];
	_ =	sdelay $0x3  }
0x37: {  	[smem:$0x3FB7] =	sst s10  }
0x38: {  	s10 =	sld [smem:$0x3FB8]  }
0x39: {  	_ = 	snop;
	(pc) =	sbr.ind lr, $3  }
0x3a: {  	_ = 	snop  }
0x3b: {  	_ = 	snop  }
0x3c: {  	p2 =	seq.s32 s10, $0x1;
	s10 =	sld [smem:$0x3FB7]  }
0x3d: {  	_ =	shalt  }
0x3e: {  	_ =	shalt  }
0x3f: {  	_ =	shalt  }
0x40: {  	_ =	shalt  }
0x41: {  	_ =	shalt  }
0x42: {  	_ =	shalt  }
0x43: {  	_ =	shalt  }
0x44: {  	_ =	shalt  }
0x45: {  	_ =	shalt  }
0x46: {  	_ =	shalt  }
0x47: {  	_ =	shalt  }
0x48: {  	_ =	shalt  }
0x49: {  	_ =	shalt  }
0x4a: {  	_ =	shalt  }
0x4b: {  	_ =	shalt  }
0x4c: {  	_ =	shalt  }
0x4d: {  	_ =	shalt  }
0x4e: {  	_ =	shalt  }
0x4f: {  	_ =	shalt  }
0x50: {  	_ =	shalt  }
0x51: {  	_ =	shalt  }
0x52: {  	_ =	shalt  }
0x53: {  	_ =	shalt  }
0x54: {  	_ =	shalt  }
0x55: {  	_ =	shalt  }
0x56: {  	_ =	shalt  }
0x57: {  	_ =	shalt  }
0x58: {  	_ =	shalt  }
0x59: {  	_ =	shalt  }
0x5a: {  	_ =	shalt  }
0x5b: {  	_ =	shalt  }
0x5c: {  	_ =	shalt  }
0x5d: {  	_ =	shalt  }
0x5e: {  	_ =	shalt  }
0x5f: {  	_ =	shalt  }
0x60: {  	_ =	shalt  }
0x61: {  	_ =	shalt  }
0x62: {  	_ =	shalt  }
0x63: {  	_ =	shalt  }
0x64: {  	_ =	shalt  }
0x65: {  	_ =	shalt  }
0x66: {  	_ =	shalt  }
0x67: {  	_ =	shalt  }
0x68: {  	_ =	shalt  }
0x69: {  	_ =	shalt  }
0x6a: {  	_ =	shalt  }
0x6b: {  	_ =	shalt  }
0x6c: {  	_ =	shalt  }
0x6d: {  	_ =	shalt  }
0x6e: {  	_ =	shalt  }
0x6f: {  	_ =	shalt  }
0x70: {  	_ =	shalt  }
0x71: {  	_ =	shalt  }
0x72: {  	_ =	shalt  }
0x73: {  	_ =	shalt  }
0x74: {  	_ =	shalt  }
0x75: {  	_ =	shalt  }
0x76: {  	_ =	shalt  }
0x77: {  	_ =	shalt  }
0x78: {  	_ =	shalt  }
0x79: {  	_ =	shalt  }
0x7a: {  	_ =	shalt  }
0x7b: {  	_ =	shalt  }
0x7c: {  	_ =	shalt  }
0x7d: {  	_ =	shalt  }
0x7e: {  	_ =	shalt  }
0x7f: {  	_ =	shalt  }
0x80: {  	_ =	shalt  }
0x81: {  	_ =	shalt  }
0x82: {  	_ =	shalt  }
0x83: {  	_ =	shalt  }
0x84: {  	_ =	shalt  }
0x85: {  	_ =	shalt  }
0x86: {  	_ =	shalt  }
0x87: {  	_ =	shalt  }
.Lfunc_end0:
.L_simem_size_0:
called_computation.5_lowered:
.L_overlay_start_0:
0x88: {  	s2 =	sld [smem:$0x3FD9]  }
0x89: {  	s3 =	sld [smem:$0x3FFE];
	_ =	sdelay $0x1  }
0x8a: {  	s1 =	srdreg.scid  }
0x8b: {  	s0 =	sand.u32 $0x1, s1  }
0x8c: {  	s17 =	sshll.u32 s0, $0xA;
	s2 =	sadd.s32 s3, s2  }
0x8d: {  	s2 =	sadd.s32 s2, s17  }
0x8e: {  	[smem:$0x3FC3] =	sst s2  }
0x8f: {  	_ = 	snop  }
0x90: {  	(tm) =	ssettm $0x1  }
0x91: {  	s18 =	sld [smem:$0x3FFB];
	_ =	sdelay $0x3  }
0x92: {  	_ =	strace s18  }
0x93: {  	s2 =	sld [smem:$0x3FFC];
	_ =	sdelay $0x3  }
0x94: {  	_ =	strace s2  }
0x95: {  	s2 =	sld [smem:$0x3FFD];
	_ =	sdelay $0x3  }
0x96: {  	_ =	strace s2  }
0x97: {  	_ =	strace $0x8FFFFFFF  }
0x98: {  	s19 =	sld [smem:$0x3FDB];
	_ =	sdelay $0x1  }
0x99: {  	s20 =	simm.s32 $_scs_section_size  }
0x9a: {  	s4 =	simm.s32 $_size__tile_overlayer_lowered;
	s5 =	simm.s32 $_tile_overlayer_lowered  }
0x9b: {  	s6 =	simm.s32 $0x1BFF;
	s21 =	sshll.u32 s5, $0x1;
	s3 =	sadd.s32 s20, s19  }
0x9c: {  	s22 =	simm.s32 $0x0;
	s4 =	sshll.u32 s4, $0x1;
	s5 =	sadd.s32 s21, s3  }
0x9d: {  	[timem:s22], [sflag:s6] =	dma.local [hbm:s5], s4  }
0x9e: {  	_ =	swait.ge [sflag:s6], s4  }
0x9f: {  	s4 =	ssub.s32 $0x0, s4;
	[sflag:s6] =	ssyncset.done $0x0  }
0xa0: {  	[sflag:s6] =	ssyncadd.s32 s4;
	_ =	sdelay $0x1  }
0xa1: {  	s23 =	simm.s32 $0x1B8B  }
0xa2: {  	_ =	swait.ge [sflag:s23], $0x1  }
0xa3: {  	[sflag:s23] =	ssyncset.done $0x0  }
0xa4: {  	[sflag:s23] =	ssyncadd.s32 $0xFFFFFFFF  }
0xa5: {  	s4 =	sld [smem:$0x0]  }
0xa6: {  	s5 =	sand.u32 $0xFFFFFFFE, s1  }
0xa7: {  	p0 =	sne.s32 s1, s5  }
0xa8: {  	s5 =	sshll.u32 @p0 s5, $0xE  }
0xa9: {  	s5 =	sadd.s32 @p0 $0x11B8D, s5;
	s6 =	sshll.u32 @p0 s4, $0x11  }
0xaa: {  	s5 =	sor.u32 @p0 s6, s5  }
0xab: {  	[sflag:s5] =	ssyncadd.remote.s32 @p0 $0x1;
	_ =	sdelay $0x1  }
0xac: {  	s5 =	simm.s32 @p0 $0x1B8D  }
0xad: {  	_ =	swait.eq @p0 [sflag:s5], $0x1  }
0xae: {  	[sflag:s5] =	ssyncadd.s32 @p0 $0xFFFFFFFF  }
0xaf: {  	s6 =	sshll.u32 @!p0 s1, $0xE  }
0xb0: {  	s6 =	sor.u32 @!p0 $0x4000, s6;
	s5 =	simm.s32 @!p0 $0x1B8D  }
0xb1: {  	s4 =	sshll.u32 @!p0 s4, $0x11;
	s6 =	sadd.s32 @!p0 $0x11B8D, s6;
	_ =	swait.eq @!p0 [sflag:s5], $0x1  }
0xb2: {  	s4 =	sor.u32 @!p0 s4, s6;
	[sflag:s5] =	ssyncadd.s32 @!p0 $0xFFFFFFFF  }
0xb3: {  	s25 =	simm.s32 $0x1B8E;
	s24 =	sld [smem:$0x3FFE];
	[sflag:s4] =	ssyncadd.remote.s32 @!p0 $0x1  }
0xb4: {  	s26 =	simm.s32 $execute0_lowered;
	[smem:$0x3FD2] =	sst s25  }
0xb5: {  	s5 =	sshll.u32 s26, $0x1;
	_ =	strace $0x80000058;
	[dreg:$0x1] =	wrdreg $0xFFFFFFFF  }
0xb6: {  	s28 =	simm.s32 $_size_execute0_lowered;
	s3 =	sadd.s32 s3, s5;
	[dreg:$0x0] =	wrdreg $0x0  }
0xb7: {  	s5 =	sshll.u32 s28, $0x1;
	[dreg:$0x2] =	wrdreg s3  }
0xb8: {  	[dreg:$0x3] =	wrdreg s5  }
0xb9: {  	[dreg:$0x4] =	wrdreg $0xC0  }
0xba: {  	_ =	task [dreg:s22], $0x5FFFF  }
0xbb: {  	[dreg:$0x1] =	wrdreg $0xFFFFFFFF  }
0xbc: {  	[dreg:$0x0] =	wrdreg $0x60  }
0xbd: {  	[dreg:$0x2] =	wrdreg s24  }
0xbe: {  	[dreg:$0x3] =	wrdreg $0xB  }
0xbf: {  	_ =	task.clear_ibuf [dreg:s22], $0x4FFFF;
	_ =	strace $0x90000058  }
0xc0: {  	s29 =	simm.s32 $0xB;
	_ =	strace $0x8000005A  }
0xc1: {  	_ =	swait.ge [sflag:s29], $0x1  }
0xc2: {  	[sflag:s29] =	ssyncadd.s32 $0xFFFFFFFF  }
0xc3: {  	_ =	strace $0x9000005A  }
0xc4: {  	_ =	sfence  }
0xc5: {  	s30 =	sld [smem:$0x0];
	_ =	sdelay $0x2  }
0xc6: {  	s31 =	sshll.u32 s1, $0xD;
	s1 =	sshrl.u32 s1, $0x2  }
0xc7: {  	s4 =	sand.u32 $0x4000, s31;
	s1 =	sadd.s32 s1, s30  }
0xc8: {  	s0 =	sor.u32 s4, s0;
	s1 =	sshll.u32 s1, $0x11  }
0xc9: {  	s0 =	sor.u32 s1, s0  }
0xca: {  	s0 =	sadd.s32 $0x8F2B, s0  }
0xcb: {  	[sflag:s0] =	ssyncadd.remote.s32 $0x1  }
0xcc: {  	_ =	sfence.sel $0xFFFF  }
0xcd: {  	[dreg:$0x0] =	wrdreg $0xFFFFFFFF;
	(pc) =	sbr.abs _section_cstart, $3  }
0xce: {  	[dreg:$0x1] =	wrdreg $0xFFFFFFFF  }
0xcf: {  	_ =	task.clear_ibuf [dreg:s22], $0x2FFFF;
	_ =	strace $0x9FFFFFFF  }
0xd0: {  	(tm) =	ssettm $0x7FFFFFFF  }
0xd1: {  	_ =	shalt  }
tec
execute0_lowered:
.L_overlay_start_1:
0x0: {  	(tag) =	ssettag $0x1  }
0x1: {  	s1 =	srdreg.scid  }
0x2: {  	s0 =	stileid.u32;
	s7 =	rddreg [dreg:$0x0];
	s2 =	simm.s32 $0x0  }
0x3: {  	s9 =	simm.s32 $0x2;
	s10 =	simm.s32 $0x80;
	s11 =	simm.s32 $0x880  }
0x4: {  	s12 =	simm.s32 $0x1080;
	s13 =	simm.s32 $0x1880;
	s14 =	simm.s32 $0x2080  }
0x5: {  	s15 =	simm.s32 $0x2880;
	s16 =	simm.s32 $0x3080;
	s17 =	simm.s32 $0x3880  }
0x6: {  	s18 =	simm.s32 $0x4080;
	s19 =	simm.s32 $0x4880;
	s20 =	simm.s32 $0x5080  }
0x7: {  	s21 =	simm.s32 $0x5880;
	s22 =	simm.s32 $0x6080;
	s23 =	simm.s32 $0x6880  }
0x8: {  	s24 =	simm.s32 $0x7080;
	s25 =	simm.s32 $0x7880;
	s28 =	simm.s32 $0x8880  }
0x9: {  	s29 =	simm.s32 $0x9080;
	s3 =	sand.u32 $0x1, s1;
	s26 =	sshll.u32 s0, $0x1  }
0xa: {  	s30 =	simm.s32 $0x9880;
	s31 =	simm.s32 $0x1;
	s4 =	sor.u32 s3, s26  }
0xb: {  	[smem:$0x7FF] =	sst s2;
	s6 =	ssub.s32 $0x2, s3;
	s5 =	smul.u32 $0x5, s4  }
0xc: {  	_ =	strace $0x80000059;
	s4 =	smul.u32 $0x1400, s4;
	s8 =	sshrl.u32 s6, $0x1  }
0xd: {  	s3 =	sadd.s32 $0x14200, s7;
	s26 =	simm.s32 $0x8080;
	s8 =	ssub.s32 s6, s8  }
0xe: {  	v2 =	vlaneseq.u32;
	s6 =	sadd.s32 $0x14400, s7;
	s5 =	sadd.s32 s5, s7;
	s4 =	sadd.s32 s4, s7  }
0xf: {  	vm0 =	vmmov $0xffff;
	v1 =	vshrl.u32 v2, $0x3;
	s8 =	smax.u32 s8, $0x1;
	s5 =	sadd.s32 $0x13600, s5;
	s4 =	sadd.s32 $0x54600, s4  }
0x10: {  	v0 =	vand.u32 $0x7, v2;
	v2 =	vor.u32 $0x8, v2;
	v1 =	vmul.u32 $0x8, v1;
	[dreg:$0x2] =	wrdreg s5;
	s5 =	sadd.s32 $0x14300, s7;
	s7 =	sadd.s32 $0x14500, s7  }
.LBB2_1:
0x11: {  	s1 =	rddreg [dreg:$0x2]  }
0x12: {  	[tilespmem:s2], [sflag:$0x2] =	stream.linear.gather [hbm4b:s1+s2], $0x28, $0x38;
	[tilespmem:$0xA080] =	vst v63  }
0x13: {  	_ =	swait.ge [sflag:s9], $0x28  }
0x14: {  	[sflag:s9] =	ssyncset.done $0x0  }
0x15: {  	[sflag:s9] =	ssyncadd.s32 $0xFFFFFFD8  }
0x16: {  	[tilespmem:s10], [sflag:$0x2] =	stream.linear.gather [hbm4b:s4+s2], $0xA000, $0x38;
	[tilespmem:$0xA080] =	vst v63  }
0x17: {  	_ =	swait.ge [sflag:s9], $0xA000  }
0x18: {  	[sflag:s9] =	ssyncset.done $0x0  }
0x19: {  	[sflag:s9] =	ssyncadd.s32 $0xFFFF6000  }
0x1a: {  	v3 =	vld [tilespmem:$0x0];
	_ =	sdelay $0x4  }
0x1b: {  	v4 =	vshll.u32 v3, $0x3  }
0x1c: {  	v3 =	vand.u32 $0x7, v3;
	v4 =	vand.u32 $0xFFFFFFC0, v4  }
0x1d: {  	v3 =	vor.u32 v3, v4  }
0x1e: {  	v4 =	vperm.xlane v3, v0;
	_ =	sdelay $0x1  }
0x1f: {  	v4 =	vadd.s32 v1, v4;
	_ =	sdelay $0x4  }
0x20: {  	[hbm4b:s3+s2] =	stream.indirect_vreg.scatter [tilespmem:s10], [sflag:$0x1], $0x80, v4, vm0, $0xb8;
	[tilespmem:$0xA080] =	vst v63  }
0x21: {  	v3 =	vperm.xlane v3, v2  }
0x22: {  	[hbm4b:s5+s2] =	stream.indirect_vreg.scatter [tilespmem:s11], [sflag:$0x1], $0x80, v4, vm0, $0xb8;
	[tilespmem:$0xA080] =	vst v63  }
0x23: {  	v3 =	vadd.s32 v1, v3  }
0x24: {  	[hbm4b:s6+s2] =	stream.indirect_vreg.scatter [tilespmem:s12], [sflag:$0x1], $0x80, v4, vm0, $0xb8;
	[tilespmem:$0xA080] =	vst v63  }
0x25: {  	_ = 	snop  }
0x26: {  	[hbm4b:s7+s2] =	stream.indirect_vreg.scatter [tilespmem:s13], [sflag:$0x1], $0x80, v4, vm0, $0xb8;
	[tilespmem:$0xA080] =	vst v63  }
0x27: {  	_ = 	snop  }
0x28: {  	[hbm4b:s3+s2] =	stream.indirect_vreg.scatter [tilespmem:s14], [sflag:$0x1], $0x80, v3, vm0, $0xb8;
	[tilespmem:$0xA080] =	vst v63  }
0x29: {  	_ = 	snop  }
0x2a: {  	[hbm4b:s5+s2] =	stream.indirect_vreg.scatter [tilespmem:s15], [sflag:$0x1], $0x80, v3, vm0, $0xb8;
	[tilespmem:$0xA080] =	vst v63  }
0x2b: {  	_ = 	snop  }
0x2c: {  	[hbm4b:s6+s2] =	stream.indirect_vreg.scatter [tilespmem:s16], [sflag:$0x1], $0x80, v3, vm0, $0xb8;
	[tilespmem:$0xA080] =	vst v63  }
0x2d: {  	_ = 	snop  }
0x2e: {  	[hbm4b:s7+s2] =	stream.indirect_vreg.scatter [tilespmem:s17], [sflag:$0x1], $0x80, v3, vm0, $0xb8;
	[tilespmem:$0xA080] =	vst v63  }
0x2f: {  	v3 =	vld [tilespmem:$0x10];
	_ =	sdelay $0x4  }
0x30: {  	v62 =	vshll.u32 v3, $0x3  }
0x31: {  	v3 =	vand.u32 $0x7, v3;
	v4 =	vand.u32 $0xFFFFFFC0, v62  }
0x32: {  	v3 =	vor.u32 v3, v4  }
0x33: {  	v4 =	vperm.xlane v3, v0;
	_ =	sdelay $0x1  }
0x34: {  	v4 =	vadd.s32 v1, v4;
	_ =	sdelay $0x4  }
0x35: {  	[hbm4b:s3+s2] =	stream.indirect_vreg.scatter [tilespmem:s18], [sflag:$0x1], $0x80, v4, vm0, $0xb8;
	[tilespmem:$0xA080] =	vst v63  }
0x36: {  	v3 =	vperm.xlane v3, v2  }
0x37: {  	[hbm4b:s5+s2] =	stream.indirect_vreg.scatter [tilespmem:s19], [sflag:$0x1], $0x80, v4, vm0, $0xb8;
	[tilespmem:$0xA080] =	vst v63  }
0x38: {  	v3 =	vadd.s32 v1, v3  }
0x39: {  	[hbm4b:s6+s2] =	stream.indirect_vreg.scatter [tilespmem:s20], [sflag:$0x1], $0x80, v4, vm0, $0xb8;
	[tilespmem:$0xA080] =	vst v63  }
0x3a: {  	_ = 	snop  }
0x3b: {  	[hbm4b:s7+s2] =	stream.indirect_vreg.scatter [tilespmem:s21], [sflag:$0x1], $0x80, v4, vm0, $0xb8;
	[tilespmem:$0xA080] =	vst v63  }
0x3c: {  	_ = 	snop  }
0x3d: {  	[hbm4b:s3+s2] =	stream.indirect_vreg.scatter [tilespmem:s22], [sflag:$0x1], $0x80, v3, vm0, $0xb8;
	[tilespmem:$0xA080] =	vst v63  }
0x3e: {  	_ = 	snop  }
0x3f: {  	[hbm4b:s5+s2] =	stream.indirect_vreg.scatter [tilespmem:s23], [sflag:$0x1], $0x80, v3, vm0, $0xb8;
	[tilespmem:$0xA080] =	vst v63  }
0x40: {  	_ = 	snop  }
0x41: {  	[hbm4b:s6+s2] =	stream.indirect_vreg.scatter [tilespmem:s24], [sflag:$0x1], $0x80, v3, vm0, $0xb8;
	[tilespmem:$0xA080] =	vst v63  }
0x42: {  	_ = 	snop  }
0x43: {  	[hbm4b:s7+s2] =	stream.indirect_vreg.scatter [tilespmem:s25], [sflag:$0x1], $0x80, v3, vm0, $0xb8;
	[tilespmem:$0xA080] =	vst v63  }
0x44: {  	v3 =	vld.msk [tilespmem:$0x20], $0xff;
	_ =	sdelay $0x4  }
0x45: {  	v63 =	vshll.u32 v3, $0x3  }
0x46: {  	v3 =	vand.u32 $0x7, v3;
	v4 =	vand.u32 $0xFFFFFFC0, v63  }
0x47: {  	v3 =	vor.u32 v3, v4  }
0x48: {  	v3 =	vperm.xlane v3, v0;
	_ =	sdelay $0x1  }
0x49: {  	v3 =	vadd.s32 v1, v3;
	_ =	sdelay $0x4  }
0x4a: {  	[hbm4b:s3+s2] =	stream.indirect_vreg.scatter [tilespmem:s26], [sflag:$0x1], $0x80, v3, vm0, $0xb8;
	[tilespmem:$0xA080] =	vst v63  }
0x4b: {  	_ = 	snop  }
0x4c: {  	[hbm4b:s5+s2] =	stream.indirect_vreg.scatter [tilespmem:s28], [sflag:$0x1], $0x80, v3, vm0, $0xb8;
	[tilespmem:$0xA080] =	vst v63  }
0x4d: {  	p0 =	sne.s32 s8, $0x1  }
0x4e: {  	[hbm4b:s6+s2] =	stream.indirect_vreg.scatter [tilespmem:s29], [sflag:$0x1], $0x80, v3, vm0, $0xb8;
	[tilespmem:$0xA080] =	vst v63  }
.Ltmp0:
0x4f: {  	_ = 	snop;
	(pc) =	sbr.rel @p0 .LBB2_1-.Ltmp0, $4  }
0x50: {  	[hbm4b:s7+s2] =	stream.indirect_vreg.scatter [tilespmem:s30], [sflag:$0x1], $0x80, v3, vm0, $0xb8;
	[tilespmem:$0xA080] =	vst v63  }
0x51: {  	_ =	swait.ge [sflag:s31], $0xA000  }
0x52: {  	[sflag:s31] =	ssyncset.done $0x0  }
0x53: {  	s8 =	sadd.s32 $0xFFFFFFFF, s8;
	[sflag:s31] =	ssyncadd.s32 $0xFFFF6000  }
0x54: {  	_ =	sfence.sel $0x180000  }
0x55: {  	[bflag:$0x0] =	sbarrier.arrive $0xFFFF  }
0x56: {  	_ =	strace $0x90000059  }
0x57: {  	[bflag:$0x2] =	sbarrier.arrive $0xFFFF  }
0x58: {  	p0 =	sne.s32 s0, $0x0;
	s0 =	rddreg [dreg:$0x1]  }
0x59: {  	s0 =	sadd.s32 @!p0 $0x100000, s0  }
0x5a: {  	[sflag:s0] =	ssyncadd.tile.s32 @!p0 $0x1;
	_ =	shalt  }
.Lfunc_end2:
_tile_overlayer_lowered:
.L_overlay_start_2:
0x5b: {  	(tag) =	ssettag $0x2  }
0x5c: {  	s0 =	rddreg [dreg:$0x0];
	s2 =	stileid.u32  }
0x5d: {  	s1 =	rddreg [dreg:$0x1];
	p0 =	sne.s32 s2, $0x0  }
0x5e: {  	s3 =	rddreg [dreg:$0x2];
	[bflag:$0x3] =	sbarrier.arrive $0xFFFF;
	s2 =	simm.s32 @!p0 $0x1C02  }
0x5f: {  	[timem:s3], [sflag:s2] =	dma.local @!p0 [hbm:s0], s1  }
0x60: {  	s0 =	simm.s32 @!p0 $0x2  }
0x61: {  	_ =	swait.ge @!p0 [sflag:s0], s1  }
0x62: {  	s1 =	ssub.s32 @!p0 $0x0, s1;
	[sflag:s0] =	ssyncset.done @!p0 $0x0  }
0x63: {  	[sflag:s0] =	ssyncadd.s32 @!p0 s1  }
0x64: {  	[bflag:$0x3] =	sbarrier.arrive $0xFFFF  }
0x65: {  	_ =	shalt  }

// kernel: kernel.35.cloned.1.call-start
scs
__scs_entry_jumppad:
0x0: {  	(pc) =	sbr.rel $0x88, $3  }
0x1: {  	(tag) =	ssettag $0x0;
	lr =	simm.s32 $0x1  }
0x2: {  	[smem:$0x3F9C] =	sst lr;
	_ =	strace $0xD0000000  }
0x3: {  	_ = 	snop  }
0x4: {  	_ = 	snop  }
0x5: {  	_ = 	snop  }
0x6: {  	_ = 	snop  }
0x7: {  	_ = 	snop  }
__scs_overlays_trampoline_lowered:
0x8: {  	[smem:$0x3FAB] =	sst s0  }
0x9: {  	[smem:$0x3FAC] =	sst s1  }
0xa: {  	[smem:$0x3FAD] =	sst s2  }
0xb: {  	[smem:$0x3FAE] =	sst s3  }
0xc: {  	[smem:$0x3FAF] =	sst s4  }
0xd: {  	[smem:$0x3FB0] =	sst s5  }
0xe: {  	[smem:$0x3FB1] =	sst s6  }
0xf: {  	[smem:$0x3FB2] =	sst s7  }
0x10: {  	[smem:$0x3FB3] =	sst s8  }
0x11: {  	[smem:$0x3FB4] =	sst s9;
	s0 =	simm.s32 @!p0 $0x0  }
0x12: {  	s1 =	sld [smem:$0x3F9A];
	s0 =	simm.s32 @p0 $0x1  }
0x13: {  	[smem:$0x3FB5] =	sst s0;
	s0 =	simm.s32 @!p1 $0x0  }
0x14: {  	s2 =	sld [smem:$0x3F99];
	s0 =	simm.s32 @p1 $0x1  }
0x15: {  	[smem:$0x3FB6] =	sst s0;
	s0 =	simm.s32 @!p2 $0x0  }
0x16: {  	s3 =	sld [smem:$0x3FDB];
	s0 =	simm.s32 @p2 $0x1  }
0x17: {  	s4 =	simm.s32 $0x1BF5;
	[smem:$0x3FB8] =	sst s0  }
0x18: {  	s0 =	sld [smem:$0x3F9B];
	_ =	swait.ge [sflag:s4], $0x0  }
0x19: {  	s7 =	sld [smem:$0x3F9C]  }
0x1a: {  	s8 =	sadd.s32 $0xFFFFE003, lr  }
0x1b: {  	s9 =	sadd.s32 $0xFFFFFEF7, lr;
	s5 =	simm.s32 $0xFFFFFFFF;
	p2 =	slt.u32 s8, $0xFFFFF086  }
0x1c: {  	p1 =	slt.u32 s9, $0xF7A;
	s5 =	simm.s32 @!p2 $0x0  }
0x1d: {  	s5 =	simm.s32 @p1 $0x1;
	p0 =	seq.s32 s7, s2  }
0x1e: {  	s7 =	smul.u32 @!p0 $0xF7A, s2;
	p2 =	seq.s32 @!p0 s5, $0x0  }
0x1f: {  	s9 =	smul.u32 $0xF7A, s1;
	s8 =	simm.s32 @!p0 $0x1BF5;
	p2 =	por !p2, p0  }
0x20: {  	[sflag:s8] =	ssyncset.s32 @!p0 $0xFFFFF086;
	s6 =	sadd.s32 @!p0 s3, s7;
	s7 =	simm.s32 @!p0 $0x108  }
0x21: {  	s3 =	sadd.s32 s3, s9;
	s6 =	sadd.s32 @!p0 $0x88, s6;
	s7 =	simm.s32 @p2 $0x1082  }
0x22: {  	[simem:s7], [sflag:s8] =	dma.local @!p0 [hbm:s6], $0xF7A  }
0x23: {  	s9 =	sor.u32 $0xD0000000, s2;
	s6 =	simm.s32 $0x108;
	_ =	swait.ge @!p0 [sflag:s8], $0x0  }
0x24: {  	s3 =	sadd.s32 $0x88, s3;
	s6 =	simm.s32 @!p1 $0x1082;
	[sflag:s4] =	ssyncset.s32 $0xFFFFF086  }
0x25: {  	[simem:s6], [sflag:s4] =	dma.local [hbm:s3], $0xF7A  }
0x26: {  	[smem:$0x3F9C] =	sst s1;
	(tag) =	ssettag s2;
	_ =	strace s9  }
0x27: {  	s1 =	sld [smem:$0x3FAC]  }
0x28: {  	s2 =	sld [smem:$0x3FAD]  }
0x29: {  	s4 =	sld [smem:$0x3FAF]  }
0x2a: {  	p0 =	seq.s32 s5, $0x0;
	s5 =	sld [smem:$0x3FB0]  }
0x2b: {  	s6 =	sld [smem:$0x3FB1]  }
0x2c: {  	s7 =	sld [smem:$0x3FB2]  }
0x2d: {  	s3 =	simm.s32 $0x108;
	s8 =	sld [smem:$0x3FB3]  }
0x2e: {  	s3 =	simm.s32 @!p0 $0x1082;
	s9 =	sld [smem:$0x3FB4]  }
0x2f: {  	lr =	sadd.s32 s0, s3;
	s0 =	sld [smem:$0x3FAB]  }
0x30: {  	s3 =	sld [smem:$0x3FAE]  }
0x31: {  	[smem:$0x3FB7] =	sst s10  }
0x32: {  	s10 =	sld [smem:$0x3FB5];
	_ =	sdelay $0x3  }
0x33: {  	p0 =	seq.s32 s10, $0x1;
	s10 =	sld [smem:$0x3FB7];
	_ =	sdelay $0x3  }
0x34: {  	[smem:$0x3FB7] =	sst s10  }
0x35: {  	s10 =	sld [smem:$0x3FB6];
	_ =	sdelay $0x3  }
0x36: {  	p1 =	seq.s32 s10, $0x1;
	s10 =	sld [smem:$0x3FB7];
	_ =	sdelay $0x3  }
0x37: {  	[smem:$0x3FB7] =	sst s10  }
0x38: {  	s10 =	sld [smem:$0x3FB8]  }
0x39: {  	_ = 	snop;
	(pc) =	sbr.ind lr, $3  }
0x3a: {  	_ = 	snop  }
0x3b: {  	_ = 	snop  }
0x3c: {  	p2 =	seq.s32 s10, $0x1;
	s10 =	sld [smem:$0x3FB7]  }
0x3d: {  	_ =	shalt  }
0x3e: {  	_ =	shalt  }
0x3f: {  	_ =	shalt  }
0x40: {  	_ =	shalt  }
0x41: {  	_ =	shalt  }
0x42: {  	_ =	shalt  }
0x43: {  	_ =	shalt  }
0x44: {  	_ =	shalt  }
0x45: {  	_ =	shalt  }
0x46: {  	_ =	shalt  }
0x47: {  	_ =	shalt  }
0x48: {  	_ =	shalt  }
0x49: {  	_ =	shalt  }
0x4a: {  	_ =	shalt  }
0x4b: {  	_ =	shalt  }
0x4c: {  	_ =	shalt  }
0x4d: {  	_ =	shalt  }
0x4e: {  	_ =	shalt  }
0x4f: {  	_ =	shalt  }
0x50: {  	_ =	shalt  }
0x51: {  	_ =	shalt  }
0x52: {  	_ =	shalt  }
0x53: {  	_ =	shalt  }
0x54: {  	_ =	shalt  }
0x55: {  	_ =	shalt  }
0x56: {  	_ =	shalt  }
0x57: {  	_ =	shalt  }
0x58: {  	_ =	shalt  }
0x59: {  	_ =	shalt  }
0x5a: {  	_ =	shalt  }
0x5b: {  	_ =	shalt  }
0x5c: {  	_ =	shalt  }
0x5d: {  	_ =	shalt  }
0x5e: {  	_ =	shalt  }
0x5f: {  	_ =	shalt  }
0x60: {  	_ =	shalt  }
0x61: {  	_ =	shalt  }
0x62: {  	_ =	shalt  }
0x63: {  	_ =	shalt  }
0x64: {  	_ =	shalt  }
0x65: {  	_ =	shalt  }
0x66: {  	_ =	shalt  }
0x67: {  	_ =	shalt  }
0x68: {  	_ =	shalt  }
0x69: {  	_ =	shalt  }
0x6a: {  	_ =	shalt  }
0x6b: {  	_ =	shalt  }
0x6c: {  	_ =	shalt  }
0x6d: {  	_ =	shalt  }
0x6e: {  	_ =	shalt  }
0x6f: {  	_ =	shalt  }
0x70: {  	_ =	shalt  }
0x71: {  	_ =	shalt  }
0x72: {  	_ =	shalt  }
0x73: {  	_ =	shalt  }
0x74: {  	_ =	shalt  }
0x75: {  	_ =	shalt  }
0x76: {  	_ =	shalt  }
0x77: {  	_ =	shalt  }
0x78: {  	_ =	shalt  }
0x79: {  	_ =	shalt  }
0x7a: {  	_ =	shalt  }
0x7b: {  	_ =	shalt  }
0x7c: {  	_ =	shalt  }
0x7d: {  	_ =	shalt  }
0x7e: {  	_ =	shalt  }
0x7f: {  	_ =	shalt  }
0x80: {  	_ =	shalt  }
0x81: {  	_ =	shalt  }
0x82: {  	_ =	shalt  }
0x83: {  	_ =	shalt  }
0x84: {  	_ =	shalt  }
0x85: {  	_ =	shalt  }
0x86: {  	_ =	shalt  }
0x87: {  	_ =	shalt  }
.Lfunc_end0:
.L_simem_size_0:
called_computation.6_lowered:
.L_overlay_start_0:
0x88: {  	s2 =	sld [smem:$0x3FD9]  }
0x89: {  	s3 =	sld [smem:$0x3FFE];
	_ =	sdelay $0x1  }
0x8a: {  	s1 =	srdreg.scid  }
0x8b: {  	s0 =	sand.u32 $0x1, s1  }
0x8c: {  	s17 =	sshll.u32 s0, $0xA;
	s2 =	sadd.s32 s3, s2  }
0x8d: {  	s2 =	sadd.s32 s2, s17  }
0x8e: {  	[smem:$0x3FC3] =	sst s2  }
0x8f: {  	_ = 	snop  }
0x90: {  	s18 =	sld [smem:$0x3FC9];
	(tm) =	ssettm $0x1  }
0x91: {  	s19 =	sld [smem:$0x3FFB];
	_ =	sdelay $0x3  }
0x92: {  	_ =	strace s19  }
0x93: {  	s2 =	sld [smem:$0x3FFC];
	_ =	sdelay $0x3  }
0x94: {  	_ =	strace s2  }
0x95: {  	s2 =	sld [smem:$0x3FFD];
	_ =	sdelay $0x3  }
0x96: {  	_ =	strace s2  }
0x97: {  	_ =	strace $0x8FFFFFFF  }
0x98: {  	s20 =	sld [smem:$0x3FDB];
	_ =	sdelay $0x1  }
0x99: {  	s4 =	simm.s32 $_scs_section_size  }
0x9a: {  	s5 =	simm.s32 $_size__tile_overlayer_lowered;
	s6 =	simm.s32 $_tile_overlayer_lowered  }
0x9b: {  	s7 =	simm.s32 $0x1BFF;
	s21 =	sshll.u32 s6, $0x1;
	s4 =	sadd.s32 s4, s20  }
0x9c: {  	s22 =	simm.s32 $0x0;
	s5 =	sshll.u32 s5, $0x1;
	s6 =	sadd.s32 s21, s4  }
0x9d: {  	[timem:s22], [sflag:s7] =	dma.local [hbm:s6], s5  }
0x9e: {  	_ =	swait.ge [sflag:s7], s5  }
0x9f: {  	s5 =	ssub.s32 $0x0, s5;
	[sflag:s7] =	ssyncset.done $0x0  }
0xa0: {  	[sflag:s7] =	ssyncadd.s32 s5;
	_ =	sdelay $0x1  }
0xa1: {  	s23 =	simm.s32 $0x1B8B  }
0xa2: {  	_ =	swait.ge [sflag:s23], $0x1  }
0xa3: {  	[sflag:s23] =	ssyncset.done $0x0  }
0xa4: {  	[sflag:s23] =	ssyncadd.s32 $0xFFFFFFFF  }
0xa5: {  	s5 =	sld [smem:$0x0]  }
0xa6: {  	s6 =	sand.u32 $0xFFFFFFFE, s1  }
0xa7: {  	p0 =	sne.s32 s1, s6  }
0xa8: {  	s6 =	sshll.u32 @p0 s6, $0xE  }
0xa9: {  	s6 =	sadd.s32 @p0 $0x11B8D, s6;
	s7 =	sshll.u32 @p0 s5, $0x11  }
0xaa: {  	s6 =	sor.u32 @p0 s7, s6  }
0xab: {  	[sflag:s6] =	ssyncadd.remote.s32 @p0 $0x1;
	_ =	sdelay $0x1  }
0xac: {  	s6 =	simm.s32 @p0 $0x1B8D  }
0xad: {  	_ =	swait.eq @p0 [sflag:s6], $0x1  }
0xae: {  	[sflag:s6] =	ssyncadd.s32 @p0 $0xFFFFFFFF  }
0xaf: {  	s7 =	sshll.u32 @!p0 s1, $0xE  }
0xb0: {  	s7 =	sor.u32 @!p0 $0x4000, s7;
	s6 =	simm.s32 @!p0 $0x1B8D  }
0xb1: {  	s5 =	sshll.u32 @!p0 s5, $0x11;
	s7 =	sadd.s32 @!p0 $0x11B8D, s7;
	_ =	swait.eq @!p0 [sflag:s6], $0x1  }
0xb2: {  	s5 =	sor.u32 @!p0 s5, s7;
	[sflag:s6] =	ssyncadd.s32 @!p0 $0xFFFFFFFF  }
0xb3: {  	s25 =	simm.s32 $0x1B8E;
	s24 =	sld [smem:$0x3FFE];
	[sflag:s5] =	ssyncadd.remote.s32 @!p0 $0x1  }
0xb4: {  	s26 =	simm.s32 $execute0_lowered;
	[smem:$0x3FD2] =	sst s25  }
0xb5: {  	s6 =	sshll.u32 s26, $0x1;
	_ =	strace $0x80000055;
	[dreg:$0x1] =	wrdreg $0xFFFFFFFF  }
0xb6: {  	s28 =	simm.s32 $_size_execute0_lowered;
	s4 =	sadd.s32 s4, s6;
	[dreg:$0x0] =	wrdreg $0x0  }
0xb7: {  	s6 =	sshll.u32 s28, $0x1;
	[dreg:$0x2] =	wrdreg s4  }
0xb8: {  	[dreg:$0x3] =	wrdreg s6  }
0xb9: {  	[dreg:$0x4] =	wrdreg $0xC0  }
0xba: {  	_ =	task [dreg:s22], $0x5FFFF  }
0xbb: {  	[dreg:$0x1] =	wrdreg $0xFFFFFFFF  }
0xbc: {  	[dreg:$0x0] =	wrdreg $0x60  }
0xbd: {  	[dreg:$0x2] =	wrdreg s18  }
0xbe: {  	[dreg:$0x3] =	wrdreg s24  }
0xbf: {  	[dreg:$0x4] =	wrdreg $0xA  }
0xc0: {  	_ =	task.clear_ibuf [dreg:s22], $0x5FFFF;
	_ =	strace $0x90000055  }
0xc1: {  	s29 =	simm.s32 $0xA;
	_ =	strace $0x80000057  }
0xc2: {  	_ =	swait.ge [sflag:s29], $0x1  }
0xc3: {  	[sflag:s29] =	ssyncadd.s32 $0xFFFFFFFF  }
0xc4: {  	_ =	strace $0x90000057  }
0xc5: {  	_ =	sfence  }
0xc6: {  	s30 =	sld [smem:$0x0];
	_ =	sdelay $0x2  }
0xc7: {  	s31 =	sshll.u32 s1, $0xD;
	s1 =	sshrl.u32 s1, $0x2  }
0xc8: {  	s4 =	sand.u32 $0x4000, s31;
	s1 =	sadd.s32 s1, s30  }
0xc9: {  	s0 =	sor.u32 s4, s0;
	s1 =	sshll.u32 s1, $0x11  }
0xca: {  	s0 =	sor.u32 s1, s0  }
0xcb: {  	s0 =	sadd.s32 $0x8F2B, s0  }
0xcc: {  	[sflag:s0] =	ssyncadd.remote.s32 $0x1  }
0xcd: {  	_ =	sfence.sel $0xFFFF  }
0xce: {  	[dreg:$0x0] =	wrdreg $0xFFFFFFFF;
	(pc) =	sbr.abs _section_cstart, $3  }
0xcf: {  	[dreg:$0x1] =	wrdreg $0xFFFFFFFF  }
0xd0: {  	_ =	task.clear_ibuf [dreg:s22], $0x2FFFF;
	_ =	strace $0x9FFFFFFF  }
0xd1: {  	(tm) =	ssettm $0x7FFFFFFF  }
tec
execute0_lowered:
.L_overlay_start_1:
0x0: {  	(tag) =	ssettag $0x1  }
0x1: {  	s1 =	srdreg.scid  }
0x2: {  	s0 =	stileid.u32;
	s16 =	sand.u32 $0x1, s1  }
0x3: {  	s2 =	rddreg [dreg:$0x0];
	s30 =	sshll.u32 s0, $0x5;
	s3 =	sshll.u32 s16, $0x4  }
0x4: {  	s18 =	rddreg [dreg:$0x1];
	s19 =	sor.u32 s3, s30  }
0x5: {  	s1 =	rddreg [dreg:$0x2];
	s3 =	simm.s32 $0x0;
	s4 =	sshrl.u32 s19, $0x3  }
0x6: {  	[smem:$0x7FF] =	sst s3;
	s4 =	sadd.s32 s4, s18  }
0x7: {  	_ =	strace $0x80000056;
	s5 =	sadd.s32 $0x3400, s4;
	s4 =	simm.s32 $0x2  }
0x8: {  	[tilespmem:s3], [sflag:$0x2] =	stream.linear.gather [hbm4b:s5+s3], $0x10, $0x38;
	[tilespmem:$0x4080] =	vst v63  }
0x9: {  	_ =	swait.ge [sflag:s4], $0x10  }
0xa: {  	[sflag:s4] =	ssyncset.done $0x0  }
0xb: {  	[sflag:s4] =	ssyncadd.s32 $0xFFFFFFF0  }
0xc: {  	v0 =	vld [tilespmem:$0x0];
	_ =	sdelay $0x4  }
0xd: {  	v1 =	vshll.u32 v0, $0x3  }
0xe: {  	v2 =	vlaneseq.u32;
	v3 =	vand.u32 $0x7, v0;
	v1 =	vand.u32 $0xFFFFFFC0, v1  }
0xf: {  	v4 =	vshrl.u32 v2, $0x3;
	v0 =	vand.u32 $0x7, v2;
	v3 =	vor.u32 v3, v1  }
0x10: {  	v1 =	vmul.u32 $0x8, v4;
	v63 =	vperm.xlane v3, v0;
	_ =	sdelay $0x1  }
0x11: {  	v4 =	vadd.s32 v1, v63;
	_ =	sdelay $0x3  }
0x12: {  	vm0 =	vmmov $0xffff;
	s6 =	simm.s32 $0x80  }
0x13: {  	v2 =	vor.u32 $0x8, v2;
	[tilespmem:s6], [sflag:$0x1] =	stream.indirect_vreg.gather [hbm4b:s2+s3], $0x80, v4, vm0, $0xb8;
	[tilespmem:$0x4080] =	vst v63  }
0x14: {  	s8 =	simm.s32 $0x880;
	s7 =	sadd.s32 $0x100, s2;
	v3 =	vperm.xlane v3, v2  }
0x15: {  	[tilespmem:s8], [sflag:$0x1] =	stream.indirect_vreg.gather [hbm4b:s7+s3], $0x80, v4, vm0, $0xb8;
	[tilespmem:$0x4080] =	vst v63  }
0x16: {  	s10 =	simm.s32 $0x1080;
	s9 =	sadd.s32 $0x200, s2;
	v3 =	vadd.s32 v1, v3  }
0x17: {  	[tilespmem:s10], [sflag:$0x1] =	stream.indirect_vreg.gather [hbm4b:s9+s3], $0x80, v4, vm0, $0xb8;
	[tilespmem:$0x4080] =	vst v63  }
0x18: {  	s12 =	simm.s32 $0x1880;
	s11 =	sadd.s32 $0x300, s2  }
0x19: {  	[tilespmem:s12], [sflag:$0x1] =	stream.indirect_vreg.gather [hbm4b:s11+s3], $0x80, v4, vm0, $0xb8;
	[tilespmem:$0x4080] =	vst v63  }
0x1a: {  	s13 =	simm.s32 $0x2080;
	s20 =	ssub.s32 $0x2, s16  }
0x1b: {  	[tilespmem:s13], [sflag:$0x1] =	stream.indirect_vreg.gather [hbm4b:s2+s3], $0x80, v3, vm0, $0xb8;
	[tilespmem:$0x4080] =	vst v63  }
0x1c: {  	s14 =	simm.s32 $0x2880;
	s15 =	simm.s32 $0x3080;
	s21 =	sshrl.u32 s20, $0x1  }
0x1d: {  	[tilespmem:s14], [sflag:$0x1] =	stream.indirect_vreg.gather [hbm4b:s7+s3], $0x80, v3, vm0, $0xb8;
	[tilespmem:$0x4080] =	vst v63  }
0x1e: {  	s17 =	simm.s32 $0x1;
	s19 =	sshll.u32 s19, $0x7;
	s31 =	ssub.s32 s20, s21  }
0x1f: {  	[tilespmem:s15], [sflag:$0x1] =	stream.indirect_vreg.gather [hbm4b:s9+s3], $0x80, v3, vm0, $0xb8;
	[tilespmem:$0x4080] =	vst v63  }
0x20: {  	s16 =	simm.s32 $0x3880;
	s18 =	sadd.s32 s19, s18;
	s19 =	smax.u32 s31, $0x1  }
0x21: {  	[tilespmem:s16], [sflag:$0x1] =	stream.indirect_vreg.gather [hbm4b:s11+s3], $0x80, v3, vm0, $0xb8;
	[tilespmem:$0x4080] =	vst v63  }
0x22: {  	p0 =	sne.s32 s19, $0x1;
	_ =	swait.ge [sflag:s17], $0x4000  }
.Ltmp0:
0x23: {  	[sflag:s17] =	ssyncset.done $0x0;
	(pc) =	sbr.rel @!p0 .LBB2_2-.Ltmp0, $4  }
0x24: {  	s18 =	sadd.s32 $0x3600, s18;
	[sflag:s17] =	ssyncadd.s32 $0xFFFFC000  }
0x25: {  	[hbm4b:s18+s3] =	stream.linear.scatter [tilespmem:s6], [sflag:$0x2], $0x4000, $0x38;
	[tilespmem:$0x4080] =	vst v63  }
0x26: {  	_ =	swait.ge [sflag:s4], $0x4000  }
0x27: {  	s19 =	sadd.s32 $0xFFFFFFFF, s19;
	[sflag:s4] =	ssyncset.done $0x0  }
.LBB2_1:
0x28: {  	p0 =	sne.s32 s19, $0x1;
	s19 =	sadd.s32 $0xFFFFFFFF, s19;
	[sflag:s4] =	ssyncadd.s32 $0xFFFFC000  }
0x29: {  	[tilespmem:s3], [sflag:$0x2] =	stream.linear.gather [hbm4b:s5+s3], $0x10, $0x38;
	[tilespmem:$0x4080] =	vst v63  }
0x2a: {  	_ =	swait.ge [sflag:s4], $0x10  }
0x2b: {  	[sflag:s4] =	ssyncset.done $0x0  }
0x2c: {  	[sflag:s4] =	ssyncadd.s32 $0xFFFFFFF0  }
0x2d: {  	v3 =	vld [tilespmem:$0x0];
	_ =	sdelay $0x4  }
0x2e: {  	v4 =	vshll.u32 v3, $0x3  }
0x2f: {  	v3 =	vand.u32 $0x7, v3;
	v4 =	vand.u32 $0xFFFFFFC0, v4  }
0x30: {  	v3 =	vor.u32 v3, v4  }
0x31: {  	v4 =	vperm.xlane v3, v0;
	v3 =	vperm.xlane v3, v2;
	_ =	sdelay $0x1  }
0x32: {  	v4 =	vadd.s32 v1, v4;
	_ =	sdelay $0x4  }
0x33: {  	[tilespmem:s6], [sflag:$0x1] =	stream.indirect_vreg.gather [hbm4b:s2+s3], $0x80, v4, vm0, $0xb8;
	[tilespmem:$0x4080] =	vst v63  }
0x34: {  	_ = 	snop  }
0x35: {  	[tilespmem:s8], [sflag:$0x1] =	stream.indirect_vreg.gather [hbm4b:s7+s3], $0x80, v4, vm0, $0xb8;
	[tilespmem:$0x4080] =	vst v63  }
0x36: {  	v3 =	vadd.s32 v1, v3  }
0x37: {  	[tilespmem:s10], [sflag:$0x1] =	stream.indirect_vreg.gather [hbm4b:s9+s3], $0x80, v4, vm0, $0xb8;
	[tilespmem:$0x4080] =	vst v63  }
0x38: {  	_ = 	snop  }
0x39: {  	[tilespmem:s12], [sflag:$0x1] =	stream.indirect_vreg.gather [hbm4b:s11+s3], $0x80, v4, vm0, $0xb8;
	[tilespmem:$0x4080] =	vst v63  }
0x3a: {  	_ = 	snop  }
0x3b: {  	[tilespmem:s13], [sflag:$0x1] =	stream.indirect_vreg.gather [hbm4b:s2+s3], $0x80, v3, vm0, $0xb8;
	[tilespmem:$0x4080] =	vst v63  }
0x3c: {  	_ = 	snop  }
0x3d: {  	[tilespmem:s14], [sflag:$0x1] =	stream.indirect_vreg.gather [hbm4b:s7+s3], $0x80, v3, vm0, $0xb8;
	[tilespmem:$0x4080] =	vst v63  }
0x3e: {  	_ = 	snop  }
0x3f: {  	[tilespmem:s15], [sflag:$0x1] =	stream.indirect_vreg.gather [hbm4b:s9+s3], $0x80, v3, vm0, $0xb8;
	[tilespmem:$0x4080] =	vst v63  }
0x40: {  	_ = 	snop  }
0x41: {  	[tilespmem:s16], [sflag:$0x1] =	stream.indirect_vreg.gather [hbm4b:s11+s3], $0x80, v3, vm0, $0xb8;
	[tilespmem:$0x4080] =	vst v63  }
0x42: {  	_ =	swait.ge [sflag:s17], $0x4000  }
.Ltmp1:
0x43: {  	[sflag:s17] =	ssyncset.done $0x0;
	(pc) =	sbr.rel @p0 .LBB2_1-.Ltmp1, $4  }
0x44: {  	[sflag:s17] =	ssyncadd.s32 $0xFFFFC000  }
0x45: {  	[hbm4b:s18+s3] =	stream.linear.scatter [tilespmem:s6], [sflag:$0x2], $0x4000, $0x38;
	[tilespmem:$0x4080] =	vst v63  }
0x46: {  	_ =	swait.ge [sflag:s4], $0x4000  }
0x47: {  	[sflag:s4] =	ssyncset.done $0x0  }
.LBB2_2:
0x48: {  	[sflag:s4] =	ssyncadd.s32 $0xFFFFC000  }
0x49: {  	_ =	sfence.sel $0x180000  }
0x4a: {  	[bflag:$0x0] =	sbarrier.arrive $0xFFFF  }
0x4b: {  	p0 =	sne.s32 s0, $0x0;
	_ =	strace $0x90000056  }
0x4c: {  	s0 =	sadd.s32 @!p0 $0x100000, s1;
	[bflag:$0x2] =	sbarrier.arrive $0xFFFF  }
0x4d: {  	[sflag:s0] =	ssyncadd.tile.s32 @!p0 $0x1;
	_ =	shalt  }
.Lfunc_end2:
_tile_overlayer_lowered:
.L_overlay_start_2:
0x4e: {  	(tag) =	ssettag $0x2  }
0x4f: {  	s0 =	rddreg [dreg:$0x0];
	s2 =	stileid.u32  }
0x50: {  	s1 =	rddreg [dreg:$0x1];
	p0 =	sne.s32 s2, $0x0  }
0x51: {  	s3 =	rddreg [dreg:$0x2];
	[bflag:$0x3] =	sbarrier.arrive $0xFFFF;
	s2 =	simm.s32 @!p0 $0x1C02  }
0x52: {  	[timem:s3], [sflag:s2] =	dma.local @!p0 [hbm:s0], s1  }
0x53: {  	s0 =	simm.s32 @!p0 $0x2  }
0x54: {  	_ =	swait.ge @!p0 [sflag:s0], s1  }
0x55: {  	s1 =	ssub.s32 @!p0 $0x0, s1;
	[sflag:s0] =	ssyncset.done @!p0 $0x0  }
0x56: {  	[sflag:s0] =	ssyncadd.s32 @!p0 s1  }
0x57: {  	[bflag:$0x3] =	sbarrier.arrive $0xFFFF  }
0x58: {  	_ =	shalt  }

// kernel: kernel.38.cloned.1.call-start
scs
__scs_entry_jumppad:
0x0: {  	(pc) =	sbr.rel $0x88, $3  }
0x1: {  	(tag) =	ssettag $0x0;
	lr =	simm.s32 $0x1  }
0x2: {  	[smem:$0x3F9C] =	sst lr;
	_ =	strace $0xD0000000  }
0x3: {  	_ = 	snop  }
0x4: {  	_ = 	snop  }
0x5: {  	_ = 	snop  }
0x6: {  	_ = 	snop  }
0x7: {  	_ = 	snop  }
__scs_overlays_trampoline_lowered:
0x8: {  	[smem:$0x3FAB] =	sst s0  }
0x9: {  	[smem:$0x3FAC] =	sst s1  }
0xa: {  	[smem:$0x3FAD] =	sst s2  }
0xb: {  	[smem:$0x3FAE] =	sst s3  }
0xc: {  	[smem:$0x3FAF] =	sst s4  }
0xd: {  	[smem:$0x3FB0] =	sst s5  }
0xe: {  	[smem:$0x3FB1] =	sst s6  }
0xf: {  	[smem:$0x3FB2] =	sst s7  }
0x10: {  	[smem:$0x3FB3] =	sst s8  }
0x11: {  	[smem:$0x3FB4] =	sst s9;
	s0 =	simm.s32 @!p0 $0x0  }
0x12: {  	s1 =	sld [smem:$0x3F9A];
	s0 =	simm.s32 @p0 $0x1  }
0x13: {  	[smem:$0x3FB5] =	sst s0;
	s0 =	simm.s32 @!p1 $0x0  }
0x14: {  	s2 =	sld [smem:$0x3F99];
	s0 =	simm.s32 @p1 $0x1  }
0x15: {  	[smem:$0x3FB6] =	sst s0;
	s0 =	simm.s32 @!p2 $0x0  }
0x16: {  	s3 =	sld [smem:$0x3FDB];
	s0 =	simm.s32 @p2 $0x1  }
0x17: {  	s4 =	simm.s32 $0x1BF5;
	[smem:$0x3FB8] =	sst s0  }
0x18: {  	s0 =	sld [smem:$0x3F9B];
	_ =	swait.ge [sflag:s4], $0x0  }
0x19: {  	s7 =	sld [smem:$0x3F9C]  }
0x1a: {  	s8 =	sadd.s32 $0xFFFFE003, lr  }
0x1b: {  	s9 =	sadd.s32 $0xFFFFFEF7, lr;
	s5 =	simm.s32 $0xFFFFFFFF;
	p2 =	slt.u32 s8, $0xFFFFF086  }
0x1c: {  	p1 =	slt.u32 s9, $0xF7A;
	s5 =	simm.s32 @!p2 $0x0  }
0x1d: {  	s5 =	simm.s32 @p1 $0x1;
	p0 =	seq.s32 s7, s2  }
0x1e: {  	s7 =	smul.u32 @!p0 $0xF7A, s2;
	p2 =	seq.s32 @!p0 s5, $0x0  }
0x1f: {  	s9 =	smul.u32 $0xF7A, s1;
	s8 =	simm.s32 @!p0 $0x1BF5;
	p2 =	por !p2, p0  }
0x20: {  	[sflag:s8] =	ssyncset.s32 @!p0 $0xFFFFF086;
	s6 =	sadd.s32 @!p0 s3, s7;
	s7 =	simm.s32 @!p0 $0x108  }
0x21: {  	s3 =	sadd.s32 s3, s9;
	s6 =	sadd.s32 @!p0 $0x88, s6;
	s7 =	simm.s32 @p2 $0x1082  }
0x22: {  	[simem:s7], [sflag:s8] =	dma.local @!p0 [hbm:s6], $0xF7A  }
0x23: {  	s9 =	sor.u32 $0xD0000000, s2;
	s6 =	simm.s32 $0x108;
	_ =	swait.ge @!p0 [sflag:s8], $0x0  }
0x24: {  	s3 =	sadd.s32 $0x88, s3;
	s6 =	simm.s32 @!p1 $0x1082;
	[sflag:s4] =	ssyncset.s32 $0xFFFFF086  }
0x25: {  	[simem:s6], [sflag:s4] =	dma.local [hbm:s3], $0xF7A  }
0x26: {  	[smem:$0x3F9C] =	sst s1;
	(tag) =	ssettag s2;
	_ =	strace s9  }
0x27: {  	s1 =	sld [smem:$0x3FAC]  }
0x28: {  	s2 =	sld [smem:$0x3FAD]  }
0x29: {  	s4 =	sld [smem:$0x3FAF]  }
0x2a: {  	p0 =	seq.s32 s5, $0x0;
	s5 =	sld [smem:$0x3FB0]  }
0x2b: {  	s6 =	sld [smem:$0x3FB1]  }
0x2c: {  	s7 =	sld [smem:$0x3FB2]  }
0x2d: {  	s3 =	simm.s32 $0x108;
	s8 =	sld [smem:$0x3FB3]  }
0x2e: {  	s3 =	simm.s32 @!p0 $0x1082;
	s9 =	sld [smem:$0x3FB4]  }
0x2f: {  	lr =	sadd.s32 s0, s3;
	s0 =	sld [smem:$0x3FAB]  }
0x30: {  	s3 =	sld [smem:$0x3FAE]  }
0x31: {  	[smem:$0x3FB7] =	sst s10  }
0x32: {  	s10 =	sld [smem:$0x3FB5];
	_ =	sdelay $0x3  }
0x33: {  	p0 =	seq.s32 s10, $0x1;
	s10 =	sld [smem:$0x3FB7];
	_ =	sdelay $0x3  }
0x34: {  	[smem:$0x3FB7] =	sst s10  }
0x35: {  	s10 =	sld [smem:$0x3FB6];
	_ =	sdelay $0x3  }
0x36: {  	p1 =	seq.s32 s10, $0x1;
	s10 =	sld [smem:$0x3FB7];
	_ =	sdelay $0x3  }
0x37: {  	[smem:$0x3FB7] =	sst s10  }
0x38: {  	s10 =	sld [smem:$0x3FB8]  }
0x39: {  	_ = 	snop;
	(pc) =	sbr.ind lr, $3  }
0x3a: {  	_ = 	snop  }
0x3b: {  	_ = 	snop  }
0x3c: {  	p2 =	seq.s32 s10, $0x1;
	s10 =	sld [smem:$0x3FB7]  }
0x3d: {  	_ =	shalt  }
0x3e: {  	_ =	shalt  }
0x3f: {  	_ =	shalt  }
0x40: {  	_ =	shalt  }
0x41: {  	_ =	shalt  }
0x42: {  	_ =	shalt  }
0x43: {  	_ =	shalt  }
0x44: {  	_ =	shalt  }
0x45: {  	_ =	shalt  }
0x46: {  	_ =	shalt  }
0x47: {  	_ =	shalt  }
0x48: {  	_ =	shalt  }
0x49: {  	_ =	shalt  }
0x4a: {  	_ =	shalt  }
0x4b: {  	_ =	shalt  }
0x4c: {  	_ =	shalt  }
0x4d: {  	_ =	shalt  }
0x4e: {  	_ =	shalt  }
0x4f: {  	_ =	shalt  }
0x50: {  	_ =	shalt  }
0x51: {  	_ =	shalt  }
0x52: {  	_ =	shalt  }
0x53: {  	_ =	shalt  }
0x54: {  	_ =	shalt  }
0x55: {  	_ =	shalt  }
0x56: {  	_ =	shalt  }
0x57: {  	_ =	shalt  }
0x58: {  	_ =	shalt  }
0x59: {  	_ =	shalt  }
0x5a: {  	_ =	shalt  }
0x5b: {  	_ =	shalt  }
0x5c: {  	_ =	shalt  }
0x5d: {  	_ =	shalt  }
0x5e: {  	_ =	shalt  }
0x5f: {  	_ =	shalt  }
0x60: {  	_ =	shalt  }
0x61: {  	_ =	shalt  }
0x62: {  	_ =	shalt  }
0x63: {  	_ =	shalt  }
0x64: {  	_ =	shalt  }
0x65: {  	_ =	shalt  }
0x66: {  	_ =	shalt  }
0x67: {  	_ =	shalt  }
0x68: {  	_ =	shalt  }
0x69: {  	_ =	shalt  }
0x6a: {  	_ =	shalt  }
0x6b: {  	_ =	shalt  }
0x6c: {  	_ =	shalt  }
0x6d: {  	_ =	shalt  }
0x6e: {  	_ =	shalt  }
0x6f: {  	_ =	shalt  }
0x70: {  	_ =	shalt  }
0x71: {  	_ =	shalt  }
0x72: {  	_ =	shalt  }
0x73: {  	_ =	shalt  }
0x74: {  	_ =	shalt  }
0x75: {  	_ =	shalt  }
0x76: {  	_ =	shalt  }
0x77: {  	_ =	shalt  }
0x78: {  	_ =	shalt  }
0x79: {  	_ =	shalt  }
0x7a: {  	_ =	shalt  }
0x7b: {  	_ =	shalt  }
0x7c: {  	_ =	shalt  }
0x7d: {  	_ =	shalt  }
0x7e: {  	_ =	shalt  }
0x7f: {  	_ =	shalt  }
0x80: {  	_ =	shalt  }
0x81: {  	_ =	shalt  }
0x82: {  	_ =	shalt  }
0x83: {  	_ =	shalt  }
0x84: {  	_ =	shalt  }
0x85: {  	_ =	shalt  }
0x86: {  	_ =	shalt  }
0x87: {  	_ =	shalt  }
.Lfunc_end0:
.L_simem_size_0:
called_computation.7_lowered:
.L_overlay_start_0:
0x88: {  	s2 =	sld [smem:$0x3FD9]  }
0x89: {  	s3 =	sld [smem:$0x3FFE];
	_ =	sdelay $0x1  }
0x8a: {  	s1 =	srdreg.scid  }
0x8b: {  	s0 =	sand.u32 $0x1, s1  }
0x8c: {  	s17 =	sshll.u32 s0, $0xA;
	s2 =	sadd.s32 s3, s2  }
0x8d: {  	s2 =	sadd.s32 s2, s17  }
0x8e: {  	[smem:$0x3FC3] =	sst s2  }
0x8f: {  	_ = 	snop  }
0x90: {  	s18 =	sld [smem:$0x3FD0];
	(tm) =	ssettm $0x1  }
0x91: {  	s19 =	sld [smem:$0x3FFB];
	_ =	sdelay $0x3  }
0x92: {  	_ =	strace s19  }
0x93: {  	s2 =	sld [smem:$0x3FFC];
	_ =	sdelay $0x3  }
0x94: {  	_ =	strace s2  }
0x95: {  	s2 =	sld [smem:$0x3FFD];
	_ =	sdelay $0x3  }
0x96: {  	_ =	strace s2  }
0x97: {  	_ =	strace $0x8FFFFFFF  }
0x98: {  	s20 =	sld [smem:$0x3FDB];
	_ =	sdelay $0x1  }
0x99: {  	s4 =	simm.s32 $_scs_section_size  }
0x9a: {  	s5 =	simm.s32 $_size__tile_overlayer_lowered;
	s6 =	simm.s32 $_tile_overlayer_lowered  }
0x9b: {  	s7 =	simm.s32 $0x1BFF;
	s21 =	sshll.u32 s6, $0x1;
	s4 =	sadd.s32 s4, s20  }
0x9c: {  	s22 =	simm.s32 $0x0;
	s5 =	sshll.u32 s5, $0x1;
	s6 =	sadd.s32 s21, s4  }
0x9d: {  	[timem:s22], [sflag:s7] =	dma.local [hbm:s6], s5  }
0x9e: {  	_ =	swait.ge [sflag:s7], s5  }
0x9f: {  	s5 =	ssub.s32 $0x0, s5;
	[sflag:s7] =	ssyncset.done $0x0  }
0xa0: {  	[sflag:s7] =	ssyncadd.s32 s5;
	_ =	sdelay $0x1  }
0xa1: {  	s23 =	simm.s32 $0x1B8B  }
0xa2: {  	_ =	swait.ge [sflag:s23], $0x1  }
0xa3: {  	[sflag:s23] =	ssyncset.done $0x0  }
0xa4: {  	[sflag:s23] =	ssyncadd.s32 $0xFFFFFFFF  }
0xa5: {  	s5 =	sld [smem:$0x0]  }
0xa6: {  	s6 =	sand.u32 $0xFFFFFFFE, s1  }
0xa7: {  	p0 =	sne.s32 s1, s6  }
0xa8: {  	s6 =	sshll.u32 @p0 s6, $0xE  }
0xa9: {  	s6 =	sadd.s32 @p0 $0x11B8D, s6;
	s7 =	sshll.u32 @p0 s5, $0x11  }
0xaa: {  	s6 =	sor.u32 @p0 s7, s6  }
0xab: {  	[sflag:s6] =	ssyncadd.remote.s32 @p0 $0x1;
	_ =	sdelay $0x1  }
0xac: {  	s6 =	simm.s32 @p0 $0x1B8D  }
0xad: {  	_ =	swait.eq @p0 [sflag:s6], $0x1  }
0xae: {  	[sflag:s6] =	ssyncadd.s32 @p0 $0xFFFFFFFF  }
0xaf: {  	s7 =	sshll.u32 @!p0 s1, $0xE  }
0xb0: {  	s7 =	sor.u32 @!p0 $0x4000, s7;
	s6 =	simm.s32 @!p0 $0x1B8D  }
0xb1: {  	s5 =	sshll.u32 @!p0 s5, $0x11;
	s7 =	sadd.s32 @!p0 $0x11B8D, s7;
	_ =	swait.eq @!p0 [sflag:s6], $0x1  }
0xb2: {  	s5 =	sor.u32 @!p0 s5, s7;
	[sflag:s6] =	ssyncadd.s32 @!p0 $0xFFFFFFFF  }
0xb3: {  	s25 =	simm.s32 $0x1B8E;
	s24 =	sld [smem:$0x3FFE];
	[sflag:s5] =	ssyncadd.remote.s32 @!p0 $0x1  }
0xb4: {  	s26 =	simm.s32 $execute0_lowered;
	[smem:$0x3FD2] =	sst s25  }
0xb5: {  	s6 =	sshll.u32 s26, $0x1;
	_ =	strace $0x8000005E;
	[dreg:$0x1] =	wrdreg $0xFFFFFFFF  }
0xb6: {  	s28 =	simm.s32 $_size_execute0_lowered;
	s4 =	sadd.s32 s4, s6;
	[dreg:$0x0] =	wrdreg $0x0  }
0xb7: {  	s6 =	sshll.u32 s28, $0x1;
	[dreg:$0x2] =	wrdreg s4  }
0xb8: {  	[dreg:$0x3] =	wrdreg s6  }
0xb9: {  	[dreg:$0x4] =	wrdreg $0xC0  }
0xba: {  	_ =	task [dreg:s22], $0x5FFFF  }
0xbb: {  	[dreg:$0x1] =	wrdreg $0xFFFFFFFF  }
0xbc: {  	[dreg:$0x0] =	wrdreg $0x60  }
0xbd: {  	[dreg:$0x2] =	wrdreg s18  }
0xbe: {  	[dreg:$0x3] =	wrdreg s24  }
0xbf: {  	[dreg:$0x4] =	wrdreg $0xA  }
0xc0: {  	_ =	task.clear_ibuf [dreg:s22], $0x5FFFF;
	_ =	strace $0x9000005E  }
0xc1: {  	s29 =	simm.s32 $0xA;
	_ =	strace $0x80000060  }
0xc2: {  	_ =	swait.ge [sflag:s29], $0x1  }
0xc3: {  	[sflag:s29] =	ssyncadd.s32 $0xFFFFFFFF  }
0xc4: {  	_ =	strace $0x90000060  }
0xc5: {  	_ =	sfence  }
0xc6: {  	s30 =	sld [smem:$0x0];
	_ =	sdelay $0x2  }
0xc7: {  	s31 =	sshll.u32 s1, $0xD;
	s1 =	sshrl.u32 s1, $0x2  }
0xc8: {  	s4 =	sand.u32 $0x4000, s31;
	s1 =	sadd.s32 s1, s30  }
0xc9: {  	s0 =	sor.u32 s4, s0;
	s1 =	sshll.u32 s1, $0x11  }
0xca: {  	s0 =	sor.u32 s1, s0  }
0xcb: {  	s0 =	sadd.s32 $0x8F2B, s0  }
0xcc: {  	[sflag:s0] =	ssyncadd.remote.s32 $0x1  }
0xcd: {  	_ =	sfence.sel $0xFFFF  }
0xce: {  	[dreg:$0x0] =	wrdreg $0xFFFFFFFF;
	(pc) =	sbr.abs _section_cstart, $3  }
0xcf: {  	[dreg:$0x1] =	wrdreg $0xFFFFFFFF  }
0xd0: {  	_ =	task.clear_ibuf [dreg:s22], $0x2FFFF;
	_ =	strace $0x9FFFFFFF  }
0xd1: {  	(tm) =	ssettm $0x7FFFFFFF  }
tec
execute0_lowered:
.L_overlay_start_1:
0x0: {  	(tag) =	ssettag $0x1  }
0x1: {  	s1 =	srdreg.scid  }
0x2: {  	s0 =	stileid.u32;
	s14 =	sand.u32 $0x1, s1  }
0x3: {  	s31 =	sshll.u32 s0, $0x5;
	s2 =	sshll.u32 s14, $0x4  }
0x4: {  	s5 =	rddreg [dreg:$0x0];
	s6 =	sor.u32 s2, s31  }
0x5: {  	s12 =	rddreg [dreg:$0x1];
	s2 =	simm.s32 $0x0;
	s3 =	sshrl.u32 s6, $0x3  }
0x6: {  	s4 =	simm.s32 $0x2;
	[smem:$0x7FF] =	sst s2;
	s3 =	sadd.s32 s3, s12  }
0x7: {  	s1 =	rddreg [dreg:$0x2];
	_ =	strace $0x8000005F;
	s3 =	sadd.s32 $0x3000, s3  }
0x8: {  	[tilespmem:s2], [sflag:$0x2] =	stream.linear.gather [hbm4b:s3+s2], $0x10, $0x38;
	[tilespmem:$0x4080] =	vst v63  }
0x9: {  	_ =	swait.ge [sflag:s4], $0x10  }
0xa: {  	s6 =	sshll.u32 s6, $0x7;
	[sflag:s4] =	ssyncset.done $0x0  }
0xb: {  	s5 =	sadd.s32 s5, s6;
	s6 =	simm.s32 $0x80;
	[sflag:s4] =	ssyncadd.s32 $0xFFFFFFF0  }
0xc: {  	[tilespmem:s6], [sflag:$0x2] =	stream.linear.gather [hbm4b:s5+s2], $0x4000, $0x38;
	[tilespmem:$0x4080] =	vst v63  }
0xd: {  	_ =	swait.ge [sflag:s4], $0x4000  }
0xe: {  	[sflag:s4] =	ssyncset.done $0x0  }
0xf: {  	[sflag:s4] =	ssyncadd.s32 $0xFFFFC000  }
0x10: {  	v0 =	vld [tilespmem:$0x0];
	_ =	sdelay $0x4  }
0x11: {  	v1 =	vshll.u32 v0, $0x3  }
0x12: {  	v2 =	vlaneseq.u32;
	v3 =	vand.u32 $0x7, v0;
	v1 =	vand.u32 $0xFFFFFFC0, v1  }
0x13: {  	v4 =	vshrl.u32 v2, $0x3;
	v0 =	vand.u32 $0x7, v2;
	v3 =	vor.u32 v3, v1  }
0x14: {  	v1 =	vmul.u32 $0x8, v4;
	v63 =	vperm.xlane v3, v0;
	_ =	sdelay $0x1  }
0x15: {  	v4 =	vadd.s32 v1, v63;
	_ =	sdelay $0x3  }
0x16: {  	vm0 =	vmmov $0xffff;
	s7 =	sadd.s32 $0x14200, s12  }
0x17: {  	v2 =	vor.u32 $0x8, v2;
	[hbm4b:s7+s2] =	stream.indirect_vreg.scatter [tilespmem:s6], [sflag:$0x1], $0x80, v4, vm0, $0xb8;
	[tilespmem:$0x4080] =	vst v63  }
0x18: {  	s9 =	simm.s32 $0x880;
	s8 =	sadd.s32 $0x14300, s12;
	v3 =	vperm.xlane v3, v2  }
0x19: {  	[hbm4b:s8+s2] =	stream.indirect_vreg.scatter [tilespmem:s9], [sflag:$0x1], $0x80, v4, vm0, $0xb8;
	[tilespmem:$0x4080] =	vst v63  }
0x1a: {  	s11 =	simm.s32 $0x1080;
	s10 =	sadd.s32 $0x14400, s12;
	s16 =	ssub.s32 $0x2, s14;
	v3 =	vadd.s32 v1, v3  }
0x1b: {  	[hbm4b:s10+s2] =	stream.indirect_vreg.scatter [tilespmem:s11], [sflag:$0x1], $0x80, v4, vm0, $0xb8;
	[tilespmem:$0x4080] =	vst v63  }
0x1c: {  	s13 =	simm.s32 $0x1880;
	s17 =	sshrl.u32 s16, $0x1;
	s12 =	sadd.s32 $0x14500, s12  }
0x1d: {  	[hbm4b:s12+s2] =	stream.indirect_vreg.scatter [tilespmem:s13], [sflag:$0x1], $0x80, v4, vm0, $0xb8;
	[tilespmem:$0x4080] =	vst v63  }
0x1e: {  	s14 =	simm.s32 $0x2080;
	s17 =	ssub.s32 s16, s17  }
0x1f: {  	[hbm4b:s7+s2] =	stream.indirect_vreg.scatter [tilespmem:s14], [sflag:$0x1], $0x80, v3, vm0, $0xb8;
	[tilespmem:$0x4080] =	vst v63  }
0x20: {  	s15 =	simm.s32 $0x2880;
	s19 =	smax.u32 s17, $0x1  }
0x21: {  	[hbm4b:s8+s2] =	stream.indirect_vreg.scatter [tilespmem:s15], [sflag:$0x1], $0x80, v3, vm0, $0xb8;
	[tilespmem:$0x4080] =	vst v63  }
0x22: {  	s16 =	simm.s32 $0x3080;
	p0 =	sne.s32 s19, $0x1  }
0x23: {  	[hbm4b:s10+s2] =	stream.indirect_vreg.scatter [tilespmem:s16], [sflag:$0x1], $0x80, v3, vm0, $0xb8;
	[tilespmem:$0x4080] =	vst v63  }
.Ltmp0:
0x24: {  	_ = 	snop;
	(pc) =	sbr.rel @!p0 .LBB2_2-.Ltmp0, $4  }
0x25: {  	s18 =	simm.s32 $0x3880;
	s17 =	simm.s32 $0x1  }
0x26: {  	[hbm4b:s12+s2] =	stream.indirect_vreg.scatter [tilespmem:s18], [sflag:$0x1], $0x80, v3, vm0, $0xb8;
	[tilespmem:$0x4080] =	vst v63  }
0x27: {  	_ =	swait.ge [sflag:s17], $0x4000  }
0x28: {  	s19 =	sadd.s32 $0xFFFFFFFF, s19;
	[sflag:s17] =	ssyncset.done $0x0  }
.LBB2_1:
0x29: {  	p0 =	sne.s32 s19, $0x1;
	s19 =	sadd.s32 $0xFFFFFFFF, s19;
	[sflag:s17] =	ssyncadd.s32 $0xFFFFC000  }
0x2a: {  	_ = 	snop  }
0x2b: {  	[tilespmem:s2], [sflag:$0x2] =	stream.linear.gather [hbm4b:s3+s2], $0x10, $0x38;
	[tilespmem:$0x4080] =	vst v63  }
0x2c: {  	_ =	swait.ge [sflag:s4], $0x10  }
0x2d: {  	[sflag:s4] =	ssyncset.done $0x0  }
0x2e: {  	[sflag:s4] =	ssyncadd.s32 $0xFFFFFFF0  }
0x2f: {  	[tilespmem:s6], [sflag:$0x2] =	stream.linear.gather [hbm4b:s5+s2], $0x4000, $0x38;
	[tilespmem:$0x4080] =	vst v63  }
0x30: {  	_ =	swait.ge [sflag:s4], $0x4000  }
0x31: {  	[sflag:s4] =	ssyncset.done $0x0  }
0x32: {  	[sflag:s4] =	ssyncadd.s32 $0xFFFFC000  }
0x33: {  	v3 =	vld [tilespmem:$0x0];
	_ =	sdelay $0x4  }
0x34: {  	v4 =	vshll.u32 v3, $0x3  }
0x35: {  	v3 =	vand.u32 $0x7, v3;
	v4 =	vand.u32 $0xFFFFFFC0, v4  }
0x36: {  	v3 =	vor.u32 v3, v4  }
0x37: {  	v4 =	vperm.xlane v3, v0;
	v3 =	vperm.xlane v3, v2;
	_ =	sdelay $0x1  }
0x38: {  	v4 =	vadd.s32 v1, v4;
	_ =	sdelay $0x4  }
0x39: {  	[hbm4b:s7+s2] =	stream.indirect_vreg.scatter [tilespmem:s6], [sflag:$0x1], $0x80, v4, vm0, $0xb8;
	[tilespmem:$0x4080] =	vst v63  }
0x3a: {  	_ = 	snop  }
0x3b: {  	[hbm4b:s8+s2] =	stream.indirect_vreg.scatter [tilespmem:s9], [sflag:$0x1], $0x80, v4, vm0, $0xb8;
	[tilespmem:$0x4080] =	vst v63  }
0x3c: {  	v3 =	vadd.s32 v1, v3  }
0x3d: {  	[hbm4b:s10+s2] =	stream.indirect_vreg.scatter [tilespmem:s11], [sflag:$0x1], $0x80, v4, vm0, $0xb8;
	[tilespmem:$0x4080] =	vst v63  }
0x3e: {  	_ = 	snop  }
0x3f: {  	[hbm4b:s12+s2] =	stream.indirect_vreg.scatter [tilespmem:s13], [sflag:$0x1], $0x80, v4, vm0, $0xb8;
	[tilespmem:$0x4080] =	vst v63  }
0x40: {  	_ = 	snop  }
0x41: {  	[hbm4b:s7+s2] =	stream.indirect_vreg.scatter [tilespmem:s14], [sflag:$0x1], $0x80, v3, vm0, $0xb8;
	[tilespmem:$0x4080] =	vst v63  }
0x42: {  	_ = 	snop  }
0x43: {  	[hbm4b:s8+s2] =	stream.indirect_vreg.scatter [tilespmem:s15], [sflag:$0x1], $0x80, v3, vm0, $0xb8;
	[tilespmem:$0x4080] =	vst v63  }
0x44: {  	_ = 	snop  }
0x45: {  	[hbm4b:s10+s2] =	stream.indirect_vreg.scatter [tilespmem:s16], [sflag:$0x1], $0x80, v3, vm0, $0xb8;
	[tilespmem:$0x4080] =	vst v63  }
.Ltmp1:
0x46: {  	_ = 	snop;
	(pc) =	sbr.rel @p0 .LBB2_1-.Ltmp1, $4  }
0x47: {  	_ = 	snop  }
0x48: {  	[hbm4b:s12+s2] =	stream.indirect_vreg.scatter [tilespmem:s18], [sflag:$0x1], $0x80, v3, vm0, $0xb8;
	[tilespmem:$0x4080] =	vst v63  }
0x49: {  	_ =	swait.ge [sflag:s17], $0x4000  }
0x4a: {  	[sflag:s17] =	ssyncset.done $0x0  }
.LBB2_2:
0x4b: {  	[sflag:s17] =	ssyncadd.s32 $0xFFFFC000  }
0x4c: {  	_ =	sfence.sel $0x180000  }
0x4d: {  	[bflag:$0x0] =	sbarrier.arrive $0xFFFF  }
0x4e: {  	p0 =	sne.s32 s0, $0x0;
	_ =	strace $0x9000005F  }
0x4f: {  	s0 =	sadd.s32 @!p0 $0x100000, s1;
	[bflag:$0x2] =	sbarrier.arrive $0xFFFF  }
0x50: {  	[sflag:s0] =	ssyncadd.tile.s32 @!p0 $0x1;
	_ =	shalt  }
.Lfunc_end2:
_tile_overlayer_lowered:
.L_overlay_start_2:
0x51: {  	(tag) =	ssettag $0x2  }
0x52: {  	s0 =	rddreg [dreg:$0x0];
	s2 =	stileid.u32  }
0x53: {  	s1 =	rddreg [dreg:$0x1];
	p0 =	sne.s32 s2, $0x0  }
0x54: {  	s3 =	rddreg [dreg:$0x2];
	[bflag:$0x3] =	sbarrier.arrive $0xFFFF;
	s2 =	simm.s32 @!p0 $0x1C02  }
0x55: {  	[timem:s3], [sflag:s2] =	dma.local @!p0 [hbm:s0], s1  }
0x56: {  	s0 =	simm.s32 @!p0 $0x2  }
0x57: {  	_ =	swait.ge @!p0 [sflag:s0], s1  }
0x58: {  	s1 =	ssub.s32 @!p0 $0x0, s1;
	[sflag:s0] =	ssyncset.done @!p0 $0x0  }
0x59: {  	[sflag:s0] =	ssyncadd.s32 @!p0 s1  }
0x5a: {  	[bflag:$0x3] =	sbarrier.arrive $0xFFFF  }
0x5b: {  	_ =	shalt  }

// kernel: kernel.41.cloned.1.call-start
scs
__scs_entry_jumppad:
0x0: {  	(pc) =	sbr.rel $0x88, $3  }
0x1: {  	(tag) =	ssettag $0x0;
	lr =	simm.s32 $0x1  }
0x2: {  	[smem:$0x3F9C] =	sst lr;
	_ =	strace $0xD0000000  }
0x3: {  	_ = 	snop  }
0x4: {  	_ = 	snop  }
0x5: {  	_ = 	snop  }
0x6: {  	_ = 	snop  }
0x7: {  	_ = 	snop  }
__scs_overlays_trampoline_lowered:
0x8: {  	[smem:$0x3FAB] =	sst s0  }
0x9: {  	[smem:$0x3FAC] =	sst s1  }
0xa: {  	[smem:$0x3FAD] =	sst s2  }
0xb: {  	[smem:$0x3FAE] =	sst s3  }
0xc: {  	[smem:$0x3FAF] =	sst s4  }
0xd: {  	[smem:$0x3FB0] =	sst s5  }
0xe: {  	[smem:$0x3FB1] =	sst s6  }
0xf: {  	[smem:$0x3FB2] =	sst s7  }
0x10: {  	[smem:$0x3FB3] =	sst s8  }
0x11: {  	[smem:$0x3FB4] =	sst s9;
	s0 =	simm.s32 @!p0 $0x0  }
0x12: {  	s1 =	sld [smem:$0x3F9A];
	s0 =	simm.s32 @p0 $0x1  }
0x13: {  	[smem:$0x3FB5] =	sst s0;
	s0 =	simm.s32 @!p1 $0x0  }
0x14: {  	s2 =	sld [smem:$0x3F99];
	s0 =	simm.s32 @p1 $0x1  }
0x15: {  	[smem:$0x3FB6] =	sst s0;
	s0 =	simm.s32 @!p2 $0x0  }
0x16: {  	s3 =	sld [smem:$0x3FDB];
	s0 =	simm.s32 @p2 $0x1  }
0x17: {  	s4 =	simm.s32 $0x1BF5;
	[smem:$0x3FB8] =	sst s0  }
0x18: {  	s0 =	sld [smem:$0x3F9B];
	_ =	swait.ge [sflag:s4], $0x0  }
0x19: {  	s7 =	sld [smem:$0x3F9C]  }
0x1a: {  	s8 =	sadd.s32 $0xFFFFE003, lr  }
0x1b: {  	s9 =	sadd.s32 $0xFFFFFEF7, lr;
	s5 =	simm.s32 $0xFFFFFFFF;
	p2 =	slt.u32 s8, $0xFFFFF086  }
0x1c: {  	p1 =	slt.u32 s9, $0xF7A;
	s5 =	simm.s32 @!p2 $0x0  }
0x1d: {  	s5 =	simm.s32 @p1 $0x1;
	p0 =	seq.s32 s7, s2  }
0x1e: {  	s7 =	smul.u32 @!p0 $0xF7A, s2;
	p2 =	seq.s32 @!p0 s5, $0x0  }
0x1f: {  	s9 =	smul.u32 $0xF7A, s1;
	s8 =	simm.s32 @!p0 $0x1BF5;
	p2 =	por !p2, p0  }
0x20: {  	[sflag:s8] =	ssyncset.s32 @!p0 $0xFFFFF086;
	s6 =	sadd.s32 @!p0 s3, s7;
	s7 =	simm.s32 @!p0 $0x108  }
0x21: {  	s3 =	sadd.s32 s3, s9;
	s6 =	sadd.s32 @!p0 $0x88, s6;
	s7 =	simm.s32 @p2 $0x1082  }
0x22: {  	[simem:s7], [sflag:s8] =	dma.local @!p0 [hbm:s6], $0xF7A  }
0x23: {  	s9 =	sor.u32 $0xD0000000, s2;
	s6 =	simm.s32 $0x108;
	_ =	swait.ge @!p0 [sflag:s8], $0x0  }
0x24: {  	s3 =	sadd.s32 $0x88, s3;
	s6 =	simm.s32 @!p1 $0x1082;
	[sflag:s4] =	ssyncset.s32 $0xFFFFF086  }
0x25: {  	[simem:s6], [sflag:s4] =	dma.local [hbm:s3], $0xF7A  }
0x26: {  	[smem:$0x3F9C] =	sst s1;
	(tag) =	ssettag s2;
	_ =	strace s9  }
0x27: {  	s1 =	sld [smem:$0x3FAC]  }
0x28: {  	s2 =	sld [smem:$0x3FAD]  }
0x29: {  	s4 =	sld [smem:$0x3FAF]  }
0x2a: {  	p0 =	seq.s32 s5, $0x0;
	s5 =	sld [smem:$0x3FB0]  }
0x2b: {  	s6 =	sld [smem:$0x3FB1]  }
0x2c: {  	s7 =	sld [smem:$0x3FB2]  }
0x2d: {  	s3 =	simm.s32 $0x108;
	s8 =	sld [smem:$0x3FB3]  }
0x2e: {  	s3 =	simm.s32 @!p0 $0x1082;
	s9 =	sld [smem:$0x3FB4]  }
0x2f: {  	lr =	sadd.s32 s0, s3;
	s0 =	sld [smem:$0x3FAB]  }
0x30: {  	s3 =	sld [smem:$0x3FAE]  }
0x31: {  	[smem:$0x3FB7] =	sst s10  }
0x32: {  	s10 =	sld [smem:$0x3FB5];
	_ =	sdelay $0x3  }
0x33: {  	p0 =	seq.s32 s10, $0x1;
	s10 =	sld [smem:$0x3FB7];
	_ =	sdelay $0x3  }
0x34: {  	[smem:$0x3FB7] =	sst s10  }
0x35: {  	s10 =	sld [smem:$0x3FB6];
	_ =	sdelay $0x3  }
0x36: {  	p1 =	seq.s32 s10, $0x1;
	s10 =	sld [smem:$0x3FB7];
	_ =	sdelay $0x3  }
0x37: {  	[smem:$0x3FB7] =	sst s10  }
0x38: {  	s10 =	sld [smem:$0x3FB8]  }
0x39: {  	_ = 	snop;
	(pc) =	sbr.ind lr, $3  }
0x3a: {  	_ = 	snop  }
0x3b: {  	_ = 	snop  }
0x3c: {  	p2 =	seq.s32 s10, $0x1;
	s10 =	sld [smem:$0x3FB7]  }
0x3d: {  	_ =	shalt  }
0x3e: {  	_ =	shalt  }
0x3f: {  	_ =	shalt  }
0x40: {  	_ =	shalt  }
0x41: {  	_ =	shalt  }
0x42: {  	_ =	shalt  }
0x43: {  	_ =	shalt  }
0x44: {  	_ =	shalt  }
0x45: {  	_ =	shalt  }
0x46: {  	_ =	shalt  }
0x47: {  	_ =	shalt  }
0x48: {  	_ =	shalt  }
0x49: {  	_ =	shalt  }
0x4a: {  	_ =	shalt  }
0x4b: {  	_ =	shalt  }
0x4c: {  	_ =	shalt  }
0x4d: {  	_ =	shalt  }
0x4e: {  	_ =	shalt  }
0x4f: {  	_ =	shalt  }
0x50: {  	_ =	shalt  }
0x51: {  	_ =	shalt  }
0x52: {  	_ =	shalt  }
0x53: {  	_ =	shalt  }
0x54: {  	_ =	shalt  }
0x55: {  	_ =	shalt  }
0x56: {  	_ =	shalt  }
0x57: {  	_ =	shalt  }
0x58: {  	_ =	shalt  }
0x59: {  	_ =	shalt  }
0x5a: {  	_ =	shalt  }
0x5b: {  	_ =	shalt  }
0x5c: {  	_ =	shalt  }
0x5d: {  	_ =	shalt  }
0x5e: {  	_ =	shalt  }
0x5f: {  	_ =	shalt  }
0x60: {  	_ =	shalt  }
0x61: {  	_ =	shalt  }
0x62: {  	_ =	shalt  }
0x63: {  	_ =	shalt  }
0x64: {  	_ =	shalt  }
0x65: {  	_ =	shalt  }
0x66: {  	_ =	shalt  }
0x67: {  	_ =	shalt  }
0x68: {  	_ =	shalt  }
0x69: {  	_ =	shalt  }
0x6a: {  	_ =	shalt  }
0x6b: {  	_ =	shalt  }
0x6c: {  	_ =	shalt  }
0x6d: {  	_ =	shalt  }
0x6e: {  	_ =	shalt  }
0x6f: {  	_ =	shalt  }
0x70: {  	_ =	shalt  }
0x71: {  	_ =	shalt  }
0x72: {  	_ =	shalt  }
0x73: {  	_ =	shalt  }
0x74: {  	_ =	shalt  }
0x75: {  	_ =	shalt  }
0x76: {  	_ =	shalt  }
0x77: {  	_ =	shalt  }
0x78: {  	_ =	shalt  }
0x79: {  	_ =	shalt  }
0x7a: {  	_ =	shalt  }
0x7b: {  	_ =	shalt  }
0x7c: {  	_ =	shalt  }
0x7d: {  	_ =	shalt  }
0x7e: {  	_ =	shalt  }
0x7f: {  	_ =	shalt  }
0x80: {  	_ =	shalt  }
0x81: {  	_ =	shalt  }
0x82: {  	_ =	shalt  }
0x83: {  	_ =	shalt  }
0x84: {  	_ =	shalt  }
0x85: {  	_ =	shalt  }
0x86: {  	_ =	shalt  }
0x87: {  	_ =	shalt  }
.Lfunc_end0:
.L_simem_size_0:
called_computation.8_lowered:
.L_overlay_start_0:
0x88: {  	s2 =	sld [smem:$0x3FD9]  }
0x89: {  	s3 =	sld [smem:$0x3FFE];
	_ =	sdelay $0x1  }
0x8a: {  	s1 =	srdreg.scid  }
0x8b: {  	s0 =	sand.u32 $0x1, s1  }
0x8c: {  	s17 =	sshll.u32 s0, $0xA;
	s2 =	sadd.s32 s3, s2  }
0x8d: {  	s2 =	sadd.s32 s2, s17  }
0x8e: {  	[smem:$0x3FC3] =	sst s2  }
0x8f: {  	_ = 	snop  }
0x90: {  	s18 =	sld [smem:$0x3FC9];
	(tm) =	ssettm $0x1  }
0x91: {  	s19 =	sld [smem:$0x3FFB];
	_ =	sdelay $0x3  }
0x92: {  	_ =	strace s19  }
0x93: {  	s2 =	sld [smem:$0x3FFC];
	_ =	sdelay $0x3  }
0x94: {  	_ =	strace s2  }
0x95: {  	s2 =	sld [smem:$0x3FFD];
	_ =	sdelay $0x3  }
0x96: {  	_ =	strace s2  }
0x97: {  	_ =	strace $0x8FFFFFFF  }
0x98: {  	s20 =	sld [smem:$0x3FDB];
	_ =	sdelay $0x1  }
0x99: {  	s4 =	simm.s32 $_scs_section_size  }
0x9a: {  	s5 =	simm.s32 $_size__tile_overlayer_lowered;
	s6 =	simm.s32 $_tile_overlayer_lowered  }
0x9b: {  	s7 =	simm.s32 $0x1BFF;
	s21 =	sshll.u32 s6, $0x1;
	s4 =	sadd.s32 s4, s20  }
0x9c: {  	s22 =	simm.s32 $0x0;
	s5 =	sshll.u32 s5, $0x1;
	s6 =	sadd.s32 s21, s4  }
0x9d: {  	[timem:s22], [sflag:s7] =	dma.local [hbm:s6], s5  }
0x9e: {  	_ =	swait.ge [sflag:s7], s5  }
0x9f: {  	s5 =	ssub.s32 $0x0, s5;
	[sflag:s7] =	ssyncset.done $0x0  }
0xa0: {  	[sflag:s7] =	ssyncadd.s32 s5;
	_ =	sdelay $0x1  }
0xa1: {  	s23 =	simm.s32 $0x1B8B  }
0xa2: {  	_ =	swait.ge [sflag:s23], $0x1  }
0xa3: {  	[sflag:s23] =	ssyncset.done $0x0  }
0xa4: {  	[sflag:s23] =	ssyncadd.s32 $0xFFFFFFFF  }
0xa5: {  	s5 =	sld [smem:$0x0]  }
0xa6: {  	s6 =	sand.u32 $0xFFFFFFFE, s1  }
0xa7: {  	p0 =	sne.s32 s1, s6  }
0xa8: {  	s6 =	sshll.u32 @p0 s6, $0xE  }
0xa9: {  	s6 =	sadd.s32 @p0 $0x11B8D, s6;
	s7 =	sshll.u32 @p0 s5, $0x11  }
0xaa: {  	s6 =	sor.u32 @p0 s7, s6  }
0xab: {  	[sflag:s6] =	ssyncadd.remote.s32 @p0 $0x1;
	_ =	sdelay $0x1  }
0xac: {  	s6 =	simm.s32 @p0 $0x1B8D  }
0xad: {  	_ =	swait.eq @p0 [sflag:s6], $0x1  }
0xae: {  	[sflag:s6] =	ssyncadd.s32 @p0 $0xFFFFFFFF  }
0xaf: {  	s7 =	sshll.u32 @!p0 s1, $0xE  }
0xb0: {  	s7 =	sor.u32 @!p0 $0x4000, s7;
	s6 =	simm.s32 @!p0 $0x1B8D  }
0xb1: {  	s5 =	sshll.u32 @!p0 s5, $0x11;
	s7 =	sadd.s32 @!p0 $0x11B8D, s7;
	_ =	swait.eq @!p0 [sflag:s6], $0x1  }
0xb2: {  	s5 =	sor.u32 @!p0 s5, s7;
	[sflag:s6] =	ssyncadd.s32 @!p0 $0xFFFFFFFF  }
0xb3: {  	s25 =	simm.s32 $0x1B8E;
	s24 =	sld [smem:$0x3FFE];
	[sflag:s5] =	ssyncadd.remote.s32 @!p0 $0x1  }
0xb4: {  	s26 =	simm.s32 $execute0_lowered;
	[smem:$0x3FD2] =	sst s25  }
0xb5: {  	s6 =	sshll.u32 s26, $0x1;
	_ =	strace $0x8000005B;
	[dreg:$0x1] =	wrdreg $0xFFFFFFFF  }
0xb6: {  	s28 =	simm.s32 $_size_execute0_lowered;
	s4 =	sadd.s32 s4, s6;
	[dreg:$0x0] =	wrdreg $0x0  }
0xb7: {  	s6 =	sshll.u32 s28, $0x1;
	[dreg:$0x2] =	wrdreg s4  }
0xb8: {  	[dreg:$0x3] =	wrdreg s6  }
0xb9: {  	[dreg:$0x4] =	wrdreg $0xC0  }
0xba: {  	_ =	task [dreg:s22], $0x5FFFF  }
0xbb: {  	[dreg:$0x1] =	wrdreg $0xFFFFFFFF  }
0xbc: {  	[dreg:$0x0] =	wrdreg $0x60  }
0xbd: {  	[dreg:$0x2] =	wrdreg s18  }
0xbe: {  	[dreg:$0x3] =	wrdreg s24  }
0xbf: {  	[dreg:$0x4] =	wrdreg $0x9  }
0xc0: {  	_ =	task.clear_ibuf [dreg:s22], $0x5FFFF;
	_ =	strace $0x9000005B  }
0xc1: {  	s29 =	simm.s32 $0x9;
	_ =	strace $0x8000005D  }
0xc2: {  	_ =	swait.ge [sflag:s29], $0x1  }
0xc3: {  	[sflag:s29] =	ssyncadd.s32 $0xFFFFFFFF  }
0xc4: {  	_ =	strace $0x9000005D  }
0xc5: {  	_ =	sfence  }
0xc6: {  	s30 =	sld [smem:$0x0];
	_ =	sdelay $0x2  }
0xc7: {  	s31 =	sshll.u32 s1, $0xD;
	s1 =	sshrl.u32 s1, $0x2  }
0xc8: {  	s4 =	sand.u32 $0x4000, s31;
	s1 =	sadd.s32 s1, s30  }
0xc9: {  	s0 =	sor.u32 s4, s0;
	s1 =	sshll.u32 s1, $0x11  }
0xca: {  	s0 =	sor.u32 s1, s0  }
0xcb: {  	s0 =	sadd.s32 $0x8F2B, s0  }
0xcc: {  	[sflag:s0] =	ssyncadd.remote.s32 $0x1  }
0xcd: {  	_ =	sfence.sel $0xFFFF  }
0xce: {  	[dreg:$0x0] =	wrdreg $0xFFFFFFFF;
	(pc) =	sbr.abs _section_cstart, $3  }
0xcf: {  	[dreg:$0x1] =	wrdreg $0xFFFFFFFF  }
0xd0: {  	_ =	task.clear_ibuf [dreg:s22], $0x2FFFF;
	_ =	strace $0x9FFFFFFF  }
0xd1: {  	(tm) =	ssettm $0x7FFFFFFF  }
tec
execute0_lowered:
.L_overlay_start_1:
0x0: {  	(tag) =	ssettag $0x1  }
0x1: {  	s1 =	srdreg.scid  }
0x2: {  	s0 =	stileid.u32;
	s9 =	sand.u32 $0x1, s1  }
0x3: {  	s2 =	rddreg [dreg:$0x0];
	s30 =	sshll.u32 s0, $0x4;
	s3 =	sshll.u32 s9, $0x3  }
0x4: {  	s14 =	rddreg [dreg:$0x1];
	s15 =	sor.u32 s3, s30  }
0x5: {  	s1 =	rddreg [dreg:$0x2];
	s3 =	simm.s32 $0x0;
	s4 =	sshrl.u32 s15, $0x3  }
0x6: {  	[smem:$0x7FF] =	sst s3;
	s4 =	sadd.s32 s4, s14  }
0x7: {  	_ =	strace $0x8000005C;
	s5 =	sadd.s32 $0x3200, s4;
	s4 =	simm.s32 $0x2  }
0x8: {  	[tilespmem:s3], [sflag:$0x2] =	stream.linear.gather [hbm4b:s5+s3], $0x8, $0x38;
	[tilespmem:$0x2080] =	vst v63  }
0x9: {  	_ =	swait.ge [sflag:s4], $0x8  }
0xa: {  	[sflag:s4] =	ssyncset.done $0x0  }
0xb: {  	[sflag:s4] =	ssyncadd.s32 $0xFFFFFFF8  }
0xc: {  	v0 =	vld.msk [tilespmem:$0x0], $0xff;
	_ =	sdelay $0x4  }
0xd: {  	v1 =	vshll.u32 v0, $0x3  }
0xe: {  	v2 =	vlaneseq.u32;
	v3 =	vand.u32 $0x7, v0;
	v1 =	vand.u32 $0xFFFFFFC0, v1  }
0xf: {  	v0 =	vand.u32 $0x7, v2;
	v2 =	vshrl.u32 v2, $0x3;
	v3 =	vor.u32 v3, v1  }
0x10: {  	v1 =	vmul.u32 $0x8, v2;
	v2 =	vperm.xlane v3, v0;
	_ =	sdelay $0x1  }
0x11: {  	v2 =	vadd.s32 v1, v2;
	_ =	sdelay $0x2  }
0x12: {  	s6 =	simm.s32 $0x80;
	s8 =	simm.s32 $0x880  }
0x13: {  	vm0 =	vmmov $0xffff;
	s10 =	simm.s32 $0x1080;
	s12 =	simm.s32 $0x1880;
	s16 =	ssub.s32 $0x2, s9  }
0x14: {  	[tilespmem:s6], [sflag:$0x1] =	stream.indirect_vreg.gather [hbm4b:s2+s3], $0x80, v2, vm0, $0xb8;
	[tilespmem:$0x2080] =	vst v63  }
0x15: {  	s13 =	simm.s32 $0x1;
	s7 =	sadd.s32 $0x100, s2;
	s17 =	sshrl.u32 s16, $0x1  }
0x16: {  	[tilespmem:s8], [sflag:$0x1] =	stream.indirect_vreg.gather [hbm4b:s7+s3], $0x80, v2, vm0, $0xb8;
	[tilespmem:$0x2080] =	vst v63  }
0x17: {  	s9 =	sadd.s32 $0x200, s2;
	s15 =	sshll.u32 s15, $0x7;
	s31 =	ssub.s32 s16, s17  }
0x18: {  	[tilespmem:s10], [sflag:$0x1] =	stream.indirect_vreg.gather [hbm4b:s9+s3], $0x80, v2, vm0, $0xb8;
	[tilespmem:$0x2080] =	vst v63  }
0x19: {  	s11 =	sadd.s32 $0x300, s2;
	s14 =	sadd.s32 s15, s14;
	s15 =	smax.u32 s31, $0x1  }
0x1a: {  	[tilespmem:s12], [sflag:$0x1] =	stream.indirect_vreg.gather [hbm4b:s11+s3], $0x80, v2, vm0, $0xb8;
	[tilespmem:$0x2080] =	vst v63  }
0x1b: {  	p0 =	sne.s32 s15, $0x1;
	_ =	swait.ge [sflag:s13], $0x2000  }
.Ltmp0:
0x1c: {  	[sflag:s13] =	ssyncset.done $0x0;
	(pc) =	sbr.rel @!p0 .LBB2_2-.Ltmp0, $4  }
0x1d: {  	s14 =	sadd.s32 $0x7D000, s14;
	[sflag:s13] =	ssyncadd.s32 $0xFFFFE000  }
0x1e: {  	[hbm4b:s14+s3] =	stream.linear.scatter [tilespmem:s6], [sflag:$0x2], $0x2000, $0x38;
	[tilespmem:$0x2080] =	vst v63  }
0x1f: {  	_ =	swait.ge [sflag:s4], $0x2000  }
0x20: {  	s15 =	sadd.s32 $0xFFFFFFFF, s15;
	[sflag:s4] =	ssyncset.done $0x0  }
.LBB2_1:
0x21: {  	p0 =	sne.s32 s15, $0x1;
	s15 =	sadd.s32 $0xFFFFFFFF, s15;
	[sflag:s4] =	ssyncadd.s32 $0xFFFFE000  }
0x22: {  	[tilespmem:s3], [sflag:$0x2] =	stream.linear.gather [hbm4b:s5+s3], $0x8, $0x38;
	[tilespmem:$0x2080] =	vst v63  }
0x23: {  	_ =	swait.ge [sflag:s4], $0x8  }
0x24: {  	[sflag:s4] =	ssyncset.done $0x0  }
0x25: {  	[sflag:s4] =	ssyncadd.s32 $0xFFFFFFF8  }
0x26: {  	v2 =	vld.msk [tilespmem:$0x0], $0xff;
	_ =	sdelay $0x4  }
0x27: {  	v3 =	vshll.u32 v2, $0x3  }
0x28: {  	v2 =	vand.u32 $0x7, v2;
	v3 =	vand.u32 $0xFFFFFFC0, v3  }
0x29: {  	v2 =	vor.u32 v2, v3  }
0x2a: {  	v2 =	vperm.xlane v2, v0;
	_ =	sdelay $0x1  }
0x2b: {  	v2 =	vadd.s32 v1, v2;
	_ =	sdelay $0x4  }
0x2c: {  	[tilespmem:s6], [sflag:$0x1] =	stream.indirect_vreg.gather [hbm4b:s2+s3], $0x80, v2, vm0, $0xb8;
	[tilespmem:$0x2080] =	vst v63  }
0x2d: {  	_ = 	snop  }
0x2e: {  	[tilespmem:s8], [sflag:$0x1] =	stream.indirect_vreg.gather [hbm4b:s7+s3], $0x80, v2, vm0, $0xb8;
	[tilespmem:$0x2080] =	vst v63  }
0x2f: {  	_ = 	snop  }
0x30: {  	[tilespmem:s10], [sflag:$0x1] =	stream.indirect_vreg.gather [hbm4b:s9+s3], $0x80, v2, vm0, $0xb8;
	[tilespmem:$0x2080] =	vst v63  }
0x31: {  	_ = 	snop  }
0x32: {  	[tilespmem:s12], [sflag:$0x1] =	stream.indirect_vreg.gather [hbm4b:s11+s3], $0x80, v2, vm0, $0xb8;
	[tilespmem:$0x2080] =	vst v63  }
0x33: {  	_ =	swait.ge [sflag:s13], $0x2000  }
.Ltmp1:
0x34: {  	[sflag:s13] =	ssyncset.done $0x0;
	(pc) =	sbr.rel @p0 .LBB2_1-.Ltmp1, $4  }
0x35: {  	[sflag:s13] =	ssyncadd.s32 $0xFFFFE000  }
0x36: {  	[hbm4b:s14+s3] =	stream.linear.scatter [tilespmem:s6], [sflag:$0x2], $0x2000, $0x38;
	[tilespmem:$0x2080] =	vst v63  }
0x37: {  	_ =	swait.ge [sflag:s4], $0x2000  }
0x38: {  	[sflag:s4] =	ssyncset.done $0x0  }
.LBB2_2:
0x39: {  	[sflag:s4] =	ssyncadd.s32 $0xFFFFE000  }
0x3a: {  	_ =	sfence.sel $0x180000  }
0x3b: {  	[bflag:$0x0] =	sbarrier.arrive $0xFFFF  }
0x3c: {  	p0 =	sne.s32 s0, $0x0;
	_ =	strace $0x9000005C  }
0x3d: {  	s0 =	sadd.s32 @!p0 $0x100000, s1;
	[bflag:$0x2] =	sbarrier.arrive $0xFFFF  }
0x3e: {  	[sflag:s0] =	ssyncadd.tile.s32 @!p0 $0x1;
	_ =	shalt  }
.Lfunc_end2:
_tile_overlayer_lowered:
.L_overlay_start_2:
0x3f: {  	(tag) =	ssettag $0x2  }
0x40: {  	s0 =	rddreg [dreg:$0x0];
	s2 =	stileid.u32  }
0x41: {  	s1 =	rddreg [dreg:$0x1];
	p0 =	sne.s32 s2, $0x0  }
0x42: {  	s3 =	rddreg [dreg:$0x2];
	[bflag:$0x3] =	sbarrier.arrive $0xFFFF;
	s2 =	simm.s32 @!p0 $0x1C02  }
0x43: {  	[timem:s3], [sflag:s2] =	dma.local @!p0 [hbm:s0], s1  }
0x44: {  	s0 =	simm.s32 @!p0 $0x2  }
0x45: {  	_ =	swait.ge @!p0 [sflag:s0], s1  }
0x46: {  	s1 =	ssub.s32 @!p0 $0x0, s1;
	[sflag:s0] =	ssyncset.done @!p0 $0x0  }
0x47: {  	[sflag:s0] =	ssyncadd.s32 @!p0 s1  }
0x48: {  	[bflag:$0x3] =	sbarrier.arrive $0xFFFF  }
0x49: {  	_ =	shalt  }

// kernel: kernel.44.cloned.1.call-start
scs
__scs_entry_jumppad:
0x0: {  	(pc) =	sbr.rel $0x88, $3  }
0x1: {  	(tag) =	ssettag $0x0;
	lr =	simm.s32 $0x1  }
0x2: {  	[smem:$0x3F9C] =	sst lr;
	_ =	strace $0xD0000000  }
0x3: {  	_ = 	snop  }
0x4: {  	_ = 	snop  }
0x5: {  	_ = 	snop  }
0x6: {  	_ = 	snop  }
0x7: {  	_ = 	snop  }
__scs_overlays_trampoline_lowered:
0x8: {  	[smem:$0x3FAB] =	sst s0  }
0x9: {  	[smem:$0x3FAC] =	sst s1  }
0xa: {  	[smem:$0x3FAD] =	sst s2  }
0xb: {  	[smem:$0x3FAE] =	sst s3  }
0xc: {  	[smem:$0x3FAF] =	sst s4  }
0xd: {  	[smem:$0x3FB0] =	sst s5  }
0xe: {  	[smem:$0x3FB1] =	sst s6  }
0xf: {  	[smem:$0x3FB2] =	sst s7  }
0x10: {  	[smem:$0x3FB3] =	sst s8  }
0x11: {  	[smem:$0x3FB4] =	sst s9;
	s0 =	simm.s32 @!p0 $0x0  }
0x12: {  	s1 =	sld [smem:$0x3F9A];
	s0 =	simm.s32 @p0 $0x1  }
0x13: {  	[smem:$0x3FB5] =	sst s0;
	s0 =	simm.s32 @!p1 $0x0  }
0x14: {  	s2 =	sld [smem:$0x3F99];
	s0 =	simm.s32 @p1 $0x1  }
0x15: {  	[smem:$0x3FB6] =	sst s0;
	s0 =	simm.s32 @!p2 $0x0  }
0x16: {  	s3 =	sld [smem:$0x3FDB];
	s0 =	simm.s32 @p2 $0x1  }
0x17: {  	s4 =	simm.s32 $0x1BF5;
	[smem:$0x3FB8] =	sst s0  }
0x18: {  	s0 =	sld [smem:$0x3F9B];
	_ =	swait.ge [sflag:s4], $0x0  }
0x19: {  	s7 =	sld [smem:$0x3F9C]  }
0x1a: {  	s8 =	sadd.s32 $0xFFFFE003, lr  }
0x1b: {  	s9 =	sadd.s32 $0xFFFFFEF7, lr;
	s5 =	simm.s32 $0xFFFFFFFF;
	p2 =	slt.u32 s8, $0xFFFFF086  }
0x1c: {  	p1 =	slt.u32 s9, $0xF7A;
	s5 =	simm.s32 @!p2 $0x0  }
0x1d: {  	s5 =	simm.s32 @p1 $0x1;
	p0 =	seq.s32 s7, s2  }
0x1e: {  	s7 =	smul.u32 @!p0 $0xF7A, s2;
	p2 =	seq.s32 @!p0 s5, $0x0  }
0x1f: {  	s9 =	smul.u32 $0xF7A, s1;
	s8 =	simm.s32 @!p0 $0x1BF5;
	p2 =	por !p2, p0  }
0x20: {  	[sflag:s8] =	ssyncset.s32 @!p0 $0xFFFFF086;
	s6 =	sadd.s32 @!p0 s3, s7;
	s7 =	simm.s32 @!p0 $0x108  }
0x21: {  	s3 =	sadd.s32 s3, s9;
	s6 =	sadd.s32 @!p0 $0x88, s6;
	s7 =	simm.s32 @p2 $0x1082  }
0x22: {  	[simem:s7], [sflag:s8] =	dma.local @!p0 [hbm:s6], $0xF7A  }
0x23: {  	s9 =	sor.u32 $0xD0000000, s2;
	s6 =	simm.s32 $0x108;
	_ =	swait.ge @!p0 [sflag:s8], $0x0  }
0x24: {  	s3 =	sadd.s32 $0x88, s3;
	s6 =	simm.s32 @!p1 $0x1082;
	[sflag:s4] =	ssyncset.s32 $0xFFFFF086  }
0x25: {  	[simem:s6], [sflag:s4] =	dma.local [hbm:s3], $0xF7A  }
0x26: {  	[smem:$0x3F9C] =	sst s1;
	(tag) =	ssettag s2;
	_ =	strace s9  }
0x27: {  	s1 =	sld [smem:$0x3FAC]  }
0x28: {  	s2 =	sld [smem:$0x3FAD]  }
0x29: {  	s4 =	sld [smem:$0x3FAF]  }
0x2a: {  	p0 =	seq.s32 s5, $0x0;
	s5 =	sld [smem:$0x3FB0]  }
0x2b: {  	s6 =	sld [smem:$0x3FB1]  }
0x2c: {  	s7 =	sld [smem:$0x3FB2]  }
0x2d: {  	s3 =	simm.s32 $0x108;
	s8 =	sld [smem:$0x3FB3]  }
0x2e: {  	s3 =	simm.s32 @!p0 $0x1082;
	s9 =	sld [smem:$0x3FB4]  }
0x2f: {  	lr =	sadd.s32 s0, s3;
	s0 =	sld [smem:$0x3FAB]  }
0x30: {  	s3 =	sld [smem:$0x3FAE]  }
0x31: {  	[smem:$0x3FB7] =	sst s10  }
0x32: {  	s10 =	sld [smem:$0x3FB5];
	_ =	sdelay $0x3  }
0x33: {  	p0 =	seq.s32 s10, $0x1;
	s10 =	sld [smem:$0x3FB7];
	_ =	sdelay $0x3  }
0x34: {  	[smem:$0x3FB7] =	sst s10  }
0x35: {  	s10 =	sld [smem:$0x3FB6];
	_ =	sdelay $0x3  }
0x36: {  	p1 =	seq.s32 s10, $0x1;
	s10 =	sld [smem:$0x3FB7];
	_ =	sdelay $0x3  }
0x37: {  	[smem:$0x3FB7] =	sst s10  }
0x38: {  	s10 =	sld [smem:$0x3FB8]  }
0x39: {  	_ = 	snop;
	(pc) =	sbr.ind lr, $3  }
0x3a: {  	_ = 	snop  }
0x3b: {  	_ = 	snop  }
0x3c: {  	p2 =	seq.s32 s10, $0x1;
	s10 =	sld [smem:$0x3FB7]  }
0x3d: {  	_ =	shalt  }
0x3e: {  	_ =	shalt  }
0x3f: {  	_ =	shalt  }
0x40: {  	_ =	shalt  }
0x41: {  	_ =	shalt  }
0x42: {  	_ =	shalt  }
0x43: {  	_ =	shalt  }
0x44: {  	_ =	shalt  }
0x45: {  	_ =	shalt  }
0x46: {  	_ =	shalt  }
0x47: {  	_ =	shalt  }
0x48: {  	_ =	shalt  }
0x49: {  	_ =	shalt  }
0x4a: {  	_ =	shalt  }
0x4b: {  	_ =	shalt  }
0x4c: {  	_ =	shalt  }
0x4d: {  	_ =	shalt  }
0x4e: {  	_ =	shalt  }
0x4f: {  	_ =	shalt  }
0x50: {  	_ =	shalt  }
0x51: {  	_ =	shalt  }
0x52: {  	_ =	shalt  }
0x53: {  	_ =	shalt  }
0x54: {  	_ =	shalt  }
0x55: {  	_ =	shalt  }
0x56: {  	_ =	shalt  }
0x57: {  	_ =	shalt  }
0x58: {  	_ =	shalt  }
0x59: {  	_ =	shalt  }
0x5a: {  	_ =	shalt  }
0x5b: {  	_ =	shalt  }
0x5c: {  	_ =	shalt  }
0x5d: {  	_ =	shalt  }
0x5e: {  	_ =	shalt  }
0x5f: {  	_ =	shalt  }
0x60: {  	_ =	shalt  }
0x61: {  	_ =	shalt  }
0x62: {  	_ =	shalt  }
0x63: {  	_ =	shalt  }
0x64: {  	_ =	shalt  }
0x65: {  	_ =	shalt  }
0x66: {  	_ =	shalt  }
0x67: {  	_ =	shalt  }
0x68: {  	_ =	shalt  }
0x69: {  	_ =	shalt  }
0x6a: {  	_ =	shalt  }
0x6b: {  	_ =	shalt  }
0x6c: {  	_ =	shalt  }
0x6d: {  	_ =	shalt  }
0x6e: {  	_ =	shalt  }
0x6f: {  	_ =	shalt  }
0x70: {  	_ =	shalt  }
0x71: {  	_ =	shalt  }
0x72: {  	_ =	shalt  }
0x73: {  	_ =	shalt  }
0x74: {  	_ =	shalt  }
0x75: {  	_ =	shalt  }
0x76: {  	_ =	shalt  }
0x77: {  	_ =	shalt  }
0x78: {  	_ =	shalt  }
0x79: {  	_ =	shalt  }
0x7a: {  	_ =	shalt  }
0x7b: {  	_ =	shalt  }
0x7c: {  	_ =	shalt  }
0x7d: {  	_ =	shalt  }
0x7e: {  	_ =	shalt  }
0x7f: {  	_ =	shalt  }
0x80: {  	_ =	shalt  }
0x81: {  	_ =	shalt  }
0x82: {  	_ =	shalt  }
0x83: {  	_ =	shalt  }
0x84: {  	_ =	shalt  }
0x85: {  	_ =	shalt  }
0x86: {  	_ =	shalt  }
0x87: {  	_ =	shalt  }
.Lfunc_end0:
.L_simem_size_0:
called_computation.9_lowered:
.L_overlay_start_0:
0x88: {  	s2 =	sld [smem:$0x3FD9]  }
0x89: {  	s3 =	sld [smem:$0x3FFE];
	_ =	sdelay $0x1  }
0x8a: {  	s1 =	srdreg.scid  }
0x8b: {  	s0 =	sand.u32 $0x1, s1  }
0x8c: {  	s16 =	sshll.u32 s0, $0xA;
	s2 =	sadd.s32 s3, s2  }
0x8d: {  	s2 =	sadd.s32 s2, s16  }
0x8e: {  	[smem:$0x3FC3] =	sst s2  }
0x8f: {  	_ = 	snop  }
0x90: {  	(tm) =	ssettm $0x1  }
0x91: {  	s17 =	sld [smem:$0x3FFB];
	_ =	sdelay $0x3  }
0x92: {  	_ =	strace s17  }
0x93: {  	s2 =	sld [smem:$0x3FFC];
	_ =	sdelay $0x3  }
0x94: {  	_ =	strace s2  }
0x95: {  	s2 =	sld [smem:$0x3FFD];
	_ =	sdelay $0x3  }
0x96: {  	_ =	strace s2  }
0x97: {  	_ =	strace $0x8FFFFFFF  }
0x98: {  	s18 =	sld [smem:$0x3FDB];
	_ =	sdelay $0x1  }
0x99: {  	s19 =	simm.s32 $_scs_section_size  }
0x9a: {  	s4 =	simm.s32 $_size__tile_overlayer_lowered;
	s5 =	simm.s32 $_tile_overlayer_lowered  }
0x9b: {  	s22 =	simm.s32 $0x1BFF;
	s21 =	sshll.u32 s5, $0x1;
	s2 =	sadd.s32 s19, s18  }
0x9c: {  	s6 =	simm.s32 $0x0;
	s20 =	sshll.u32 s4, $0x1;
	s4 =	sadd.s32 s21, s2  }
0x9d: {  	[timem:s6], [sflag:s22] =	dma.local [hbm:s4], s20  }
0x9e: {  	_ =	swait.ge [sflag:s22], s20  }
0x9f: {  	s3 =	ssub.s32 $0x0, s20;
	[sflag:s22] =	ssyncset.done $0x0  }
0xa0: {  	[sflag:s22] =	ssyncadd.s32 s3;
	_ =	sdelay $0x1  }
0xa1: {  	s23 =	simm.s32 $0x1B8B  }
0xa2: {  	_ =	swait.ge [sflag:s23], $0x1  }
0xa3: {  	[sflag:s23] =	ssyncset.done $0x0  }
0xa4: {  	s25 =	simm.s32 $0x1B8E;
	s24 =	sld [smem:$0x3FFE];
	[sflag:s23] =	ssyncadd.s32 $0xFFFFFFFF  }
0xa5: {  	s26 =	simm.s32 $execute0_lowered;
	[smem:$0x3FD2] =	sst s25  }
0xa6: {  	s4 =	sshll.u32 s26, $0x1;
	_ =	strace $0x80000061;
	[dreg:$0x1] =	wrdreg $0xFFFFFFFF  }
0xa7: {  	s28 =	simm.s32 $_size_execute0_lowered;
	s2 =	sadd.s32 s2, s4;
	[dreg:$0x0] =	wrdreg $0x0  }
0xa8: {  	s4 =	sshll.u32 s28, $0x1;
	[dreg:$0x2] =	wrdreg s2  }
0xa9: {  	[dreg:$0x3] =	wrdreg s4  }
0xaa: {  	[dreg:$0x4] =	wrdreg $0xC0  }
0xab: {  	_ =	task [dreg:s6], $0x5FFFF  }
0xac: {  	[dreg:$0x1] =	wrdreg $0xFFFFFFFF  }
0xad: {  	[dreg:$0x0] =	wrdreg $0x60  }
0xae: {  	[dreg:$0x2] =	wrdreg s24  }
0xaf: {  	[dreg:$0x3] =	wrdreg $0x9  }
0xb0: {  	_ =	task.clear_ibuf [dreg:s6], $0x4FFFF;
	_ =	strace $0x90000061  }
0xb1: {  	s29 =	simm.s32 $0x9;
	_ =	strace $0x80000063  }
0xb2: {  	_ =	swait.ge [sflag:s29], $0x1  }
0xb3: {  	[sflag:s29] =	ssyncadd.s32 $0xFFFFFFFF  }
0xb4: {  	_ =	strace $0x90000063  }
0xb5: {  	_ =	sfence  }
0xb6: {  	s30 =	sld [smem:$0x0];
	_ =	sdelay $0x2  }
0xb7: {  	s31 =	sshll.u32 s1, $0xD;
	s1 =	sshrl.u32 s1, $0x2  }
0xb8: {  	s3 =	sand.u32 $0x4000, s31;
	s1 =	sadd.s32 s1, s30  }
0xb9: {  	s0 =	sor.u32 s3, s0;
	s1 =	sshll.u32 s1, $0x11  }
0xba: {  	s0 =	sor.u32 s1, s0  }
0xbb: {  	s0 =	sadd.s32 $0x8F2B, s0  }
0xbc: {  	[sflag:s0] =	ssyncadd.remote.s32 $0x1  }
0xbd: {  	_ =	sfence.sel $0xFFFF  }
0xbe: {  	[dreg:$0x0] =	wrdreg $0xFFFFFFFF;
	(pc) =	sbr.abs _section_cstart, $3  }
0xbf: {  	[dreg:$0x1] =	wrdreg $0xFFFFFFFF  }
0xc0: {  	_ =	task.clear_ibuf [dreg:s6], $0x2FFFF;
	_ =	strace $0x9FFFFFFF  }
0xc1: {  	(tm) =	ssettm $0x7FFFFFFF  }
tec
execute0_lowered:
.L_overlay_start_1:
0x0: {  	(tag) =	ssettag $0x1  }
0x1: {  	s1 =	srdreg.scid  }
0x2: {  	s0 =	stileid.u32;
	s7 =	sand.u32 $0x1, s1  }
0x3: {  	s31 =	sshll.u32 s0, $0x4;
	s2 =	sshll.u32 s7, $0x3  }
0x4: {  	s5 =	sor.u32 s2, s31  }
0x5: {  	s11 =	rddreg [dreg:$0x0];
	s2 =	simm.s32 $0x0;
	s3 =	sshrl.u32 s5, $0x3  }
0x6: {  	s4 =	simm.s32 $0x2;
	[smem:$0x7FF] =	sst s2;
	s3 =	sadd.s32 s3, s11  }
0x7: {  	s1 =	rddreg [dreg:$0x1];
	_ =	strace $0x80000062;
	s3 =	sadd.s32 $0x13A00, s3  }
0x8: {  	[tilespmem:s2], [sflag:$0x2] =	stream.linear.gather [hbm4b:s3+s2], $0x8, $0x38;
	[tilespmem:$0x2080] =	vst v63  }
0x9: {  	s5 =	sshll.u32 s5, $0x7;
	_ =	swait.ge [sflag:s4], $0x8  }
0xa: {  	s5 =	sadd.s32 s5, s11;
	[sflag:s4] =	ssyncset.done $0x0  }
0xb: {  	s6 =	simm.s32 $0x80;
	s5 =	sadd.s32 $0x3200, s5;
	[sflag:s4] =	ssyncadd.s32 $0xFFFFFFF8  }
0xc: {  	[tilespmem:s6], [sflag:$0x2] =	stream.linear.gather [hbm4b:s5+s2], $0x2000, $0x38;
	[tilespmem:$0x2080] =	vst v63  }
0xd: {  	_ =	swait.ge [sflag:s4], $0x2000  }
0xe: {  	[sflag:s4] =	ssyncset.done $0x0  }
0xf: {  	[sflag:s4] =	ssyncadd.s32 $0xFFFFE000  }
0x10: {  	v0 =	vld.msk [tilespmem:$0x0], $0xff;
	_ =	sdelay $0x4  }
0x11: {  	v1 =	vshll.u32 v0, $0x3  }
0x12: {  	v2 =	vlaneseq.u32;
	v3 =	vand.u32 $0x7, v0;
	v1 =	vand.u32 $0xFFFFFFC0, v1  }
0x13: {  	v0 =	vand.u32 $0x7, v2;
	v2 =	vshrl.u32 v2, $0x3;
	v3 =	vor.u32 v3, v1  }
0x14: {  	v1 =	vmul.u32 $0x8, v2;
	v2 =	vperm.xlane v3, v0;
	_ =	sdelay $0x1  }
0x15: {  	v2 =	vadd.s32 v1, v2;
	_ =	sdelay $0x1  }
0x16: {  	s8 =	ssub.s32 $0x2, s7  }
0x17: {  	s9 =	sshrl.u32 s8, $0x1  }
0x18: {  	vm0 =	vmmov $0xffff;
	s7 =	sadd.s32 $0x14200, s11;
	s13 =	ssub.s32 s8, s9  }
0x19: {  	[hbm4b:s7+s2] =	stream.indirect_vreg.scatter [tilespmem:s6], [sflag:$0x1], $0x80, v2, vm0, $0xb8;
	[tilespmem:$0x2080] =	vst v63  }
0x1a: {  	s8 =	sadd.s32 $0x14300, s11;
	s9 =	simm.s32 $0x880;
	s15 =	smax.u32 s13, $0x1  }
0x1b: {  	[hbm4b:s8+s2] =	stream.indirect_vreg.scatter [tilespmem:s9], [sflag:$0x1], $0x80, v2, vm0, $0xb8;
	[tilespmem:$0x2080] =	vst v63  }
0x1c: {  	s12 =	simm.s32 $0x1080;
	s10 =	sadd.s32 $0x14400, s11;
	p0 =	sne.s32 s15, $0x1  }
0x1d: {  	[hbm4b:s10+s2] =	stream.indirect_vreg.scatter [tilespmem:s12], [sflag:$0x1], $0x80, v2, vm0, $0xb8;
	[tilespmem:$0x2080] =	vst v63  }
.Ltmp0:
0x1e: {  	_ = 	snop;
	(pc) =	sbr.rel @!p0 .LBB2_2-.Ltmp0, $4  }
0x1f: {  	s14 =	simm.s32 $0x1880;
	s11 =	sadd.s32 $0x14500, s11;
	s13 =	simm.s32 $0x1  }
0x20: {  	[hbm4b:s11+s2] =	stream.indirect_vreg.scatter [tilespmem:s14], [sflag:$0x1], $0x80, v2, vm0, $0xb8;
	[tilespmem:$0x2080] =	vst v63  }
0x21: {  	_ =	swait.ge [sflag:s13], $0x2000  }
0x22: {  	s15 =	sadd.s32 $0xFFFFFFFF, s15;
	[sflag:s13] =	ssyncset.done $0x0  }
.LBB2_1:
0x23: {  	p0 =	sne.s32 s15, $0x1;
	s15 =	sadd.s32 $0xFFFFFFFF, s15;
	[sflag:s13] =	ssyncadd.s32 $0xFFFFE000  }
0x24: {  	_ = 	snop  }
0x25: {  	[tilespmem:s2], [sflag:$0x2] =	stream.linear.gather [hbm4b:s3+s2], $0x8, $0x38;
	[tilespmem:$0x2080] =	vst v63  }
0x26: {  	_ =	swait.ge [sflag:s4], $0x8  }
0x27: {  	[sflag:s4] =	ssyncset.done $0x0  }
0x28: {  	[sflag:s4] =	ssyncadd.s32 $0xFFFFFFF8  }
0x29: {  	[tilespmem:s6], [sflag:$0x2] =	stream.linear.gather [hbm4b:s5+s2], $0x2000, $0x38;
	[tilespmem:$0x2080] =	vst v63  }
0x2a: {  	_ =	swait.ge [sflag:s4], $0x2000  }
0x2b: {  	[sflag:s4] =	ssyncset.done $0x0  }
0x2c: {  	[sflag:s4] =	ssyncadd.s32 $0xFFFFE000  }
0x2d: {  	v2 =	vld.msk [tilespmem:$0x0], $0xff;
	_ =	sdelay $0x4  }
0x2e: {  	v3 =	vshll.u32 v2, $0x3  }
0x2f: {  	v2 =	vand.u32 $0x7, v2;
	v3 =	vand.u32 $0xFFFFFFC0, v3  }
0x30: {  	v2 =	vor.u32 v2, v3  }
0x31: {  	v2 =	vperm.xlane v2, v0;
	_ =	sdelay $0x1  }
0x32: {  	v2 =	vadd.s32 v1, v2;
	_ =	sdelay $0x4  }
0x33: {  	[hbm4b:s7+s2] =	stream.indirect_vreg.scatter [tilespmem:s6], [sflag:$0x1], $0x80, v2, vm0, $0xb8;
	[tilespmem:$0x2080] =	vst v63  }
0x34: {  	_ = 	snop  }
0x35: {  	[hbm4b:s8+s2] =	stream.indirect_vreg.scatter [tilespmem:s9], [sflag:$0x1], $0x80, v2, vm0, $0xb8;
	[tilespmem:$0x2080] =	vst v63  }
0x36: {  	_ = 	snop  }
0x37: {  	[hbm4b:s10+s2] =	stream.indirect_vreg.scatter [tilespmem:s12], [sflag:$0x1], $0x80, v2, vm0, $0xb8;
	[tilespmem:$0x2080] =	vst v63  }
.Ltmp1:
0x38: {  	_ = 	snop;
	(pc) =	sbr.rel @p0 .LBB2_1-.Ltmp1, $4  }
0x39: {  	_ = 	snop  }
0x3a: {  	[hbm4b:s11+s2] =	stream.indirect_vreg.scatter [tilespmem:s14], [sflag:$0x1], $0x80, v2, vm0, $0xb8;
	[tilespmem:$0x2080] =	vst v63  }
0x3b: {  	_ =	swait.ge [sflag:s13], $0x2000  }
0x3c: {  	[sflag:s13] =	ssyncset.done $0x0  }
.LBB2_2:
0x3d: {  	[sflag:s13] =	ssyncadd.s32 $0xFFFFE000  }
0x3e: {  	_ =	sfence.sel $0x180000  }
0x3f: {  	[bflag:$0x0] =	sbarrier.arrive $0xFFFF  }
0x40: {  	p0 =	sne.s32 s0, $0x0;
	_ =	strace $0x90000062  }
0x41: {  	s0 =	sadd.s32 @!p0 $0x100000, s1;
	[bflag:$0x2] =	sbarrier.arrive $0xFFFF  }
0x42: {  	[sflag:s0] =	ssyncadd.tile.s32 @!p0 $0x1;
	_ =	shalt  }
.Lfunc_end2:
_tile_overlayer_lowered:
.L_overlay_start_2:
0x43: {  	(tag) =	ssettag $0x2  }
0x44: {  	s0 =	rddreg [dreg:$0x0];
	s2 =	stileid.u32  }
0x45: {  	s1 =	rddreg [dreg:$0x1];
	p0 =	sne.s32 s2, $0x0  }
0x46: {  	s3 =	rddreg [dreg:$0x2];
	[bflag:$0x3] =	sbarrier.arrive $0xFFFF;
	s2 =	simm.s32 @!p0 $0x1C02  }
0x47: {  	[timem:s3], [sflag:s2] =	dma.local @!p0 [hbm:s0], s1  }
0x48: {  	s0 =	simm.s32 @!p0 $0x2  }
0x49: {  	_ =	swait.ge @!p0 [sflag:s0], s1  }
0x4a: {  	s1 =	ssub.s32 @!p0 $0x0, s1;
	[sflag:s0] =	ssyncset.done @!p0 $0x0  }
0x4b: {  	[sflag:s0] =	ssyncadd.s32 @!p0 s1  }
0x4c: {  	[bflag:$0x3] =	sbarrier.arrive $0xFFFF  }
0x4d: {  	_ =	shalt  }

</sc_bundles>
